<compile_context>
chip_gen: v7x
topology: tpu7x:2x2x1
jax: 0.10.2.dev20260603
libtpu: 0.0.44.dev20260713+nightly
codegen_flags: <defaults>
</compile_context>

<pallas_src>
import functools

import jax
import jax.numpy as jnp
from jax import lax
from jax.experimental import pallas as pl
from jax.experimental.pallas import tpu as pltpu
from jax.experimental.pallas import tpu_sc as plsc

N = 10000
E = 320000
D = 128
G = 64
NCLS = 10
NC, NS = 2, 16
NW = NC * NS
EB = 128
ET = E + N
S = -(-ET // (NW * EB))
S += S % 2
ECAP = NW * S * EB
DH = D // 2
EB2 = 128
NB = 2
S2 = -(-ET // (NS * EB2))
S2 += (-S2) % NB
ECAP2 = NS * S2 * EB2
ACC = 10240
RPT = ACC // NS
N2 = ACC
PR = N2 // NW
PC = 64
PB = PR // PC
BLK = 1024
C0 = float((1.0 + 1e-5) ** -0.5)



def _deg_body(dsts, degp, didx, onesb, zb, deg_sp):
    c = lax.axis_index("c")
    s = lax.axis_index("s")
    wid = c * NS + s

    def fill(i, carry):
        zb[i, pl.ds(0, 16)] = jnp.zeros((16,), jnp.float32)
        onesb[i, pl.ds(0, 16)] = jnp.ones((16,), jnp.float32)
        return carry

    lax.fori_loop(0, EB, fill, 0)
    for r in range(RPT // EB):
        pltpu.sync_copy(zb, deg_sp.at[pl.ds(s * RPT + r * EB, EB)])
    plsc.subcore_barrier()
    pltpu.sync_copy(dsts.at[wid], didx)

    def body(j, carry):
        pltpu.sync_copy(onesb, deg_sp.at[didx.at[j]], add=True)
        return carry

    lax.fori_loop(0, S, body, 0)
    plsc.subcore_barrier()
    for r in range(RPT // EB):
        pltpu.sync_copy(deg_sp.at[pl.ds(s * RPT + r * EB, EB)],
                        degp.at[c, pl.ds(s * RPT + r * EB, EB)])


def _spmm_body(srcs, dsts, hw, outp, sidx, didx,
               buf0, buf1, acc_sp, sem0, sem1):
    c = lax.axis_index("c")
    s = lax.axis_index("s")
    bufs = (buf0, buf1)
    sems = (sem0, sem1)

    def zfill(i, carry):
        for k in range(DH // 16):
            buf0[i, pl.ds(k * 16, 16)] = jnp.zeros((16,), jnp.float32)
        return carry

    lax.fori_loop(0, EB2, zfill, 0)
    for r in range(RPT // EB2):
        pltpu.sync_copy(buf0, acc_sp.at[pl.ds(s * RPT + r * EB2, EB2)])
    plsc.subcore_barrier()
    pltpu.sync_copy(srcs.at[s], sidx)
    pltpu.sync_copy(dsts.at[s], didx)

    for b in range(NB):
        pltpu.async_copy(hw.at[c].at[sidx.at[b]], bufs[b], sems[b])

    def body(i, carry):
        j = NB * i
        for b in range(NB):
            pltpu.make_async_copy(hw.at[c].at[sidx.at[j + b]],
                                  bufs[b], sems[b]).wait()
            pltpu.sync_copy(bufs[b], acc_sp.at[didx.at[j + b]], add=True)
            pltpu.async_copy(hw.at[c].at[sidx.at[j + b + NB]],
                             bufs[b], sems[b])
        return carry

    lax.fori_loop(0, S2 // NB, body, 0)
    for b in range(NB):
        pltpu.make_async_copy(hw.at[c].at[sidx.at[0]], bufs[b], sems[b]).wait()
    plsc.subcore_barrier()
    pltpu.sync_copy(acc_sp.at[pl.ds(s * RPT, RPT)],
                    outp.at[c, pl.ds(s * RPT, RPT)])


def _pool_body(bidx_h, h3, outs, bidx, hbuf, zb, sums_sp, sem):
    c = lax.axis_index("c")
    s = lax.axis_index("s")
    wid = c * NS + s

    def zfill(i, carry):
        for k in range(8):
            zb[i, pl.ds(k * 16, 16)] = jnp.zeros((16,), jnp.float32)
        return carry

    lax.fori_loop(0, 8, zfill, 0)
    pltpu.sync_copy(zb, sums_sp.at[pl.ds(s * 8, 8)])
    plsc.subcore_barrier()
    pltpu.sync_copy(bidx_h.at[wid], bidx)
    pltpu.async_copy(h3.at[pl.ds(wid * PR, PR)], hbuf, sem).wait()
    for k in range(PB):
        pltpu.sync_copy(hbuf.at[pl.ds(k * PC, PC)],
                        sums_sp.at[bidx.at[k]], add=True)
    plsc.subcore_barrier()

    @pl.when(s == 0)
    def _():
        pltpu.sync_copy(sums_sp, outs.at[c])



def _first_body(x_ref, degp_ref, w_ref, b_ref, dinv_ref, hw_ref):
    deg = degp_ref[0, :, 0:1] + degp_ref[1, :, 0:1]
    dinv = jnp.where(deg > 0, lax.rsqrt(jnp.maximum(deg, 1e-30)), 0.0)
    dinvb = jnp.broadcast_to(dinv, (BLK, D))
    dinv_ref[...] = dinvb
    hw = jnp.dot(x_ref[...], w_ref[...], preferred_element_type=jnp.float32)
    hw = (hw + b_ref[...]) * dinvb
    hw_ref[0] = hw[:, :DH]
    hw_ref[1] = hw[:, DH:]


def _mid_body(p_ref, prev_ref, dinv_ref, g_ref, bt_ref, w_ref, b_ref,
              hn_ref, hw_ref):
    dinv = dinv_ref[...]
    sv = jnp.concatenate([p_ref[0], p_ref[1]], axis=-1) * dinv
    hn = jnp.maximum(g_ref[...] * C0 * sv + bt_ref[...], 0.0) + prev_ref[...]
    hn_ref[...] = hn
    hw = jnp.dot(hn, w_ref[...], preferred_element_type=jnp.float32)
    hw = (hw + b_ref[...]) * dinv
    hw_ref[0] = hw[:, :DH]
    hw_ref[1] = hw[:, DH:]


def _last_body(p_ref, prev_ref, dinv_ref, g_ref, bt_ref, hn_ref):
    sv = jnp.concatenate([p_ref[0], p_ref[1]], axis=-1) * dinv_ref[...]
    hn_ref[...] = (jnp.maximum(g_ref[...] * C0 * sv + bt_ref[...], 0.0)
                   + prev_ref[...])


def _head_body(sums_ref, batch_ref, wc_ref, bc_ref, out_ref):
    sv = sums_ref[0] + sums_ref[1]
    gid = lax.broadcasted_iota(jnp.int32, (128, 1), 0)
    cv = jnp.sum((batch_ref[...] == gid).astype(jnp.float32), axis=1,
                 keepdims=True)
    emb = sv / jnp.maximum(cv, 1.0)
    out_ref[...] = (jnp.dot(emb, wc_ref[...], preferred_element_type=jnp.float32)
                    + bc_ref[...])



def _f32(shape):
    return jax.ShapeDtypeStruct(shape, jnp.float32)


@functools.lru_cache(maxsize=None)
def _build():
    mesh = plsc.VectorSubcoreMesh(core_axis_name="c", subcore_axis_name="s")

    deg_k = functools.partial(
        pl.kernel, _deg_body,
        out_type=_f32((NC, ACC, 16)),
        mesh=mesh,
        compiler_params=pltpu.CompilerParams(use_tc_tiling_on_sc=False),
        scratch_types=[
            pltpu.VMEM((S, EB), jnp.int32),
            pltpu.VMEM((EB, 16), jnp.float32),
            pltpu.VMEM((EB, 16), jnp.float32),
            pltpu.VMEM_SHARED((ACC, 16), jnp.float32),
        ],
    )()

    spmm_k = functools.partial(
        pl.kernel, _spmm_body,
        out_type=_f32((NC, ACC, DH)),
        mesh=mesh,
        compiler_params=pltpu.CompilerParams(use_tc_tiling_on_sc=False),
        scratch_types=[
            pltpu.VMEM((S2 + NB, EB2), jnp.int32),
            pltpu.VMEM((S2, EB2), jnp.int32),
            pltpu.VMEM((EB2, DH), jnp.float32),
            pltpu.VMEM((EB2, DH), jnp.float32),
            pltpu.VMEM_SHARED((ACC, DH), jnp.float32),
            pltpu.SemaphoreType.DMA,
            pltpu.SemaphoreType.DMA,
        ],
    )()

    pool_k = functools.partial(
        pl.kernel, _pool_body,
        out_type=_f32((NC, 128, D)),
        mesh=mesh,
        compiler_params=pltpu.CompilerParams(use_tc_tiling_on_sc=False),
        scratch_types=[
            pltpu.VMEM((PB, PC), jnp.int32),
            pltpu.VMEM((PR, D), jnp.float32),
            pltpu.VMEM((8, D), jnp.float32),
            pltpu.VMEM_SHARED((128, D), jnp.float32),
            pltpu.SemaphoreType.DMA,
        ],
    )()

    grid = (N2 // BLK,)
    vec_spec = pl.BlockSpec((1, D), lambda j: (0, 0))
    row_spec = pl.BlockSpec((BLK, D), lambda j: (j, 0))
    mat_spec = pl.BlockSpec((D, D), lambda j: (0, 0))
    p_spec = pl.BlockSpec((NC, BLK, DH), lambda j: (0, j, 0))
    hw_spec = pl.BlockSpec((NC, BLK, DH), lambda j: (0, j, 0))
    hw_shape = _f32((NC, N2, DH))

    first_k = pl.pallas_call(
        _first_body,
        grid=grid,
        in_specs=[row_spec,
                  pl.BlockSpec((NC, BLK, 16), lambda j: (0, j, 0)),
                  mat_spec, vec_spec],
        out_specs=[row_spec, hw_spec],
        out_shape=[_f32((N2, D)), hw_shape],
    )

    mid_k = pl.pallas_call(
        _mid_body,
        grid=grid,
        in_specs=[p_spec, row_spec, row_spec, vec_spec, vec_spec,
                  mat_spec, vec_spec],
        out_specs=[row_spec, hw_spec],
        out_shape=[_f32((N2, D)), hw_shape],
    )

    last_k = pl.pallas_call(
        _last_body,
        grid=grid,
        in_specs=[p_spec, row_spec, row_spec, vec_spec, vec_spec],
        out_specs=row_spec,
        out_shape=_f32((N2, D)),
    )

    head_k = pl.pallas_call(
        _head_body,
        in_specs=[pl.BlockSpec((NC, 128, D), lambda: (0, 0, 0)),
                  pl.BlockSpec((1, N2), lambda: (0, 0)),
                  pl.BlockSpec((D, D), lambda: (0, 0)),
                  pl.BlockSpec((1, D), lambda: (0, 0))],
        out_specs=pl.BlockSpec((128, D), lambda: (0, 0)),
        out_shape=_f32((128, D)),
    )

    return deg_k, spmm_k, pool_k, first_k, mid_k, last_k, head_k


def kernel(x, edge_index, batch, W1, b1, g1, bt1, W2, b2, g2, bt2,
           W3, b3, g3, bt3, Wc, bc):
    deg_k, spmm_k, pool_k, first_k, mid_k, last_k, head_k = _build()

    loop = jnp.arange(N, dtype=jnp.int32)
    src = jnp.concatenate([edge_index[0], loop])
    dst = jnp.concatenate([edge_index[1], loop])
    dsts = jnp.pad(dst, (0, ECAP - ET),
                   constant_values=N).reshape(NW, S, EB)
    srcs2 = jnp.pad(src, (0, ECAP2 - ET)).reshape(NS, S2, EB2)
    srcs2 = jnp.concatenate(
        [srcs2, jnp.zeros((NS, NB, EB2), jnp.int32)], axis=1)
    dsts2 = jnp.pad(dst, (0, ECAP2 - ET),
                    constant_values=N).reshape(NS, S2, EB2)

    degp = deg_k(dsts)

    b1r = b1.reshape(1, D)
    xp = jnp.pad(x, ((0, N2 - N), (0, 0)))
    dinvf, hw = first_k(xp, degp, W1, b1r)

    p = spmm_k(srcs2, dsts2, hw)
    h1, hw = mid_k(p, xp, dinvf, g1.reshape(1, D), bt1.reshape(1, D),
                   W2, b2.reshape(1, D))
    p = spmm_k(srcs2, dsts2, hw)
    h2, hw = mid_k(p, h1, dinvf, g2.reshape(1, D), bt2.reshape(1, D),
                   W3, b3.reshape(1, D))
    p = spmm_k(srcs2, dsts2, hw)
    h3 = last_k(p, h2, dinvf, g3.reshape(1, D), bt3.reshape(1, D))

    bpad = jnp.pad(batch, (0, N2 - N), constant_values=G)
    sums = pool_k(bpad.reshape(NW, PB, PC), h3)

    wcp = jnp.pad(Wc, ((0, 0), (0, D - NCLS)))
    bcp = jnp.pad(bc, (0, D - NCLS)).reshape(1, D)
    logits = head_k(sums, bpad.reshape(1, N2), wcp, bcp)
    return logits[:G, :NCLS]

# --- scband reference (transcript-rebuilt; emitter-appended) ---
"""Pipeline reference for scband-graph-classifier-62199716380747 (READ-ONLY COPY).

The authoritative reference and input builder live on the scoring server;
editing this copy changes nothing except your own understanding.
"""

import jax, jax.numpy as jnp
import numpy as np

N_NODES = 10000
N_EDGES = 320000
D_FEAT = 128
HID = 128
N_CLASSES = 10
N_GRAPHS = 64


def setup_inputs(seed: int = 0) -> dict:
    key = jax.random.key(seed)
    ks = jax.random.split(key, 20)
    x = jax.random.normal(ks[0], (N_NODES, D_FEAT), dtype=jnp.float32)
    edge_index = jax.random.randint(ks[1], (2, N_EDGES), 0, N_NODES).astype(jnp.int32)
    batch = jnp.sort(jax.random.randint(ks[2], (N_NODES,), 0, N_GRAPHS)).astype(jnp.int32)
    s = 0.05
    W1 = jax.random.normal(ks[3], (D_FEAT, HID), jnp.float32) * s
    b1 = jnp.zeros((HID,), jnp.float32)
    g1 = jnp.ones((HID,), jnp.float32)
    bt1 = jnp.zeros((HID,), jnp.float32)
    W2 = jax.random.normal(ks[4], (HID, HID), jnp.float32) * s
    b2 = jnp.zeros((HID,), jnp.float32)
    g2 = jnp.ones((HID,), jnp.float32)
    bt2 = jnp.zeros((HID,), jnp.float32)
    W3 = jax.random.normal(ks[5], (HID, HID), jnp.float32) * s
    b3 = jnp.zeros((HID,), jnp.float32)
    g3 = jnp.ones((HID,), jnp.float32)
    bt3 = jnp.zeros((HID,), jnp.float32)
    Wc = jax.random.normal(ks[6], (HID, N_CLASSES), jnp.float32) * s
    bc = jnp.zeros((N_CLASSES,), jnp.float32)
    return {"x": x, "edge_index": edge_index, "batch": batch,
            "W1": W1, "b1": b1, "g1": g1, "bt1": bt1,
            "W2": W2, "b2": b2, "g2": g2, "bt2": bt2,
            "W3": W3, "b3": b3, "g3": g3, "bt3": bt3,
            "Wc": Wc, "bc": bc}


def _bn_eval(h, gamma, beta):
    # eval-mode BatchNorm1d with running_mean=0, running_var=1
    return gamma * h / jnp.sqrt(1.0 + 1e-5) + beta


def _gcn_conv(h, W, b, src, dst, norm):
    hw = h @ W + b
    msg = hw[src] * norm[:, None]
    return jax.ops.segment_sum(msg, dst, num_segments=N_NODES)


def reference(x, edge_index, batch, W1, b1, g1, bt1, W2, b2, g2, bt2, W3, b3, g3, bt3, Wc, bc):
    # add self loops (PyG GCNConv default)
    loop = jnp.arange(N_NODES, dtype=edge_index.dtype)
    src = jnp.concatenate([edge_index[0], loop])
    dst = jnp.concatenate([edge_index[1], loop])
    deg = jax.ops.segment_sum(jnp.ones_like(dst, dtype=jnp.float32), dst, num_segments=N_NODES)
    dinv = jnp.where(deg > 0, deg ** -0.5, 0.0)
    norm = dinv[src] * dinv[dst]

    # layer 1 (in -> hidden), BN, relu, residual (dims match since D_FEAT == HID)
    h = _gcn_conv(x, W1, b1, src, dst, norm)
    h = jax.nn.relu(_bn_eval(h, g1, bt1)) + x
    # layer 2
    h2 = _gcn_conv(h, W2, b2, src, dst, norm)
    h = jax.nn.relu(_bn_eval(h2, g2, bt2)) + h
    # layer 3
    h3 = _gcn_conv(h, W3, b3, src, dst, norm)
    h = jax.nn.relu(_bn_eval(h3, g3, bt3)) + h

    # global mean pool over batch ids
    sums = jax.ops.segment_sum(h, batch, num_segments=N_GRAPHS)
    counts = jax.ops.segment_sum(jnp.ones((N_NODES,), jnp.float32), batch, num_segments=N_GRAPHS)
    graph_emb = sums / jnp.maximum(counts, 1.0)[:, None]

    # classifier (single Linear, dropout is a no-op in eval)
    logits = graph_emb @ Wc + bc
    return logits

if __name__ == "__main__":
    import jax
    _d = setup_inputs()
    print(jax.jit(kernel)(*tuple(_d.values())))

</pallas_src>

<mosaic_0001>
#map = affine_map<(d0, d1) -> (0, 0, 0)>
module attributes {stable_mosaic.version = 14 : i64} {
  func.func @_spmm_body(%arg0: i32, %arg1: i32, %arg2: memref<16x164x128xi32, #tpu.memory_space<hbm>>, %arg3: memref<16x162x128xi32, #tpu.memory_space<hbm>>, %arg4: memref<2x10240x64xf32, #tpu.memory_space<hbm>>, %arg5: memref<2x10240x64xf32, #tpu.memory_space<hbm>>, %arg6: memref<164x128xi32, #tpu.memory_space<vmem>>, %arg7: memref<162x128xi32, #tpu.memory_space<vmem>>, %arg8: memref<128x64xf32, #tpu.memory_space<vmem>>, %arg9: memref<128x64xf32, #tpu.memory_space<vmem>>, %arg10: memref<10240x64xf32, #tpu.memory_space<vmem_shared>>, %arg11: memref<!tpu.dma_semaphore, #tpu.memory_space<semaphore_mem>>, %arg12: memref<!tpu.dma_semaphore, #tpu.memory_space<semaphore_mem>>) attributes {dimension_semantics = [#tpu.dimension_semantics<core_parallel>, #tpu.dimension_semantics<subcore_parallel>], iteration_bounds = array<i64: 2, 16>, scalar_prefetch = 0 : i64, scratch_operands = 7 : i64, tpu.core_type = #tpu.core_type<sc_vector_subcore>, window_params = [{transform_indices = #map}, {transform_indices = #map}, {transform_indices = #map}, {transform_indices = #map}]} {
    %scan3A = arith.constant 0 : i32
    %scan3A_0 = arith.constant 0 : i32
    %scan3A_1 = arith.constant 128 : i32
    %scan3A_2 = arith.addi %scan3A_0, %scan3A_1 : i32
    %scan3A_3 = arith.constant 1 : i32
    scf.for %scan3A_76 = %scan3A_0 to %scan3A_2 step %scan3A_3  : i32 {
      %broadcast_in_dim3A = arith.constant 0.000000e+00 : f32
      %broadcast_in_dim3A_77 = vector.broadcast %broadcast_in_dim3A : f32 to vector<16xf32>
      %swap3A = arith.index_cast %scan3A_76 : i32 to index
      %swap3A_78 = arith.constant 0 : index
      %swap3A_79 = tpu.vector_load %arg8[%swap3A, %swap3A_78] {strides = array<i32>} : memref<128x64xf32, #tpu.memory_space<vmem>>, vector<1x16xf32>,
      %swap3A_80 = vector.shape_cast %swap3A_79 : vector<1x16xf32> to vector<16xf32>
      %swap3A_81 = vector.shape_cast %broadcast_in_dim3A_77 : vector<16xf32> to vector<1x16xf32>
      tpu.vector_store %arg8[%swap3A, %swap3A_78], %swap3A_81 {strides = array<i32>} : memref<128x64xf32, #tpu.memory_space<vmem>>, vector<1x16xf32>,
      %broadcast_in_dim3A_82 = arith.constant 0.000000e+00 : f32
      %broadcast_in_dim3A_83 = vector.broadcast %broadcast_in_dim3A_82 : f32 to vector<16xf32>
      %swap3A_84 = arith.index_cast %scan3A_76 : i32 to index
      %swap3A_85 = arith.constant 16 : index
      %swap3A_86 = tpu.vector_load %arg8[%swap3A_84, %swap3A_85] {strides = array<i32>} : memref<128x64xf32, #tpu.memory_space<vmem>>, vector<1x16xf32>,
      %swap3A_87 = vector.shape_cast %swap3A_86 : vector<1x16xf32> to vector<16xf32>
      %swap3A_88 = vector.shape_cast %broadcast_in_dim3A_83 : vector<16xf32> to vector<1x16xf32>
      tpu.vector_store %arg8[%swap3A_84, %swap3A_85], %swap3A_88 {strides = array<i32>} : memref<128x64xf32, #tpu.memory_space<vmem>>, vector<1x16xf32>,
      %broadcast_in_dim3A_89 = arith.constant 0.000000e+00 : f32
      %broadcast_in_dim3A_90 = vector.broadcast %broadcast_in_dim3A_89 : f32 to vector<16xf32>
      %swap3A_91 = arith.index_cast %scan3A_76 : i32 to index
      %swap3A_92 = arith.constant 32 : index
      %swap3A_93 = tpu.vector_load %arg8[%swap3A_91, %swap3A_92] {strides = array<i32>} : memref<128x64xf32, #tpu.memory_space<vmem>>, vector<1x16xf32>,
      %swap3A_94 = vector.shape_cast %swap3A_93 : vector<1x16xf32> to vector<16xf32>
      %swap3A_95 = vector.shape_cast %broadcast_in_dim3A_90 : vector<16xf32> to vector<1x16xf32>
      tpu.vector_store %arg8[%swap3A_91, %swap3A_92], %swap3A_95 {strides = array<i32>} : memref<128x64xf32, #tpu.memory_space<vmem>>, vector<1x16xf32>,
      %broadcast_in_dim3A_96 = arith.constant 0.000000e+00 : f32
      %broadcast_in_dim3A_97 = vector.broadcast %broadcast_in_dim3A_96 : f32 to vector<16xf32>
      %swap3A_98 = arith.index_cast %scan3A_76 : i32 to index
      %swap3A_99 = arith.constant 48 : index
      %swap3A_100 = tpu.vector_load %arg8[%swap3A_98, %swap3A_99] {strides = array<i32>} : memref<128x64xf32, #tpu.memory_space<vmem>>, vector<1x16xf32>,
      %swap3A_101 = vector.shape_cast %swap3A_100 : vector<1x16xf32> to vector<16xf32>
      %swap3A_102 = vector.shape_cast %broadcast_in_dim3A_97 : vector<16xf32> to vector<1x16xf32>
      tpu.vector_store %arg8[%swap3A_98, %swap3A_99], %swap3A_102 {strides = array<i32>} : memref<128x64xf32, #tpu.memory_space<vmem>>, vector<1x16xf32>,
    }
    %scan3A_4 = arith.constant 128 : i32
    %mul3A = arith.constant 640 : i32
    %mul3A_5 = arith.muli %arg1, %mul3A : i32
    %add3A = arith.constant 0 : i32
    %add3A_6 = arith.addi %mul3A_5, %add3A : i32
    "tpu.region"() ({
      %run_scoped3A = tpu.sem_alloc : memref<!tpu.dma_semaphore, #tpu.memory_space<semaphore_mem>>
      %dma_start3A_76 = arith.constant 0 : i32
      %dma_start3A_77 = tpu.memref_slice %arg10[%add3A_6, %dma_start3A_76] : memref<10240x64xf32, #tpu.memory_space<vmem_shared>> -> memref<128x64xf32, #tpu.memory_space<vmem_shared>>
      %dma_start3A_78 = arith.constant 0 : i32
      %dma_start3A_79 = tpu.memref_slice %arg10[%add3A_6, %dma_start3A_78] : memref<10240x64xf32, #tpu.memory_space<vmem_shared>> -> memref<128x64xf32, #tpu.memory_space<vmem_shared>>
      tpu.enqueue_dma source(%arg8 : memref<128x64xf32, #tpu.memory_space<vmem>>) target(%dma_start3A_79 : memref<128x64xf32, #tpu.memory_space<vmem_shared>>) target_semaphore(%run_scoped3A : memref<!tpu.dma_semaphore, #tpu.memory_space<semaphore_mem>>)
      %dma_wait3A_80 = arith.constant 0 : i32
      %dma_wait3A_81 = tpu.memref_slice %arg10[%add3A_6, %dma_wait3A_80] : memref<10240x64xf32, #tpu.memory_space<vmem_shared>> -> memref<128x64xf32, #tpu.memory_space<vmem_shared>>
      %dma_wait3A_82 = arith.constant 0 : i32
      %dma_wait3A_83 = tpu.memref_slice %arg10[%add3A_6, %dma_wait3A_82] : memref<10240x64xf32, #tpu.memory_space<vmem_shared>> -> memref<128x64xf32, #tpu.memory_space<vmem_shared>>
      tpu.wait_dma2 semaphore(%run_scoped3A : memref<!tpu.dma_semaphore, #tpu.memory_space<semaphore_mem>>) src(%arg8 : memref<128x64xf32, #tpu.memory_space<vmem>>) dst(%dma_wait3A_83 : memref<128x64xf32, #tpu.memory_space<vmem_shared>>)
      tpu.yield
    }) : () -> ()
    %mul3A_7 = arith.constant 640 : i32
    %mul3A_8 = arith.muli %arg1, %mul3A_7 : i32
    %add3A_9 = arith.constant 128 : i32
    %add3A_10 = arith.addi %mul3A_8, %add3A_9 : i32
    "tpu.region"() ({
      %run_scoped3A = tpu.sem_alloc : memref<!tpu.dma_semaphore, #tpu.memory_space<semaphore_mem>>
      %dma_start3A_76 = arith.constant 0 : i32
      %dma_start3A_77 = tpu.memref_slice %arg10[%add3A_10, %dma_start3A_76] : memref<10240x64xf32, #tpu.memory_space<vmem_shared>> -> memref<128x64xf32, #tpu.memory_space<vmem_shared>>
      %dma_start3A_78 = arith.constant 0 : i32
      %dma_start3A_79 = tpu.memref_slice %arg10[%add3A_10, %dma_start3A_78] : memref<10240x64xf32, #tpu.memory_space<vmem_shared>> -> memref<128x64xf32, #tpu.memory_space<vmem_shared>>
      tpu.enqueue_dma source(%arg8 : memref<128x64xf32, #tpu.memory_space<vmem>>) target(%dma_start3A_79 : memref<128x64xf32, #tpu.memory_space<vmem_shared>>) target_semaphore(%run_scoped3A : memref<!tpu.dma_semaphore, #tpu.memory_space<semaphore_mem>>)
      %dma_wait3A_80 = arith.constant 0 : i32
      %dma_wait3A_81 = tpu.memref_slice %arg10[%add3A_10, %dma_wait3A_80] : memref<10240x64xf32, #tpu.memory_space<vmem_shared>> -> memref<128x64xf32, #tpu.memory_space<vmem_shared>>
      %dma_wait3A_82 = arith.constant 0 : i32
      %dma_wait3A_83 = tpu.memref_slice %arg10[%add3A_10, %dma_wait3A_82] : memref<10240x64xf32, #tpu.memory_space<vmem_shared>> -> memref<128x64xf32, #tpu.memory_space<vmem_shared>>
      tpu.wait_dma2 semaphore(%run_scoped3A : memref<!tpu.dma_semaphore, #tpu.memory_space<semaphore_mem>>) src(%arg8 : memref<128x64xf32, #tpu.memory_space<vmem>>) dst(%dma_wait3A_83 : memref<128x64xf32, #tpu.memory_space<vmem_shared>>)
      tpu.yield
    }) : () -> ()
    %mul3A_11 = arith.constant 640 : i32
    %mul3A_12 = arith.muli %arg1, %mul3A_11 : i32
    %add3A_13 = arith.constant 256 : i32
    %add3A_14 = arith.addi %mul3A_12, %add3A_13 : i32
    "tpu.region"() ({
      %run_scoped3A = tpu.sem_alloc : memref<!tpu.dma_semaphore, #tpu.memory_space<semaphore_mem>>
      %dma_start3A_76 = arith.constant 0 : i32
      %dma_start3A_77 = tpu.memref_slice %arg10[%add3A_14, %dma_start3A_76] : memref<10240x64xf32, #tpu.memory_space<vmem_shared>> -> memref<128x64xf32, #tpu.memory_space<vmem_shared>>
      %dma_start3A_78 = arith.constant 0 : i32
      %dma_start3A_79 = tpu.memref_slice %arg10[%add3A_14, %dma_start3A_78] : memref<10240x64xf32, #tpu.memory_space<vmem_shared>> -> memref<128x64xf32, #tpu.memory_space<vmem_shared>>
      tpu.enqueue_dma source(%arg8 : memref<128x64xf32, #tpu.memory_space<vmem>>) target(%dma_start3A_79 : memref<128x64xf32, #tpu.memory_space<vmem_shared>>) target_semaphore(%run_scoped3A : memref<!tpu.dma_semaphore, #tpu.memory_space<semaphore_mem>>)
      %dma_wait3A_80 = arith.constant 0 : i32
      %dma_wait3A_81 = tpu.memref_slice %arg10[%add3A_14, %dma_wait3A_80] : memref<10240x64xf32, #tpu.memory_space<vmem_shared>> -> memref<128x64xf32, #tpu.memory_space<vmem_shared>>
      %dma_wait3A_82 = arith.constant 0 : i32
      %dma_wait3A_83 = tpu.memref_slice %arg10[%add3A_14, %dma_wait3A_82] : memref<10240x64xf32, #tpu.memory_space<vmem_shared>> -> memref<128x64xf32, #tpu.memory_space<vmem_shared>>
      tpu.wait_dma2 semaphore(%run_scoped3A : memref<!tpu.dma_semaphore, #tpu.memory_space<semaphore_mem>>) src(%arg8 : memref<128x64xf32, #tpu.memory_space<vmem>>) dst(%dma_wait3A_83 : memref<128x64xf32, #tpu.memory_space<vmem_shared>>)
      tpu.yield
    }) : () -> ()
    %mul3A_15 = arith.constant 640 : i32
    %mul3A_16 = arith.muli %arg1, %mul3A_15 : i32
    %add3A_17 = arith.constant 384 : i32
    %add3A_18 = arith.addi %mul3A_16, %add3A_17 : i32
    "tpu.region"() ({
      %run_scoped3A = tpu.sem_alloc : memref<!tpu.dma_semaphore, #tpu.memory_space<semaphore_mem>>
      %dma_start3A_76 = arith.constant 0 : i32
      %dma_start3A_77 = tpu.memref_slice %arg10[%add3A_18, %dma_start3A_76] : memref<10240x64xf32, #tpu.memory_space<vmem_shared>> -> memref<128x64xf32, #tpu.memory_space<vmem_shared>>
      %dma_start3A_78 = arith.constant 0 : i32
      %dma_start3A_79 = tpu.memref_slice %arg10[%add3A_18, %dma_start3A_78] : memref<10240x64xf32, #tpu.memory_space<vmem_shared>> -> memref<128x64xf32, #tpu.memory_space<vmem_shared>>
      tpu.enqueue_dma source(%arg8 : memref<128x64xf32, #tpu.memory_space<vmem>>) target(%dma_start3A_79 : memref<128x64xf32, #tpu.memory_space<vmem_shared>>) target_semaphore(%run_scoped3A : memref<!tpu.dma_semaphore, #tpu.memory_space<semaphore_mem>>)
      %dma_wait3A_80 = arith.constant 0 : i32
      %dma_wait3A_81 = tpu.memref_slice %arg10[%add3A_18, %dma_wait3A_80] : memref<10240x64xf32, #tpu.memory_space<vmem_shared>> -> memref<128x64xf32, #tpu.memory_space<vmem_shared>>
      %dma_wait3A_82 = arith.constant 0 : i32
      %dma_wait3A_83 = tpu.memref_slice %arg10[%add3A_18, %dma_wait3A_82] : memref<10240x64xf32, #tpu.memory_space<vmem_shared>> -> memref<128x64xf32, #tpu.memory_space<vmem_shared>>
      tpu.wait_dma2 semaphore(%run_scoped3A : memref<!tpu.dma_semaphore, #tpu.memory_space<semaphore_mem>>) src(%arg8 : memref<128x64xf32, #tpu.memory_space<vmem>>) dst(%dma_wait3A_83 : memref<128x64xf32, #tpu.memory_space<vmem_shared>>)
      tpu.yield
    }) : () -> ()
    %mul3A_19 = arith.constant 640 : i32
    %mul3A_20 = arith.muli %arg1, %mul3A_19 : i32
    %add3A_21 = arith.constant 512 : i32
    %add3A_22 = arith.addi %mul3A_20, %add3A_21 : i32
    "tpu.region"() ({
      %run_scoped3A = tpu.sem_alloc : memref<!tpu.dma_semaphore, #tpu.memory_space<semaphore_mem>>
      %dma_start3A_76 = arith.constant 0 : i32
      %dma_start3A_77 = tpu.memref_slice %arg10[%add3A_22, %dma_start3A_76] : memref<10240x64xf32, #tpu.memory_space<vmem_shared>> -> memref<128x64xf32, #tpu.memory_space<vmem_shared>>
      %dma_start3A_78 = arith.constant 0 : i32
      %dma_start3A_79 = tpu.memref_slice %arg10[%add3A_22, %dma_start3A_78] : memref<10240x64xf32, #tpu.memory_space<vmem_shared>> -> memref<128x64xf32, #tpu.memory_space<vmem_shared>>
      tpu.enqueue_dma source(%arg8 : memref<128x64xf32, #tpu.memory_space<vmem>>) target(%dma_start3A_79 : memref<128x64xf32, #tpu.memory_space<vmem_shared>>) target_semaphore(%run_scoped3A : memref<!tpu.dma_semaphore, #tpu.memory_space<semaphore_mem>>)
      %dma_wait3A_80 = arith.constant 0 : i32
      %dma_wait3A_81 = tpu.memref_slice %arg10[%add3A_22, %dma_wait3A_80] : memref<10240x64xf32, #tpu.memory_space<vmem_shared>> -> memref<128x64xf32, #tpu.memory_space<vmem_shared>>
      %dma_wait3A_82 = arith.constant 0 : i32
      %dma_wait3A_83 = tpu.memref_slice %arg10[%add3A_22, %dma_wait3A_82] : memref<10240x64xf32, #tpu.memory_space<vmem_shared>> -> memref<128x64xf32, #tpu.memory_space<vmem_shared>>
      tpu.wait_dma2 semaphore(%run_scoped3A : memref<!tpu.dma_semaphore, #tpu.memory_space<semaphore_mem>>) src(%arg8 : memref<128x64xf32, #tpu.memory_space<vmem>>) dst(%dma_wait3A_83 : memref<128x64xf32, #tpu.memory_space<vmem_shared>>)
      tpu.yield
    }) : () -> ()
    %barrier3A = arith.constant 0 : index
    tpu.barrier barrier_id(%barrier3A)
    "tpu.region"() ({
      %run_scoped3A = tpu.sem_alloc : memref<!tpu.dma_semaphore, #tpu.memory_space<semaphore_mem>>
      %dma_start3A_76 = arith.constant 0 : i32
      %dma_start3A_77 = arith.constant 0 : i32
      %dma_start3A_78 = tpu.memref_slice %arg2[%arg1, %dma_start3A_76, %dma_start3A_77] : memref<16x164x128xi32, #tpu.memory_space<hbm>> -> memref<1x164x128xi32, #tpu.memory_space<hbm>>
      %dma_start3A_79 = tpu.memref_squeeze %dma_start3A_78 : memref<1x164x128xi32, #tpu.memory_space<hbm>> -> memref<164x128xi32, #tpu.memory_space<hbm>>
      %dma_start3A_80 = arith.constant 0 : i32
      %dma_start3A_81 = arith.constant 0 : i32
      %dma_start3A_82 = tpu.memref_slice %arg2[%arg1, %dma_start3A_80, %dma_start3A_81] : memref<16x164x128xi32, #tpu.memory_space<hbm>> -> memref<1x164x128xi32, #tpu.memory_space<hbm>>
      %dma_start3A_83 = tpu.memref_squeeze %dma_start3A_82 : memref<1x164x128xi32, #tpu.memory_space<hbm>> -> memref<164x128xi32, #tpu.memory_space<hbm>>
      tpu.enqueue_dma source(%dma_start3A_83 : memref<164x128xi32, #tpu.memory_space<hbm>>) target(%arg6 : memref<164x128xi32, #tpu.memory_space<vmem>>) target_semaphore(%run_scoped3A : memref<!tpu.dma_semaphore, #tpu.memory_space<semaphore_mem>>)
      %dma_wait3A_84 = arith.constant 0 : i32
      %dma_wait3A_85 = arith.constant 0 : i32
      %dma_wait3A_86 = tpu.memref_slice %arg2[%arg1, %dma_wait3A_84, %dma_wait3A_85] : memref<16x164x128xi32, #tpu.memory_space<hbm>> -> memref<1x164x128xi32, #tpu.memory_space<hbm>>
      %dma_wait3A_87 = tpu.memref_squeeze %dma_wait3A_86 : memref<1x164x128xi32, #tpu.memory_space<hbm>> -> memref<164x128xi32, #tpu.memory_space<hbm>>
      %dma_wait3A_88 = arith.constant 0 : i32
      %dma_wait3A_89 = arith.constant 0 : i32
      %dma_wait3A_90 = tpu.memref_slice %arg2[%arg1, %dma_wait3A_88, %dma_wait3A_89] : memref<16x164x128xi32, #tpu.memory_space<hbm>> -> memref<1x164x128xi32, #tpu.memory_space<hbm>>
      %dma_wait3A_91 = tpu.memref_squeeze %dma_wait3A_90 : memref<1x164x128xi32, #tpu.memory_space<hbm>> -> memref<164x128xi32, #tpu.memory_space<hbm>>
      tpu.wait_dma2 semaphore(%run_scoped3A : memref<!tpu.dma_semaphore, #tpu.memory_space<semaphore_mem>>) src(%dma_wait3A_91 : memref<164x128xi32, #tpu.memory_space<hbm>>) dst(%arg6 : memref<164x128xi32, #tpu.memory_space<vmem>>)
      tpu.yield
    }) : () -> ()
    "tpu.region"() ({
      %run_scoped3A = tpu.sem_alloc : memref<!tpu.dma_semaphore, #tpu.memory_space<semaphore_mem>>
      %dma_start3A_76 = arith.constant 0 : i32
      %dma_start3A_77 = arith.constant 0 : i32
      %dma_start3A_78 = tpu.memref_slice %arg3[%arg1, %dma_start3A_76, %dma_start3A_77] : memref<16x162x128xi32, #tpu.memory_space<hbm>> -> memref<1x162x128xi32, #tpu.memory_space<hbm>>
      %dma_start3A_79 = tpu.memref_squeeze %dma_start3A_78 : memref<1x162x128xi32, #tpu.memory_space<hbm>> -> memref<162x128xi32, #tpu.memory_space<hbm>>
      %dma_start3A_80 = arith.constant 0 : i32
      %dma_start3A_81 = arith.constant 0 : i32
      %dma_start3A_82 = tpu.memref_slice %arg3[%arg1, %dma_start3A_80, %dma_start3A_81] : memref<16x162x128xi32, #tpu.memory_space<hbm>> -> memref<1x162x128xi32, #tpu.memory_space<hbm>>
      %dma_start3A_83 = tpu.memref_squeeze %dma_start3A_82 : memref<1x162x128xi32, #tpu.memory_space<hbm>> -> memref<162x128xi32, #tpu.memory_space<hbm>>
      tpu.enqueue_dma source(%dma_start3A_83 : memref<162x128xi32, #tpu.memory_space<hbm>>) target(%arg7 : memref<162x128xi32, #tpu.memory_space<vmem>>) target_semaphore(%run_scoped3A : memref<!tpu.dma_semaphore, #tpu.memory_space<semaphore_mem>>)
      %dma_wait3A_84 = arith.constant 0 : i32
      %dma_wait3A_85 = arith.constant 0 : i32
      %dma_wait3A_86 = tpu.memref_slice %arg3[%arg1, %dma_wait3A_84, %dma_wait3A_85] : memref<16x162x128xi32, #tpu.memory_space<hbm>> -> memref<1x162x128xi32, #tpu.memory_space<hbm>>
      %dma_wait3A_87 = tpu.memref_squeeze %dma_wait3A_86 : memref<1x162x128xi32, #tpu.memory_space<hbm>> -> memref<162x128xi32, #tpu.memory_space<hbm>>
      %dma_wait3A_88 = arith.constant 0 : i32
      %dma_wait3A_89 = arith.constant 0 : i32
      %dma_wait3A_90 = tpu.memref_slice %arg3[%arg1, %dma_wait3A_88, %dma_wait3A_89] : memref<16x162x128xi32, #tpu.memory_space<hbm>> -> memref<1x162x128xi32, #tpu.memory_space<hbm>>
      %dma_wait3A_91 = tpu.memref_squeeze %dma_wait3A_90 : memref<1x162x128xi32, #tpu.memory_space<hbm>> -> memref<162x128xi32, #tpu.memory_space<hbm>>
      tpu.wait_dma2 semaphore(%run_scoped3A : memref<!tpu.dma_semaphore, #tpu.memory_space<semaphore_mem>>) src(%dma_wait3A_91 : memref<162x128xi32, #tpu.memory_space<hbm>>) dst(%arg7 : memref<162x128xi32, #tpu.memory_space<vmem>>)
      tpu.yield
    }) : () -> ()
    %dma_start3A = arith.constant 0 : i32
    %dma_start3A_23 = arith.constant 0 : i32
    %dma_start3A_24 = tpu.memref_slice %arg6[%dma_start3A, %dma_start3A_23] : memref<164x128xi32, #tpu.memory_space<vmem>> -> memref<1x128xi32, #tpu.memory_space<vmem>>
    %dma_start3A_25 = tpu.memref_squeeze %dma_start3A_24 : memref<1x128xi32, #tpu.memory_space<vmem>> -> memref<128xi32, #tpu.memory_space<vmem>>
    %dma_start3A_26 = arith.constant 0 : i32
    %dma_start3A_27 = arith.constant 0 : i32
    %dma_start3A_28 = tpu.memref_slice %arg4[%arg0, %dma_start3A_26, %dma_start3A_27] : memref<2x10240x64xf32, #tpu.memory_space<hbm>> -> memref<1x10240x64xf32, #tpu.memory_space<hbm>>
    %dma_start3A_29 = tpu.memref_squeeze %dma_start3A_28 : memref<1x10240x64xf32, #tpu.memory_space<hbm>> -> memref<10240x64xf32, #tpu.memory_space<hbm>>
    %dma_start3A_30 = arith.constant 0 : i32
    %dma_start3A_31 = arith.constant 0 : i32
    %dma_start3A_32 = tpu.memref_slice %dma_start3A_29[%dma_start3A_30, %dma_start3A_31] : memref<10240x64xf32, #tpu.memory_space<hbm>> -> memref<10240x64xf32, #tpu.memory_space<hbm>>
    tpu.enqueue_indirect_dma source(%dma_start3A_32 : memref<10240x64xf32, #tpu.memory_space<hbm>>) target(%arg8 : memref<128x64xf32, #tpu.memory_space<vmem>>) offsets(%dma_start3A_25 : memref<128xi32, #tpu.memory_space<vmem>>) semaphore(%arg11 : memref<!tpu.dma_semaphore, #tpu.memory_space<semaphore_mem>>)
    %dma_start3A_33 = arith.constant 1 : i32
    %dma_start3A_34 = arith.constant 0 : i32
    %dma_start3A_35 = tpu.memref_slice %arg6[%dma_start3A_33, %dma_start3A_34] : memref<164x128xi32, #tpu.memory_space<vmem>> -> memref<1x128xi32, #tpu.memory_space<vmem>>
    %dma_start3A_36 = tpu.memref_squeeze %dma_start3A_35 : memref<1x128xi32, #tpu.memory_space<vmem>> -> memref<128xi32, #tpu.memory_space<vmem>>
    %dma_start3A_37 = arith.constant 0 : i32
    %dma_start3A_38 = arith.constant 0 : i32
    %dma_start3A_39 = tpu.memref_slice %arg4[%arg0, %dma_start3A_37, %dma_start3A_38] : memref<2x10240x64xf32, #tpu.memory_space<hbm>> -> memref<1x10240x64xf32, #tpu.memory_space<hbm>>
    %dma_start3A_40 = tpu.memref_squeeze %dma_start3A_39 : memref<1x10240x64xf32, #tpu.memory_space<hbm>> -> memref<10240x64xf32, #tpu.memory_space<hbm>>
    %dma_start3A_41 = arith.constant 0 : i32
    %dma_start3A_42 = arith.constant 0 : i32
    %dma_start3A_43 = tpu.memref_slice %dma_start3A_40[%dma_start3A_41, %dma_start3A_42] : memref<10240x64xf32, #tpu.memory_space<hbm>> -> memref<10240x64xf32, #tpu.memory_space<hbm>>
    tpu.enqueue_indirect_dma source(%dma_start3A_43 : memref<10240x64xf32, #tpu.memory_space<hbm>>) target(%arg9 : memref<128x64xf32, #tpu.memory_space<vmem>>) offsets(%dma_start3A_36 : memref<128xi32, #tpu.memory_space<vmem>>) semaphore(%arg12 : memref<!tpu.dma_semaphore, #tpu.memory_space<semaphore_mem>>)
    %scan3A_44 = arith.constant 0 : i32
    %scan3A_45 = arith.constant 0 : i32
    %scan3A_46 = arith.constant 81 : i32
    %scan3A_47 = arith.addi %scan3A_45, %scan3A_46 : i32
    %scan3A_48 = arith.constant 1 : i32
    scf.for %scan3A_76 = %scan3A_45 to %scan3A_47 step %scan3A_48  : i32 {
      %mul3A_77 = arith.constant 2 : i32
      %mul3A_78 = arith.muli %mul3A_77, %scan3A_76 : i32
      %add3A_79 = arith.constant 0 : i32
      %add3A_80 = arith.addi %mul3A_78, %add3A_79 : i32
      %dma_wait3A_81 = arith.constant 0 : i32
      %dma_wait3A_82 = tpu.memref_slice %arg6[%add3A_80, %dma_wait3A_81] : memref<164x128xi32, #tpu.memory_space<vmem>> -> memref<1x128xi32, #tpu.memory_space<vmem>>
      %dma_wait3A_83 = tpu.memref_squeeze %dma_wait3A_82 : memref<1x128xi32, #tpu.memory_space<vmem>> -> memref<128xi32, #tpu.memory_space<vmem>>
      %dma_wait3A_84 = arith.constant 0 : i32
      %dma_wait3A_85 = arith.constant 0 : i32
      %dma_wait3A_86 = tpu.memref_slice %arg4[%arg0, %dma_wait3A_84, %dma_wait3A_85] : memref<2x10240x64xf32, #tpu.memory_space<hbm>> -> memref<1x10240x64xf32, #tpu.memory_space<hbm>>
      %dma_wait3A_87 = tpu.memref_squeeze %dma_wait3A_86 : memref<1x10240x64xf32, #tpu.memory_space<hbm>> -> memref<10240x64xf32, #tpu.memory_space<hbm>>
      %dma_wait3A_88 = arith.constant 0 : i32
      %dma_wait3A_89 = arith.constant 0 : i32
      %dma_wait3A_90 = tpu.memref_slice %dma_wait3A_87[%dma_wait3A_88, %dma_wait3A_89] : memref<10240x64xf32, #tpu.memory_space<hbm>> -> memref<10240x64xf32, #tpu.memory_space<hbm>>
      tpu.wait_indirect_dma semaphore(%arg11 : memref<!tpu.dma_semaphore, #tpu.memory_space<semaphore_mem>>) src(%dma_wait3A_90 : memref<10240x64xf32, #tpu.memory_space<hbm>>) dst(%arg8 : memref<128x64xf32, #tpu.memory_space<vmem>>)
      %add3A_91 = arith.constant 0 : i32
      %add3A_92 = arith.addi %mul3A_78, %add3A_91 : i32
      "tpu.region"() ({
        %run_scoped3A = tpu.sem_alloc : memref<!tpu.dma_semaphore, #tpu.memory_space<semaphore_mem>>
        %dma_start3A_135 = arith.constant 0 : i32
        %dma_start3A_136 = tpu.memref_slice %arg7[%add3A_92, %dma_start3A_135] : memref<162x128xi32, #tpu.memory_space<vmem>> -> memref<1x128xi32, #tpu.memory_space<vmem>>
        %dma_start3A_137 = tpu.memref_squeeze %dma_start3A_136 : memref<1x128xi32, #tpu.memory_space<vmem>> -> memref<128xi32, #tpu.memory_space<vmem>>
        %dma_start3A_138 = arith.constant 0 : i32
        %dma_start3A_139 = arith.constant 0 : i32
        %dma_start3A_140 = tpu.memref_slice %arg10[%dma_start3A_138, %dma_start3A_139] : memref<10240x64xf32, #tpu.memory_space<vmem_shared>> -> memref<10240x64xf32, #tpu.memory_space<vmem_shared>>
        tpu.enqueue_indirect_dma source(%arg8 : memref<128x64xf32, #tpu.memory_space<vmem>>) target(%dma_start3A_140 : memref<10240x64xf32, #tpu.memory_space<vmem_shared>>) offsets(%dma_start3A_137 : memref<128xi32, #tpu.memory_space<vmem>>) semaphore(%run_scoped3A : memref<!tpu.dma_semaphore, #tpu.memory_space<semaphore_mem>>) {add = true}
        %dma_wait3A_141 = arith.constant 0 : i32
        %dma_wait3A_142 = tpu.memref_slice %arg7[%add3A_92, %dma_wait3A_141] : memref<162x128xi32, #tpu.memory_space<vmem>> -> memref<1x128xi32, #tpu.memory_space<vmem>>
        %dma_wait3A_143 = tpu.memref_squeeze %dma_wait3A_142 : memref<1x128xi32, #tpu.memory_space<vmem>> -> memref<128xi32, #tpu.memory_space<vmem>>
        %dma_wait3A_144 = arith.constant 0 : i32
        %dma_wait3A_145 = arith.constant 0 : i32
        %dma_wait3A_146 = tpu.memref_slice %arg10[%dma_wait3A_144, %dma_wait3A_145] : memref<10240x64xf32, #tpu.memory_space<vmem_shared>> -> memref<10240x64xf32, #tpu.memory_space<vmem_shared>>
        tpu.wait_indirect_dma semaphore(%run_scoped3A : memref<!tpu.dma_semaphore, #tpu.memory_space<semaphore_mem>>) src(%arg8 : memref<128x64xf32, #tpu.memory_space<vmem>>) dst(%dma_wait3A_146 : memref<10240x64xf32, #tpu.memory_space<vmem_shared>>)
        tpu.yield
      }) : () -> ()
      %add3A_93 = arith.constant 0 : i32
      %add3A_94 = arith.addi %mul3A_78, %add3A_93 : i32
      %add3A_95 = arith.constant 2 : i32
      %add3A_96 = arith.addi %add3A_94, %add3A_95 : i32
      %dma_start3A_97 = arith.constant 0 : i32
      %dma_start3A_98 = tpu.memref_slice %arg6[%add3A_96, %dma_start3A_97] : memref<164x128xi32, #tpu.memory_space<vmem>> -> memref<1x128xi32, #tpu.memory_space<vmem>>
      %dma_start3A_99 = tpu.memref_squeeze %dma_start3A_98 : memref<1x128xi32, #tpu.memory_space<vmem>> -> memref<128xi32, #tpu.memory_space<vmem>>
      %dma_start3A_100 = arith.constant 0 : i32
      %dma_start3A_101 = arith.constant 0 : i32
      %dma_start3A_102 = tpu.memref_slice %arg4[%arg0, %dma_start3A_100, %dma_start3A_101] : memref<2x10240x64xf32, #tpu.memory_space<hbm>> -> memref<1x10240x64xf32, #tpu.memory_space<hbm>>
      %dma_start3A_103 = tpu.memref_squeeze %dma_start3A_102 : memref<1x10240x64xf32, #tpu.memory_space<hbm>> -> memref<10240x64xf32, #tpu.memory_space<hbm>>
      %dma_start3A_104 = arith.constant 0 : i32
      %dma_start3A_105 = arith.constant 0 : i32
      %dma_start3A_106 = tpu.memref_slice %dma_start3A_103[%dma_start3A_104, %dma_start3A_105] : memref<10240x64xf32, #tpu.memory_space<hbm>> -> memref<10240x64xf32, #tpu.memory_space<hbm>>
      tpu.enqueue_indirect_dma source(%dma_start3A_106 : memref<10240x64xf32, #tpu.memory_space<hbm>>) target(%arg8 : memref<128x64xf32, #tpu.memory_space<vmem>>) offsets(%dma_start3A_99 : memref<128xi32, #tpu.memory_space<vmem>>) semaphore(%arg11 : memref<!tpu.dma_semaphore, #tpu.memory_space<semaphore_mem>>)
      %add3A_107 = arith.constant 1 : i32
      %add3A_108 = arith.addi %mul3A_78, %add3A_107 : i32
      %dma_wait3A_109 = arith.constant 0 : i32
      %dma_wait3A_110 = tpu.memref_slice %arg6[%add3A_108, %dma_wait3A_109] : memref<164x128xi32, #tpu.memory_space<vmem>> -> memref<1x128xi32, #tpu.memory_space<vmem>>
      %dma_wait3A_111 = tpu.memref_squeeze %dma_wait3A_110 : memref<1x128xi32, #tpu.memory_space<vmem>> -> memref<128xi32, #tpu.memory_space<vmem>>
      %dma_wait3A_112 = arith.constant 0 : i32
      %dma_wait3A_113 = arith.constant 0 : i32
      %dma_wait3A_114 = tpu.memref_slice %arg4[%arg0, %dma_wait3A_112, %dma_wait3A_113] : memref<2x10240x64xf32, #tpu.memory_space<hbm>> -> memref<1x10240x64xf32, #tpu.memory_space<hbm>>
      %dma_wait3A_115 = tpu.memref_squeeze %dma_wait3A_114 : memref<1x10240x64xf32, #tpu.memory_space<hbm>> -> memref<10240x64xf32, #tpu.memory_space<hbm>>
      %dma_wait3A_116 = arith.constant 0 : i32
      %dma_wait3A_117 = arith.constant 0 : i32
      %dma_wait3A_118 = tpu.memref_slice %dma_wait3A_115[%dma_wait3A_116, %dma_wait3A_117] : memref<10240x64xf32, #tpu.memory_space<hbm>> -> memref<10240x64xf32, #tpu.memory_space<hbm>>
      tpu.wait_indirect_dma semaphore(%arg12 : memref<!tpu.dma_semaphore, #tpu.memory_space<semaphore_mem>>) src(%dma_wait3A_118 : memref<10240x64xf32, #tpu.memory_space<hbm>>) dst(%arg9 : memref<128x64xf32, #tpu.memory_space<vmem>>)
      %add3A_119 = arith.constant 1 : i32
      %add3A_120 = arith.addi %mul3A_78, %add3A_119 : i32
      "tpu.region"() ({
        %run_scoped3A = tpu.sem_alloc : memref<!tpu.dma_semaphore, #tpu.memory_space<semaphore_mem>>
        %dma_start3A_135 = arith.constant 0 : i32
        %dma_start3A_136 = tpu.memref_slice %arg7[%add3A_120, %dma_start3A_135] : memref<162x128xi32, #tpu.memory_space<vmem>> -> memref<1x128xi32, #tpu.memory_space<vmem>>
        %dma_start3A_137 = tpu.memref_squeeze %dma_start3A_136 : memref<1x128xi32, #tpu.memory_space<vmem>> -> memref<128xi32, #tpu.memory_space<vmem>>
        %dma_start3A_138 = arith.constant 0 : i32
        %dma_start3A_139 = arith.constant 0 : i32
        %dma_start3A_140 = tpu.memref_slice %arg10[%dma_start3A_138, %dma_start3A_139] : memref<10240x64xf32, #tpu.memory_space<vmem_shared>> -> memref<10240x64xf32, #tpu.memory_space<vmem_shared>>
        tpu.enqueue_indirect_dma source(%arg9 : memref<128x64xf32, #tpu.memory_space<vmem>>) target(%dma_start3A_140 : memref<10240x64xf32, #tpu.memory_space<vmem_shared>>) offsets(%dma_start3A_137 : memref<128xi32, #tpu.memory_space<vmem>>) semaphore(%run_scoped3A : memref<!tpu.dma_semaphore, #tpu.memory_space<semaphore_mem>>) {add = true}
        %dma_wait3A_141 = arith.constant 0 : i32
        %dma_wait3A_142 = tpu.memref_slice %arg7[%add3A_120, %dma_wait3A_141] : memref<162x128xi32, #tpu.memory_space<vmem>> -> memref<1x128xi32, #tpu.memory_space<vmem>>
        %dma_wait3A_143 = tpu.memref_squeeze %dma_wait3A_142 : memref<1x128xi32, #tpu.memory_space<vmem>> -> memref<128xi32, #tpu.memory_space<vmem>>
        %dma_wait3A_144 = arith.constant 0 : i32
        %dma_wait3A_145 = arith.constant 0 : i32
        %dma_wait3A_146 = tpu.memref_slice %arg10[%dma_wait3A_144, %dma_wait3A_145] : memref<10240x64xf32, #tpu.memory_space<vmem_shared>> -> memref<10240x64xf32, #tpu.memory_space<vmem_shared>>
        tpu.wait_indirect_dma semaphore(%run_scoped3A : memref<!tpu.dma_semaphore, #tpu.memory_space<semaphore_mem>>) src(%arg9 : memref<128x64xf32, #tpu.memory_space<vmem>>) dst(%dma_wait3A_146 : memref<10240x64xf32, #tpu.memory_space<vmem_shared>>)
        tpu.yield
      }) : () -> ()
      %add3A_121 = arith.constant 1 : i32
      %add3A_122 = arith.addi %mul3A_78, %add3A_121 : i32
      %add3A_123 = arith.constant 2 : i32
      %add3A_124 = arith.addi %add3A_122, %add3A_123 : i32
      %dma_start3A_125 = arith.constant 0 : i32
      %dma_start3A_126 = tpu.memref_slice %arg6[%add3A_124, %dma_start3A_125] : memref<164x128xi32, #tpu.memory_space<vmem>> -> memref<1x128xi32, #tpu.memory_space<vmem>>
      %dma_start3A_127 = tpu.memref_squeeze %dma_start3A_126 : memref<1x128xi32, #tpu.memory_space<vmem>> -> memref<128xi32, #tpu.memory_space<vmem>>
      %dma_start3A_128 = arith.constant 0 : i32
      %dma_start3A_129 = arith.constant 0 : i32
      %dma_start3A_130 = tpu.memref_slice %arg4[%arg0, %dma_start3A_128, %dma_start3A_129] : memref<2x10240x64xf32, #tpu.memory_space<hbm>> -> memref<1x10240x64xf32, #tpu.memory_space<hbm>>
      %dma_start3A_131 = tpu.memref_squeeze %dma_start3A_130 : memref<1x10240x64xf32, #tpu.memory_space<hbm>> -> memref<10240x64xf32, #tpu.memory_space<hbm>>
      %dma_start3A_132 = arith.constant 0 : i32
      %dma_start3A_133 = arith.constant 0 : i32
      %dma_start3A_134 = tpu.memref_slice %dma_start3A_131[%dma_start3A_132, %dma_start3A_133] : memref<10240x64xf32, #tpu.memory_space<hbm>> -> memref<10240x64xf32, #tpu.memory_space<hbm>>
      tpu.enqueue_indirect_dma source(%dma_start3A_134 : memref<10240x64xf32, #tpu.memory_space<hbm>>) target(%arg9 : memref<128x64xf32, #tpu.memory_space<vmem>>) offsets(%dma_start3A_127 : memref<128xi32, #tpu.memory_space<vmem>>) semaphore(%arg12 : memref<!tpu.dma_semaphore, #tpu.memory_space<semaphore_mem>>)
    }
    %scan3A_49 = arith.constant 81 : i32
    %dma_wait3A = arith.constant 0 : i32
    %dma_wait3A_50 = arith.constant 0 : i32
    %dma_wait3A_51 = tpu.memref_slice %arg6[%dma_wait3A, %dma_wait3A_50] : memref<164x128xi32, #tpu.memory_space<vmem>> -> memref<1x128xi32, #tpu.memory_space<vmem>>
    %dma_wait3A_52 = tpu.memref_squeeze %dma_wait3A_51 : memref<1x128xi32, #tpu.memory_space<vmem>> -> memref<128xi32, #tpu.memory_space<vmem>>
    %dma_wait3A_53 = arith.constant 0 : i32
    %dma_wait3A_54 = arith.constant 0 : i32
    %dma_wait3A_55 = tpu.memref_slice %arg4[%arg0, %dma_wait3A_53, %dma_wait3A_54] : memref<2x10240x64xf32, #tpu.memory_space<hbm>> -> memref<1x10240x64xf32, #tpu.memory_space<hbm>>
    %dma_wait3A_56 = tpu.memref_squeeze %dma_wait3A_55 : memref<1x10240x64xf32, #tpu.memory_space<hbm>> -> memref<10240x64xf32, #tpu.memory_space<hbm>>
    %dma_wait3A_57 = arith.constant 0 : i32
    %dma_wait3A_58 = arith.constant 0 : i32
    %dma_wait3A_59 = tpu.memref_slice %dma_wait3A_56[%dma_wait3A_57, %dma_wait3A_58] : memref<10240x64xf32, #tpu.memory_space<hbm>> -> memref<10240x64xf32, #tpu.memory_space<hbm>>
    tpu.wait_indirect_dma semaphore(%arg11 : memref<!tpu.dma_semaphore, #tpu.memory_space<semaphore_mem>>) src(%dma_wait3A_59 : memref<10240x64xf32, #tpu.memory_space<hbm>>) dst(%arg8 : memref<128x64xf32, #tpu.memory_space<vmem>>)
    %dma_wait3A_60 = arith.constant 0 : i32
    %dma_wait3A_61 = arith.constant 0 : i32
    %dma_wait3A_62 = tpu.memref_slice %arg6[%dma_wait3A_60, %dma_wait3A_61] : memref<164x128xi32, #tpu.memory_space<vmem>> -> memref<1x128xi32, #tpu.memory_space<vmem>>
    %dma_wait3A_63 = tpu.memref_squeeze %dma_wait3A_62 : memref<1x128xi32, #tpu.memory_space<vmem>> -> memref<128xi32, #tpu.memory_space<vmem>>
    %dma_wait3A_64 = arith.constant 0 : i32
    %dma_wait3A_65 = arith.constant 0 : i32
    %dma_wait3A_66 = tpu.memref_slice %arg4[%arg0, %dma_wait3A_64, %dma_wait3A_65] : memref<2x10240x64xf32, #tpu.memory_space<hbm>> -> memref<1x10240x64xf32, #tpu.memory_space<hbm>>
    %dma_wait3A_67 = tpu.memref_squeeze %dma_wait3A_66 : memref<1x10240x64xf32, #tpu.memory_space<hbm>> -> memref<10240x64xf32, #tpu.memory_space<hbm>>
    %dma_wait3A_68 = arith.constant 0 : i32
    %dma_wait3A_69 = arith.constant 0 : i32
    %dma_wait3A_70 = tpu.memref_slice %dma_wait3A_67[%dma_wait3A_68, %dma_wait3A_69] : memref<10240x64xf32, #tpu.memory_space<hbm>> -> memref<10240x64xf32, #tpu.memory_space<hbm>>
    tpu.wait_indirect_dma semaphore(%arg12 : memref<!tpu.dma_semaphore, #tpu.memory_space<semaphore_mem>>) src(%dma_wait3A_70 : memref<10240x64xf32, #tpu.memory_space<hbm>>) dst(%arg9 : memref<128x64xf32, #tpu.memory_space<vmem>>)
    %barrier3A_71 = arith.constant 0 : index
    tpu.barrier barrier_id(%barrier3A_71)
    %mul3A_72 = arith.constant 640 : i32
    %mul3A_73 = arith.muli %arg1, %mul3A_72 : i32
    %mul3A_74 = arith.constant 640 : i32
    %mul3A_75 = arith.muli %arg1, %mul3A_74 : i32
    "tpu.region"() ({
      %run_scoped3A = tpu.sem_alloc : memref<!tpu.dma_semaphore, #tpu.memory_space<semaphore_mem>>
      %dma_start3A_76 = arith.constant 0 : i32
      %dma_start3A_77 = tpu.memref_slice %arg5[%arg0, %mul3A_75, %dma_start3A_76] : memref<2x10240x64xf32, #tpu.memory_space<hbm>> -> memref<1x640x64xf32, #tpu.memory_space<hbm>>
      %dma_start3A_78 = tpu.memref_squeeze %dma_start3A_77 : memref<1x640x64xf32, #tpu.memory_space<hbm>> -> memref<640x64xf32, #tpu.memory_space<hbm>>
      %dma_start3A_79 = arith.constant 0 : i32
      %dma_start3A_80 = tpu.memref_slice %arg10[%mul3A_73, %dma_start3A_79] : memref<10240x64xf32, #tpu.memory_space<vmem_shared>> -> memref<640x64xf32, #tpu.memory_space<vmem_shared>>
      tpu.enqueue_dma source(%dma_start3A_80 : memref<640x64xf32, #tpu.memory_space<vmem_shared>>) target(%dma_start3A_78 : memref<640x64xf32, #tpu.memory_space<hbm>>) target_semaphore(%run_scoped3A : memref<!tpu.dma_semaphore, #tpu.memory_space<semaphore_mem>>)
      %dma_wait3A_81 = arith.constant 0 : i32
      %dma_wait3A_82 = tpu.memref_slice %arg5[%arg0, %mul3A_75, %dma_wait3A_81] : memref<2x10240x64xf32, #tpu.memory_space<hbm>> -> memref<1x640x64xf32, #tpu.memory_space<hbm>>
      %dma_wait3A_83 = tpu.memref_squeeze %dma_wait3A_82 : memref<1x640x64xf32, #tpu.memory_space<hbm>> -> memref<640x64xf32, #tpu.memory_space<hbm>>
      %dma_wait3A_84 = arith.constant 0 : i32
      %dma_wait3A_85 = tpu.memref_slice %arg10[%mul3A_73, %dma_wait3A_84] : memref<10240x64xf32, #tpu.memory_space<vmem_shared>> -> memref<640x64xf32, #tpu.memory_space<vmem_shared>>
      tpu.wait_dma2 semaphore(%run_scoped3A : memref<!tpu.dma_semaphore, #tpu.memory_space<semaphore_mem>>) src(%dma_wait3A_85 : memref<640x64xf32, #tpu.memory_space<vmem_shared>>) dst(%dma_wait3A_83 : memref<640x64xf32, #tpu.memory_space<hbm>>)
      tpu.yield
    }) : () -> ()
    return
  }
}

#map = affine_map<(d0, d1) -> (0, 0, 0)>
module attributes {stable_mosaic.version = 14 : i64} {
  func.func @_spmm_body(%arg0: i32, %arg1: i32, %arg2: memref<16x164x128xi32, #tpu.memory_space<hbm>>, %arg3: memref<16x162x128xi32, #tpu.memory_space<hbm>>, %arg4: memref<2x10240x64xf32, #tpu.memory_space<hbm>>, %arg5: memref<2x10240x64xf32, #tpu.memory_space<hbm>>, %arg6: memref<164x128xi32, #tpu.memory_space<vmem>>, %arg7: memref<162x128xi32, #tpu.memory_space<vmem>>, %arg8: memref<128x64xf32, #tpu.memory_space<vmem>>, %arg9: memref<128x64xf32, #tpu.memory_space<vmem>>, %arg10: memref<10240x64xf32, #tpu.memory_space<vmem_shared>>, %arg11: memref<!tpu.dma_semaphore, #tpu.memory_space<semaphore_mem>>, %arg12: memref<!tpu.dma_semaphore, #tpu.memory_space<semaphore_mem>>) attributes {dimension_semantics = [#tpu.dimension_semantics<core_parallel>, #tpu.dimension_semantics<subcore_parallel>], iteration_bounds = array<i64: 2, 16>, scalar_prefetch = 0 : i64, scratch_operands = 7 : i64, tpu.core_type = #tpu.core_type<sc_vector_subcore>, window_params = [{transform_indices = #map}, {transform_indices = #map}, {transform_indices = #map}, {transform_indices = #map}]} {
    %scan3A = arith.constant 0 : i32
    %scan3A_0 = arith.constant 0 : i32
    %scan3A_1 = arith.constant 128 : i32
    %scan3A_2 = arith.addi %scan3A_0, %scan3A_1 : i32
    %scan3A_3 = arith.constant 1 : i32
    scf.for %scan3A_76 = %scan3A_0 to %scan3A_2 step %scan3A_3  : i32 {
      %broadcast_in_dim3A = arith.constant 0.000000e+00 : f32
      %broadcast_in_dim3A_77 = vector.broadcast %broadcast_in_dim3A : f32 to vector<16xf32>
      %swap3A = arith.index_cast %scan3A_76 : i32 to index
      %swap3A_78 = arith.constant 0 : index
      %swap3A_79 = tpu.vector_load %arg8[%swap3A, %swap3A_78] {strides = array<i32>} : memref<128x64xf32, #tpu.memory_space<vmem>>, vector<1x16xf32>,
      %swap3A_80 = vector.shape_cast %swap3A_79 : vector<1x16xf32> to vector<16xf32>
      %swap3A_81 = vector.shape_cast %broadcast_in_dim3A_77 : vector<16xf32> to vector<1x16xf32>
      tpu.vector_store %arg8[%swap3A, %swap3A_78], %swap3A_81 {strides = array<i32>} : memref<128x64xf32, #tpu.memory_space<vmem>>, vector<1x16xf32>,
      %broadcast_in_dim3A_82 = arith.constant 0.000000e+00 : f32
      %broadcast_in_dim3A_83 = vector.broadcast %broadcast_in_dim3A_82 : f32 to vector<16xf32>
      %swap3A_84 = arith.index_cast %scan3A_76 : i32 to index
      %swap3A_85 = arith.constant 16 : index
      %swap3A_86 = tpu.vector_load %arg8[%swap3A_84, %swap3A_85] {strides = array<i32>} : memref<128x64xf32, #tpu.memory_space<vmem>>, vector<1x16xf32>,
      %swap3A_87 = vector.shape_cast %swap3A_86 : vector<1x16xf32> to vector<16xf32>
      %swap3A_88 = vector.shape_cast %broadcast_in_dim3A_83 : vector<16xf32> to vector<1x16xf32>
      tpu.vector_store %arg8[%swap3A_84, %swap3A_85], %swap3A_88 {strides = array<i32>} : memref<128x64xf32, #tpu.memory_space<vmem>>, vector<1x16xf32>,
      %broadcast_in_dim3A_89 = arith.constant 0.000000e+00 : f32
      %broadcast_in_dim3A_90 = vector.broadcast %broadcast_in_dim3A_89 : f32 to vector<16xf32>
      %swap3A_91 = arith.index_cast %scan3A_76 : i32 to index
      %swap3A_92 = arith.constant 32 : index
      %swap3A_93 = tpu.vector_load %arg8[%swap3A_91, %swap3A_92] {strides = array<i32>} : memref<128x64xf32, #tpu.memory_space<vmem>>, vector<1x16xf32>,
      %swap3A_94 = vector.shape_cast %swap3A_93 : vector<1x16xf32> to vector<16xf32>
      %swap3A_95 = vector.shape_cast %broadcast_in_dim3A_90 : vector<16xf32> to vector<1x16xf32>
      tpu.vector_store %arg8[%swap3A_91, %swap3A_92], %swap3A_95 {strides = array<i32>} : memref<128x64xf32, #tpu.memory_space<vmem>>, vector<1x16xf32>,
      %broadcast_in_dim3A_96 = arith.constant 0.000000e+00 : f32
      %broadcast_in_dim3A_97 = vector.broadcast %broadcast_in_dim3A_96 : f32 to vector<16xf32>
      %swap3A_98 = arith.index_cast %scan3A_76 : i32 to index
      %swap3A_99 = arith.constant 48 : index
      %swap3A_100 = tpu.vector_load %arg8[%swap3A_98, %swap3A_99] {strides = array<i32>} : memref<128x64xf32, #tpu.memory_space<vmem>>, vector<1x16xf32>,
      %swap3A_101 = vector.shape_cast %swap3A_100 : vector<1x16xf32> to vector<16xf32>
      %swap3A_102 = vector.shape_cast %broadcast_in_dim3A_97 : vector<16xf32> to vector<1x16xf32>
      tpu.vector_store %arg8[%swap3A_98, %swap3A_99], %swap3A_102 {strides = array<i32>} : memref<128x64xf32, #tpu.memory_space<vmem>>, vector<1x16xf32>,
    }
    %scan3A_4 = arith.constant 128 : i32
    %mul3A = arith.constant 640 : i32
    %mul3A_5 = arith.muli %arg1, %mul3A : i32
    %add3A = arith.constant 0 : i32
    %add3A_6 = arith.addi %mul3A_5, %add3A : i32
    "tpu.region"() ({
      %run_scoped3A = tpu.sem_alloc : memref<!tpu.dma_semaphore, #tpu.memory_space<semaphore_mem>>
      %dma_start3A_76 = arith.constant 0 : i32
      %dma_start3A_77 = tpu.memref_slice %arg10[%add3A_6, %dma_start3A_76] : memref<10240x64xf32, #tpu.memory_space<vmem_shared>> -> memref<128x64xf32, #tpu.memory_space<vmem_shared>>
      %dma_start3A_78 = arith.constant 0 : i32
      %dma_start3A_79 = tpu.memref_slice %arg10[%add3A_6, %dma_start3A_78] : memref<10240x64xf32, #tpu.memory_space<vmem_shared>> -> memref<128x64xf32, #tpu.memory_space<vmem_shared>>
      tpu.enqueue_dma source(%arg8 : memref<128x64xf32, #tpu.memory_space<vmem>>) target(%dma_start3A_79 : memref<128x64xf32, #tpu.memory_space<vmem_shared>>) target_semaphore(%run_scoped3A : memref<!tpu.dma_semaphore, #tpu.memory_space<semaphore_mem>>)
      %dma_wait3A_80 = arith.constant 0 : i32
      %dma_wait3A_81 = tpu.memref_slice %arg10[%add3A_6, %dma_wait3A_80] : memref<10240x64xf32, #tpu.memory_space<vmem_shared>> -> memref<128x64xf32, #tpu.memory_space<vmem_shared>>
      %dma_wait3A_82 = arith.constant 0 : i32
      %dma_wait3A_83 = tpu.memref_slice %arg10[%add3A_6, %dma_wait3A_82] : memref<10240x64xf32, #tpu.memory_space<vmem_shared>> -> memref<128x64xf32, #tpu.memory_space<vmem_shared>>
      tpu.wait_dma2 semaphore(%run_scoped3A : memref<!tpu.dma_semaphore, #tpu.memory_space<semaphore_mem>>) src(%arg8 : memref<128x64xf32, #tpu.memory_space<vmem>>) dst(%dma_wait3A_83 : memref<128x64xf32, #tpu.memory_space<vmem_shared>>)
      tpu.yield
    }) : () -> ()
    %mul3A_7 = arith.constant 640 : i32
    %mul3A_8 = arith.muli %arg1, %mul3A_7 : i32
    %add3A_9 = arith.constant 128 : i32
    %add3A_10 = arith.addi %mul3A_8, %add3A_9 : i32
    "tpu.region"() ({
      %run_scoped3A = tpu.sem_alloc : memref<!tpu.dma_semaphore, #tpu.memory_space<semaphore_mem>>
      %dma_start3A_76 = arith.constant 0 : i32
      %dma_start3A_77 = tpu.memref_slice %arg10[%add3A_10, %dma_start3A_76] : memref<10240x64xf32, #tpu.memory_space<vmem_shared>> -> memref<128x64xf32, #tpu.memory_space<vmem_shared>>
      %dma_start3A_78 = arith.constant 0 : i32
      %dma_start3A_79 = tpu.memref_slice %arg10[%add3A_10, %dma_start3A_78] : memref<10240x64xf32, #tpu.memory_space<vmem_shared>> -> memref<128x64xf32, #tpu.memory_space<vmem_shared>>
      tpu.enqueue_dma source(%arg8 : memref<128x64xf32, #tpu.memory_space<vmem>>) target(%dma_start3A_79 : memref<128x64xf32, #tpu.memory_space<vmem_shared>>) target_semaphore(%run_scoped3A : memref<!tpu.dma_semaphore, #tpu.memory_space<semaphore_mem>>)
      %dma_wait3A_80 = arith.constant 0 : i32
      %dma_wait3A_81 = tpu.memref_slice %arg10[%add3A_10, %dma_wait3A_80] : memref<10240x64xf32, #tpu.memory_space<vmem_shared>> -> memref<128x64xf32, #tpu.memory_space<vmem_shared>>
      %dma_wait3A_82 = arith.constant 0 : i32
      %dma_wait3A_83 = tpu.memref_slice %arg10[%add3A_10, %dma_wait3A_82] : memref<10240x64xf32, #tpu.memory_space<vmem_shared>> -> memref<128x64xf32, #tpu.memory_space<vmem_shared>>
      tpu.wait_dma2 semaphore(%run_scoped3A : memref<!tpu.dma_semaphore, #tpu.memory_space<semaphore_mem>>) src(%arg8 : memref<128x64xf32, #tpu.memory_space<vmem>>) dst(%dma_wait3A_83 : memref<128x64xf32, #tpu.memory_space<vmem_shared>>)
      tpu.yield
    }) : () -> ()
    %mul3A_11 = arith.constant 640 : i32
    %mul3A_12 = arith.muli %arg1, %mul3A_11 : i32
    %add3A_13 = arith.constant 256 : i32
    %add3A_14 = arith.addi %mul3A_12, %add3A_13 : i32
    "tpu.region"() ({
      %run_scoped3A = tpu.sem_alloc : memref<!tpu.dma_semaphore, #tpu.memory_space<semaphore_mem>>
      %dma_start3A_76 = arith.constant 0 : i32
      %dma_start3A_77 = tpu.memref_slice %arg10[%add3A_14, %dma_start3A_76] : memref<10240x64xf32, #tpu.memory_space<vmem_shared>> -> memref<128x64xf32, #tpu.memory_space<vmem_shared>>
      %dma_start3A_78 = arith.constant 0 : i32
      %dma_start3A_79 = tpu.memref_slice %arg10[%add3A_14, %dma_start3A_78] : memref<10240x64xf32, #tpu.memory_space<vmem_shared>> -> memref<128x64xf32, #tpu.memory_space<vmem_shared>>
      tpu.enqueue_dma source(%arg8 : memref<128x64xf32, #tpu.memory_space<vmem>>) target(%dma_start3A_79 : memref<128x64xf32, #tpu.memory_space<vmem_shared>>) target_semaphore(%run_scoped3A : memref<!tpu.dma_semaphore, #tpu.memory_space<semaphore_mem>>)
      %dma_wait3A_80 = arith.constant 0 : i32
      %dma_wait3A_81 = tpu.memref_slice %arg10[%add3A_14, %dma_wait3A_80] : memref<10240x64xf32, #tpu.memory_space<vmem_shared>> -> memref<128x64xf32, #tpu.memory_space<vmem_shared>>
      %dma_wait3A_82 = arith.constant 0 : i32
      %dma_wait3A_83 = tpu.memref_slice %arg10[%add3A_14, %dma_wait3A_82] : memref<10240x64xf32, #tpu.memory_space<vmem_shared>> -> memref<128x64xf32, #tpu.memory_space<vmem_shared>>
      tpu.wait_dma2 semaphore(%run_scoped3A : memref<!tpu.dma_semaphore, #tpu.memory_space<semaphore_mem>>) src(%arg8 : memref<128x64xf32, #tpu.memory_space<vmem>>) dst(%dma_wait3A_83 : memref<128x64xf32, #tpu.memory_space<vmem_shared>>)
      tpu.yield
    }) : () -> ()
    %mul3A_15 = arith.constant 640 : i32
    %mul3A_16 = arith.muli %arg1, %mul3A_15 : i32
    %add3A_17 = arith.constant 384 : i32
    %add3A_18 = arith.addi %mul3A_16, %add3A_17 : i32
    "tpu.region"() ({
      %run_scoped3A = tpu.sem_alloc : memref<!tpu.dma_semaphore, #tpu.memory_space<semaphore_mem>>
      %dma_start3A_76 = arith.constant 0 : i32
      %dma_start3A_77 = tpu.memref_slice %arg10[%add3A_18, %dma_start3A_76] : memref<10240x64xf32, #tpu.memory_space<vmem_shared>> -> memref<128x64xf32, #tpu.memory_space<vmem_shared>>
      %dma_start3A_78 = arith.constant 0 : i32
      %dma_start3A_79 = tpu.memref_slice %arg10[%add3A_18, %dma_start3A_78] : memref<10240x64xf32, #tpu.memory_space<vmem_shared>> -> memref<128x64xf32, #tpu.memory_space<vmem_shared>>
      tpu.enqueue_dma source(%arg8 : memref<128x64xf32, #tpu.memory_space<vmem>>) target(%dma_start3A_79 : memref<128x64xf32, #tpu.memory_space<vmem_shared>>) target_semaphore(%run_scoped3A : memref<!tpu.dma_semaphore, #tpu.memory_space<semaphore_mem>>)
      %dma_wait3A_80 = arith.constant 0 : i32
      %dma_wait3A_81 = tpu.memref_slice %arg10[%add3A_18, %dma_wait3A_80] : memref<10240x64xf32, #tpu.memory_space<vmem_shared>> -> memref<128x64xf32, #tpu.memory_space<vmem_shared>>
      %dma_wait3A_82 = arith.constant 0 : i32
      %dma_wait3A_83 = tpu.memref_slice %arg10[%add3A_18, %dma_wait3A_82] : memref<10240x64xf32, #tpu.memory_space<vmem_shared>> -> memref<128x64xf32, #tpu.memory_space<vmem_shared>>
      tpu.wait_dma2 semaphore(%run_scoped3A : memref<!tpu.dma_semaphore, #tpu.memory_space<semaphore_mem>>) src(%arg8 : memref<128x64xf32, #tpu.memory_space<vmem>>) dst(%dma_wait3A_83 : memref<128x64xf32, #tpu.memory_space<vmem_shared>>)
      tpu.yield
    }) : () -> ()
    %mul3A_19 = arith.constant 640 : i32
    %mul3A_20 = arith.muli %arg1, %mul3A_19 : i32
    %add3A_21 = arith.constant 512 : i32
    %add3A_22 = arith.addi %mul3A_20, %add3A_21 : i32
    "tpu.region"() ({
      %run_scoped3A = tpu.sem_alloc : memref<!tpu.dma_semaphore, #tpu.memory_space<semaphore_mem>>
      %dma_start3A_76 = arith.constant 0 : i32
      %dma_start3A_77 = tpu.memref_slice %arg10[%add3A_22, %dma_start3A_76] : memref<10240x64xf32, #tpu.memory_space<vmem_shared>> -> memref<128x64xf32, #tpu.memory_space<vmem_shared>>
      %dma_start3A_78 = arith.constant 0 : i32
      %dma_start3A_79 = tpu.memref_slice %arg10[%add3A_22, %dma_start3A_78] : memref<10240x64xf32, #tpu.memory_space<vmem_shared>> -> memref<128x64xf32, #tpu.memory_space<vmem_shared>>
      tpu.enqueue_dma source(%arg8 : memref<128x64xf32, #tpu.memory_space<vmem>>) target(%dma_start3A_79 : memref<128x64xf32, #tpu.memory_space<vmem_shared>>) target_semaphore(%run_scoped3A : memref<!tpu.dma_semaphore, #tpu.memory_space<semaphore_mem>>)
      %dma_wait3A_80 = arith.constant 0 : i32
      %dma_wait3A_81 = tpu.memref_slice %arg10[%add3A_22, %dma_wait3A_80] : memref<10240x64xf32, #tpu.memory_space<vmem_shared>> -> memref<128x64xf32, #tpu.memory_space<vmem_shared>>
      %dma_wait3A_82 = arith.constant 0 : i32
      %dma_wait3A_83 = tpu.memref_slice %arg10[%add3A_22, %dma_wait3A_82] : memref<10240x64xf32, #tpu.memory_space<vmem_shared>> -> memref<128x64xf32, #tpu.memory_space<vmem_shared>>
      tpu.wait_dma2 semaphore(%run_scoped3A : memref<!tpu.dma_semaphore, #tpu.memory_space<semaphore_mem>>) src(%arg8 : memref<128x64xf32, #tpu.memory_space<vmem>>) dst(%dma_wait3A_83 : memref<128x64xf32, #tpu.memory_space<vmem_shared>>)
      tpu.yield
    }) : () -> ()
    %barrier3A = arith.constant 0 : index
    tpu.barrier barrier_id(%barrier3A)
    "tpu.region"() ({
      %run_scoped3A = tpu.sem_alloc : memref<!tpu.dma_semaphore, #tpu.memory_space<semaphore_mem>>
      %dma_start3A_76 = arith.constant 0 : i32
      %dma_start3A_77 = arith.constant 0 : i32
      %dma_start3A_78 = tpu.memref_slice %arg2[%arg1, %dma_start3A_76, %dma_start3A_77] : memref<16x164x128xi32, #tpu.memory_space<hbm>> -> memref<1x164x128xi32, #tpu.memory_space<hbm>>
      %dma_start3A_79 = tpu.memref_squeeze %dma_start3A_78 : memref<1x164x128xi32, #tpu.memory_space<hbm>> -> memref<164x128xi32, #tpu.memory_space<hbm>>
      %dma_start3A_80 = arith.constant 0 : i32
      %dma_start3A_81 = arith.constant 0 : i32
      %dma_start3A_82 = tpu.memref_slice %arg2[%arg1, %dma_start3A_80, %dma_start3A_81] : memref<16x164x128xi32, #tpu.memory_space<hbm>> -> memref<1x164x128xi32, #tpu.memory_space<hbm>>
      %dma_start3A_83 = tpu.memref_squeeze %dma_start3A_82 : memref<1x164x128xi32, #tpu.memory_space<hbm>> -> memref<164x128xi32, #tpu.memory_space<hbm>>
      tpu.enqueue_dma source(%dma_start3A_83 : memref<164x128xi32, #tpu.memory_space<hbm>>) target(%arg6 : memref<164x128xi32, #tpu.memory_space<vmem>>) target_semaphore(%run_scoped3A : memref<!tpu.dma_semaphore, #tpu.memory_space<semaphore_mem>>)
      %dma_wait3A_84 = arith.constant 0 : i32
      %dma_wait3A_85 = arith.constant 0 : i32
      %dma_wait3A_86 = tpu.memref_slice %arg2[%arg1, %dma_wait3A_84, %dma_wait3A_85] : memref<16x164x128xi32, #tpu.memory_space<hbm>> -> memref<1x164x128xi32, #tpu.memory_space<hbm>>
      %dma_wait3A_87 = tpu.memref_squeeze %dma_wait3A_86 : memref<1x164x128xi32, #tpu.memory_space<hbm>> -> memref<164x128xi32, #tpu.memory_space<hbm>>
      %dma_wait3A_88 = arith.constant 0 : i32
      %dma_wait3A_89 = arith.constant 0 : i32
      %dma_wait3A_90 = tpu.memref_slice %arg2[%arg1, %dma_wait3A_88, %dma_wait3A_89] : memref<16x164x128xi32, #tpu.memory_space<hbm>> -> memref<1x164x128xi32, #tpu.memory_space<hbm>>
      %dma_wait3A_91 = tpu.memref_squeeze %dma_wait3A_90 : memref<1x164x128xi32, #tpu.memory_space<hbm>> -> memref<164x128xi32, #tpu.memory_space<hbm>>
      tpu.wait_dma2 semaphore(%run_scoped3A : memref<!tpu.dma_semaphore, #tpu.memory_space<semaphore_mem>>) src(%dma_wait3A_91 : memref<164x128xi32, #tpu.memory_space<hbm>>) dst(%arg6 : memref<164x128xi32, #tpu.memory_space<vmem>>)
      tpu.yield
    }) : () -> ()
    "tpu.region"() ({
      %run_scoped3A = tpu.sem_alloc : memref<!tpu.dma_semaphore, #tpu.memory_space<semaphore_mem>>
      %dma_start3A_76 = arith.constant 0 : i32
      %dma_start3A_77 = arith.constant 0 : i32
      %dma_start3A_78 = tpu.memref_slice %arg3[%arg1, %dma_start3A_76, %dma_start3A_77] : memref<16x162x128xi32, #tpu.memory_space<hbm>> -> memref<1x162x128xi32, #tpu.memory_space<hbm>>
      %dma_start3A_79 = tpu.memref_squeeze %dma_start3A_78 : memref<1x162x128xi32, #tpu.memory_space<hbm>> -> memref<162x128xi32, #tpu.memory_space<hbm>>
      %dma_start3A_80 = arith.constant 0 : i32
      %dma_start3A_81 = arith.constant 0 : i32
      %dma_start3A_82 = tpu.memref_slice %arg3[%arg1, %dma_start3A_80, %dma_start3A_81] : memref<16x162x128xi32, #tpu.memory_space<hbm>> -> memref<1x162x128xi32, #tpu.memory_space<hbm>>
      %dma_start3A_83 = tpu.memref_squeeze %dma_start3A_82 : memref<1x162x128xi32, #tpu.memory_space<hbm>> -> memref<162x128xi32, #tpu.memory_space<hbm>>
      tpu.enqueue_dma source(%dma_start3A_83 : memref<162x128xi32, #tpu.memory_space<hbm>>) target(%arg7 : memref<162x128xi32, #tpu.memory_space<vmem>>) target_semaphore(%run_scoped3A : memref<!tpu.dma_semaphore, #tpu.memory_space<semaphore_mem>>)
      %dma_wait3A_84 = arith.constant 0 : i32
      %dma_wait3A_85 = arith.constant 0 : i32
      %dma_wait3A_86 = tpu.memref_slice %arg3[%arg1, %dma_wait3A_84, %dma_wait3A_85] : memref<16x162x128xi32, #tpu.memory_space<hbm>> -> memref<1x162x128xi32, #tpu.memory_space<hbm>>
      %dma_wait3A_87 = tpu.memref_squeeze %dma_wait3A_86 : memref<1x162x128xi32, #tpu.memory_space<hbm>> -> memref<162x128xi32, #tpu.memory_space<hbm>>
      %dma_wait3A_88 = arith.constant 0 : i32
      %dma_wait3A_89 = arith.constant 0 : i32
      %dma_wait3A_90 = tpu.memref_slice %arg3[%arg1, %dma_wait3A_88, %dma_wait3A_89] : memref<16x162x128xi32, #tpu.memory_space<hbm>> -> memref<1x162x128xi32, #tpu.memory_space<hbm>>
      %dma_wait3A_91 = tpu.memref_squeeze %dma_wait3A_90 : memref<1x162x128xi32, #tpu.memory_space<hbm>> -> memref<162x128xi32, #tpu.memory_space<hbm>>
      tpu.wait_dma2 semaphore(%run_scoped3A : memref<!tpu.dma_semaphore, #tpu.memory_space<semaphore_mem>>) src(%dma_wait3A_91 : memref<162x128xi32, #tpu.memory_space<hbm>>) dst(%arg7 : memref<162x128xi32, #tpu.memory_space<vmem>>)
      tpu.yield
    }) : () -> ()
    %dma_start3A = arith.constant 0 : i32
    %dma_start3A_23 = arith.constant 0 : i32
    %dma_start3A_24 = tpu.memref_slice %arg6[%dma_start3A, %dma_start3A_23] : memref<164x128xi32, #tpu.memory_space<vmem>> -> memref<1x128xi32, #tpu.memory_space<vmem>>
    %dma_start3A_25 = tpu.memref_squeeze %dma_start3A_24 : memref<1x128xi32, #tpu.memory_space<vmem>> -> memref<128xi32, #tpu.memory_space<vmem>>
    %dma_start3A_26 = arith.constant 0 : i32
    %dma_start3A_27 = arith.constant 0 : i32
    %dma_start3A_28 = tpu.memref_slice %arg4[%arg0, %dma_start3A_26, %dma_start3A_27] : memref<2x10240x64xf32, #tpu.memory_space<hbm>> -> memref<1x10240x64xf32, #tpu.memory_space<hbm>>
    %dma_start3A_29 = tpu.memref_squeeze %dma_start3A_28 : memref<1x10240x64xf32, #tpu.memory_space<hbm>> -> memref<10240x64xf32, #tpu.memory_space<hbm>>
    %dma_start3A_30 = arith.constant 0 : i32
    %dma_start3A_31 = arith.constant 0 : i32
    %dma_start3A_32 = tpu.memref_slice %dma_start3A_29[%dma_start3A_30, %dma_start3A_31] : memref<10240x64xf32, #tpu.memory_space<hbm>> -> memref<10240x64xf32, #tpu.memory_space<hbm>>
    tpu.enqueue_indirect_dma source(%dma_start3A_32 : memref<10240x64xf32, #tpu.memory_space<hbm>>) target(%arg8 : memref<128x64xf32, #tpu.memory_space<vmem>>) offsets(%dma_start3A_25 : memref<128xi32, #tpu.memory_space<vmem>>) semaphore(%arg11 : memref<!tpu.dma_semaphore, #tpu.memory_space<semaphore_mem>>)
    %dma_start3A_33 = arith.constant 1 : i32
    %dma_start3A_34 = arith.constant 0 : i32
    %dma_start3A_35 = tpu.memref_slice %arg6[%dma_start3A_33, %dma_start3A_34] : memref<164x128xi32, #tpu.memory_space<vmem>> -> memref<1x128xi32, #tpu.memory_space<vmem>>
    %dma_start3A_36 = tpu.memref_squeeze %dma_start3A_35 : memref<1x128xi32, #tpu.memory_space<vmem>> -> memref<128xi32, #tpu.memory_space<vmem>>
    %dma_start3A_37 = arith.constant 0 : i32
    %dma_start3A_38 = arith.constant 0 : i32
    %dma_start3A_39 = tpu.memref_slice %arg4[%arg0, %dma_start3A_37, %dma_start3A_38] : memref<2x10240x64xf32, #tpu.memory_space<hbm>> -> memref<1x10240x64xf32, #tpu.memory_space<hbm>>
    %dma_start3A_40 = tpu.memref_squeeze %dma_start3A_39 : memref<1x10240x64xf32, #tpu.memory_space<hbm>> -> memref<10240x64xf32, #tpu.memory_space<hbm>>
    %dma_start3A_41 = arith.constant 0 : i32
    %dma_start3A_42 = arith.constant 0 : i32
    %dma_start3A_43 = tpu.memref_slice %dma_start3A_40[%dma_start3A_41, %dma_start3A_42] : memref<10240x64xf32, #tpu.memory_space<hbm>> -> memref<10240x64xf32, #tpu.memory_space<hbm>>
    tpu.enqueue_indirect_dma source(%dma_start3A_43 : memref<10240x64xf32, #tpu.memory_space<hbm>>) target(%arg9 : memref<128x64xf32, #tpu.memory_space<vmem>>) offsets(%dma_start3A_36 : memref<128xi32, #tpu.memory_space<vmem>>) semaphore(%arg12 : memref<!tpu.dma_semaphore, #tpu.memory_space<semaphore_mem>>)
    %scan3A_44 = arith.constant 0 : i32
    %scan3A_45 = arith.constant 0 : i32
    %scan3A_46 = arith.constant 81 : i32
    %scan3A_47 = arith.addi %scan3A_45, %scan3A_46 : i32
    %scan3A_48 = arith.constant 1 : i32
    scf.for %scan3A_76 = %scan3A_45 to %scan3A_47 step %scan3A_48  : i32 {
      %mul3A_77 = arith.constant 2 : i32
      %mul3A_78 = arith.muli %mul3A_77, %scan3A_76 : i32
      %add3A_79 = arith.constant 0 : i32
      %add3A_80 = arith.addi %mul3A_78, %add3A_79 : i32
      %dma_wait3A_81 = arith.constant 0 : i32
      %dma_wait3A_82 = tpu.memref_slice %arg6[%add3A_80, %dma_wait3A_81] : memref<164x128xi32, #tpu.memory_space<vmem>> -> memref<1x128xi32, #tpu.memory_space<vmem>>
      %dma_wait3A_83 = tpu.memref_squeeze %dma_wait3A_82 : memref<1x128xi32, #tpu.memory_space<vmem>> -> memref<128xi32, #tpu.memory_space<vmem>>
      %dma_wait3A_84 = arith.constant 0 : i32
      %dma_wait3A_85 = arith.constant 0 : i32
      %dma_wait3A_86 = tpu.memref_slice %arg4[%arg0, %dma_wait3A_84, %dma_wait3A_85] : memref<2x10240x64xf32, #tpu.memory_space<hbm>> -> memref<1x10240x64xf32, #tpu.memory_space<hbm>>
      %dma_wait3A_87 = tpu.memref_squeeze %dma_wait3A_86 : memref<1x10240x64xf32, #tpu.memory_space<hbm>> -> memref<10240x64xf32, #tpu.memory_space<hbm>>
      %dma_wait3A_88 = arith.constant 0 : i32
      %dma_wait3A_89 = arith.constant 0 : i32
      %dma_wait3A_90 = tpu.memref_slice %dma_wait3A_87[%dma_wait3A_88, %dma_wait3A_89] : memref<10240x64xf32, #tpu.memory_space<hbm>> -> memref<10240x64xf32, #tpu.memory_space<hbm>>
      tpu.wait_indirect_dma semaphore(%arg11 : memref<!tpu.dma_semaphore, #tpu.memory_space<semaphore_mem>>) src(%dma_wait3A_90 : memref<10240x64xf32, #tpu.memory_space<hbm>>) dst(%arg8 : memref<128x64xf32, #tpu.memory_space<vmem>>)
      %add3A_91 = arith.constant 0 : i32
      %add3A_92 = arith.addi %mul3A_78, %add3A_91 : i32
      "tpu.region"() ({
        %run_scoped3A = tpu.sem_alloc : memref<!tpu.dma_semaphore, #tpu.memory_space<semaphore_mem>>
        %dma_start3A_135 = arith.constant 0 : i32
        %dma_start3A_136 = tpu.memref_slice %arg7[%add3A_92, %dma_start3A_135] : memref<162x128xi32, #tpu.memory_space<vmem>> -> memref<1x128xi32, #tpu.memory_space<vmem>>
        %dma_start3A_137 = tpu.memref_squeeze %dma_start3A_136 : memref<1x128xi32, #tpu.memory_space<vmem>> -> memref<128xi32, #tpu.memory_space<vmem>>
        %dma_start3A_138 = arith.constant 0 : i32
        %dma_start3A_139 = arith.constant 0 : i32
        %dma_start3A_140 = tpu.memref_slice %arg10[%dma_start3A_138, %dma_start3A_139] : memref<10240x64xf32, #tpu.memory_space<vmem_shared>> -> memref<10240x64xf32, #tpu.memory_space<vmem_shared>>
        tpu.enqueue_indirect_dma source(%arg8 : memref<128x64xf32, #tpu.memory_space<vmem>>) target(%dma_start3A_140 : memref<10240x64xf32, #tpu.memory_space<vmem_shared>>) offsets(%dma_start3A_137 : memref<128xi32, #tpu.memory_space<vmem>>) semaphore(%run_scoped3A : memref<!tpu.dma_semaphore, #tpu.memory_space<semaphore_mem>>) {add = true}
        %dma_wait3A_141 = arith.constant 0 : i32
        %dma_wait3A_142 = tpu.memref_slice %arg7[%add3A_92, %dma_wait3A_141] : memref<162x128xi32, #tpu.memory_space<vmem>> -> memref<1x128xi32, #tpu.memory_space<vmem>>
        %dma_wait3A_143 = tpu.memref_squeeze %dma_wait3A_142 : memref<1x128xi32, #tpu.memory_space<vmem>> -> memref<128xi32, #tpu.memory_space<vmem>>
        %dma_wait3A_144 = arith.constant 0 : i32
        %dma_wait3A_145 = arith.constant 0 : i32
        %dma_wait3A_146 = tpu.memref_slice %arg10[%dma_wait3A_144, %dma_wait3A_145] : memref<10240x64xf32, #tpu.memory_space<vmem_shared>> -> memref<10240x64xf32, #tpu.memory_space<vmem_shared>>
        tpu.wait_indirect_dma semaphore(%run_scoped3A : memref<!tpu.dma_semaphore, #tpu.memory_space<semaphore_mem>>) src(%arg8 : memref<128x64xf32, #tpu.memory_space<vmem>>) dst(%dma_wait3A_146 : memref<10240x64xf32, #tpu.memory_space<vmem_shared>>)
        tpu.yield
      }) : () -> ()
      %add3A_93 = arith.constant 0 : i32
      %add3A_94 = arith.addi %mul3A_78, %add3A_93 : i32
      %add3A_95 = arith.constant 2 : i32
      %add3A_96 = arith.addi %add3A_94, %add3A_95 : i32
      %dma_start3A_97 = arith.constant 0 : i32
      %dma_start3A_98 = tpu.memref_slice %arg6[%add3A_96, %dma_start3A_97] : memref<164x128xi32, #tpu.memory_space<vmem>> -> memref<1x128xi32, #tpu.memory_space<vmem>>
      %dma_start3A_99 = tpu.memref_squeeze %dma_start3A_98 : memref<1x128xi32, #tpu.memory_space<vmem>> -> memref<128xi32, #tpu.memory_space<vmem>>
      %dma_start3A_100 = arith.constant 0 : i32
      %dma_start3A_101 = arith.constant 0 : i32
      %dma_start3A_102 = tpu.memref_slice %arg4[%arg0, %dma_start3A_100, %dma_start3A_101] : memref<2x10240x64xf32, #tpu.memory_space<hbm>> -> memref<1x10240x64xf32, #tpu.memory_space<hbm>>
      %dma_start3A_103 = tpu.memref_squeeze %dma_start3A_102 : memref<1x10240x64xf32, #tpu.memory_space<hbm>> -> memref<10240x64xf32, #tpu.memory_space<hbm>>
      %dma_start3A_104 = arith.constant 0 : i32
      %dma_start3A_105 = arith.constant 0 : i32
      %dma_start3A_106 = tpu.memref_slice %dma_start3A_103[%dma_start3A_104, %dma_start3A_105] : memref<10240x64xf32, #tpu.memory_space<hbm>> -> memref<10240x64xf32, #tpu.memory_space<hbm>>
      tpu.enqueue_indirect_dma source(%dma_start3A_106 : memref<10240x64xf32, #tpu.memory_space<hbm>>) target(%arg8 : memref<128x64xf32, #tpu.memory_space<vmem>>) offsets(%dma_start3A_99 : memref<128xi32, #tpu.memory_space<vmem>>) semaphore(%arg11 : memref<!tpu.dma_semaphore, #tpu.memory_space<semaphore_mem>>)
      %add3A_107 = arith.constant 1 : i32
      %add3A_108 = arith.addi %mul3A_78, %add3A_107 : i32
      %dma_wait3A_109 = arith.constant 0 : i32
      %dma_wait3A_110 = tpu.memref_slice %arg6[%add3A_108, %dma_wait3A_109] : memref<164x128xi32, #tpu.memory_space<vmem>> -> memref<1x128xi32, #tpu.memory_space<vmem>>
      %dma_wait3A_111 = tpu.memref_squeeze %dma_wait3A_110 : memref<1x128xi32, #tpu.memory_space<vmem>> -> memref<128xi32, #tpu.memory_space<vmem>>
      %dma_wait3A_112 = arith.constant 0 : i32
      %dma_wait3A_113 = arith.constant 0 : i32
      %dma_wait3A_114 = tpu.memref_slice %arg4[%arg0, %dma_wait3A_112, %dma_wait3A_113] : memref<2x10240x64xf32, #tpu.memory_space<hbm>> -> memref<1x10240x64xf32, #tpu.memory_space<hbm>>
      %dma_wait3A_115 = tpu.memref_squeeze %dma_wait3A_114 : memref<1x10240x64xf32, #tpu.memory_space<hbm>> -> memref<10240x64xf32, #tpu.memory_space<hbm>>
      %dma_wait3A_116 = arith.constant 0 : i32
      %dma_wait3A_117 = arith.constant 0 : i32
      %dma_wait3A_118 = tpu.memref_slice %dma_wait3A_115[%dma_wait3A_116, %dma_wait3A_117] : memref<10240x64xf32, #tpu.memory_space<hbm>> -> memref<10240x64xf32, #tpu.memory_space<hbm>>
      tpu.wait_indirect_dma semaphore(%arg12 : memref<!tpu.dma_semaphore, #tpu.memory_space<semaphore_mem>>) src(%dma_wait3A_118 : memref<10240x64xf32, #tpu.memory_space<hbm>>) dst(%arg9 : memref<128x64xf32, #tpu.memory_space<vmem>>)
      %add3A_119 = arith.constant 1 : i32
      %add3A_120 = arith.addi %mul3A_78, %add3A_119 : i32
      "tpu.region"() ({
        %run_scoped3A = tpu.sem_alloc : memref<!tpu.dma_semaphore, #tpu.memory_space<semaphore_mem>>
        %dma_start3A_135 = arith.constant 0 : i32
        %dma_start3A_136 = tpu.memref_slice %arg7[%add3A_120, %dma_start3A_135] : memref<162x128xi32, #tpu.memory_space<vmem>> -> memref<1x128xi32, #tpu.memory_space<vmem>>
        %dma_start3A_137 = tpu.memref_squeeze %dma_start3A_136 : memref<1x128xi32, #tpu.memory_space<vmem>> -> memref<128xi32, #tpu.memory_space<vmem>>
        %dma_start3A_138 = arith.constant 0 : i32
        %dma_start3A_139 = arith.constant 0 : i32
        %dma_start3A_140 = tpu.memref_slice %arg10[%dma_start3A_138, %dma_start3A_139] : memref<10240x64xf32, #tpu.memory_space<vmem_shared>> -> memref<10240x64xf32, #tpu.memory_space<vmem_shared>>
        tpu.enqueue_indirect_dma source(%arg9 : memref<128x64xf32, #tpu.memory_space<vmem>>) target(%dma_start3A_140 : memref<10240x64xf32, #tpu.memory_space<vmem_shared>>) offsets(%dma_start3A_137 : memref<128xi32, #tpu.memory_space<vmem>>) semaphore(%run_scoped3A : memref<!tpu.dma_semaphore, #tpu.memory_space<semaphore_mem>>) {add = true}
        %dma_wait3A_141 = arith.constant 0 : i32
        %dma_wait3A_142 = tpu.memref_slice %arg7[%add3A_120, %dma_wait3A_141] : memref<162x128xi32, #tpu.memory_space<vmem>> -> memref<1x128xi32, #tpu.memory_space<vmem>>
        %dma_wait3A_143 = tpu.memref_squeeze %dma_wait3A_142 : memref<1x128xi32, #tpu.memory_space<vmem>> -> memref<128xi32, #tpu.memory_space<vmem>>
        %dma_wait3A_144 = arith.constant 0 : i32
        %dma_wait3A_145 = arith.constant 0 : i32
        %dma_wait3A_146 = tpu.memref_slice %arg10[%dma_wait3A_144, %dma_wait3A_145] : memref<10240x64xf32, #tpu.memory_space<vmem_shared>> -> memref<10240x64xf32, #tpu.memory_space<vmem_shared>>
        tpu.wait_indirect_dma semaphore(%run_scoped3A : memref<!tpu.dma_semaphore, #tpu.memory_space<semaphore_mem>>) src(%arg9 : memref<128x64xf32, #tpu.memory_space<vmem>>) dst(%dma_wait3A_146 : memref<10240x64xf32, #tpu.memory_space<vmem_shared>>)
        tpu.yield
      }) : () -> ()
      %add3A_121 = arith.constant 1 : i32
      %add3A_122 = arith.addi %mul3A_78, %add3A_121 : i32
      %add3A_123 = arith.constant 2 : i32
      %add3A_124 = arith.addi %add3A_122, %add3A_123 : i32
      %dma_start3A_125 = arith.constant 0 : i32
      %dma_start3A_126 = tpu.memref_slice %arg6[%add3A_124, %dma_start3A_125] : memref<164x128xi32, #tpu.memory_space<vmem>> -> memref<1x128xi32, #tpu.memory_space<vmem>>
      %dma_start3A_127 = tpu.memref_squeeze %dma_start3A_126 : memref<1x128xi32, #tpu.memory_space<vmem>> -> memref<128xi32, #tpu.memory_space<vmem>>
      %dma_start3A_128 = arith.constant 0 : i32
      %dma_start3A_129 = arith.constant 0 : i32
      %dma_start3A_130 = tpu.memref_slice %arg4[%arg0, %dma_start3A_128, %dma_start3A_129] : memref<2x10240x64xf32, #tpu.memory_space<hbm>> -> memref<1x10240x64xf32, #tpu.memory_space<hbm>>
      %dma_start3A_131 = tpu.memref_squeeze %dma_start3A_130 : memref<1x10240x64xf32, #tpu.memory_space<hbm>> -> memref<10240x64xf32, #tpu.memory_space<hbm>>
      %dma_start3A_132 = arith.constant 0 : i32
      %dma_start3A_133 = arith.constant 0 : i32
      %dma_start3A_134 = tpu.memref_slice %dma_start3A_131[%dma_start3A_132, %dma_start3A_133] : memref<10240x64xf32, #tpu.memory_space<hbm>> -> memref<10240x64xf32, #tpu.memory_space<hbm>>
      tpu.enqueue_indirect_dma source(%dma_start3A_134 : memref<10240x64xf32, #tpu.memory_space<hbm>>) target(%arg9 : memref<128x64xf32, #tpu.memory_space<vmem>>) offsets(%dma_start3A_127 : memref<128xi32, #tpu.memory_space<vmem>>) semaphore(%arg12 : memref<!tpu.dma_semaphore, #tpu.memory_space<semaphore_mem>>)
    }
    %scan3A_49 = arith.constant 81 : i32
    %dma_wait3A = arith.constant 0 : i32
    %dma_wait3A_50 = arith.constant 0 : i32
    %dma_wait3A_51 = tpu.memref_slice %arg6[%dma_wait3A, %dma_wait3A_50] : memref<164x128xi32, #tpu.memory_space<vmem>> -> memref<1x128xi32, #tpu.memory_space<vmem>>
    %dma_wait3A_52 = tpu.memref_squeeze %dma_wait3A_51 : memref<1x128xi32, #tpu.memory_space<vmem>> -> memref<128xi32, #tpu.memory_space<vmem>>
    %dma_wait3A_53 = arith.constant 0 : i32
    %dma_wait3A_54 = arith.constant 0 : i32
    %dma_wait3A_55 = tpu.memref_slice %arg4[%arg0, %dma_wait3A_53, %dma_wait3A_54] : memref<2x10240x64xf32, #tpu.memory_space<hbm>> -> memref<1x10240x64xf32, #tpu.memory_space<hbm>>
    %dma_wait3A_56 = tpu.memref_squeeze %dma_wait3A_55 : memref<1x10240x64xf32, #tpu.memory_space<hbm>> -> memref<10240x64xf32, #tpu.memory_space<hbm>>
    %dma_wait3A_57 = arith.constant 0 : i32
    %dma_wait3A_58 = arith.constant 0 : i32
    %dma_wait3A_59 = tpu.memref_slice %dma_wait3A_56[%dma_wait3A_57, %dma_wait3A_58] : memref<10240x64xf32, #tpu.memory_space<hbm>> -> memref<10240x64xf32, #tpu.memory_space<hbm>>
    tpu.wait_indirect_dma semaphore(%arg11 : memref<!tpu.dma_semaphore, #tpu.memory_space<semaphore_mem>>) src(%dma_wait3A_59 : memref<10240x64xf32, #tpu.memory_space<hbm>>) dst(%arg8 : memref<128x64xf32, #tpu.memory_space<vmem>>)
    %dma_wait3A_60 = arith.constant 0 : i32
    %dma_wait3A_61 = arith.constant 0 : i32
    %dma_wait3A_62 = tpu.memref_slice %arg6[%dma_wait3A_60, %dma_wait3A_61] : memref<164x128xi32, #tpu.memory_space<vmem>> -> memref<1x128xi32, #tpu.memory_space<vmem>>
    %dma_wait3A_63 = tpu.memref_squeeze %dma_wait3A_62 : memref<1x128xi32, #tpu.memory_space<vmem>> -> memref<128xi32, #tpu.memory_space<vmem>>
    %dma_wait3A_64 = arith.constant 0 : i32
    %dma_wait3A_65 = arith.constant 0 : i32
    %dma_wait3A_66 = tpu.memref_slice %arg4[%arg0, %dma_wait3A_64, %dma_wait3A_65] : memref<2x10240x64xf32, #tpu.memory_space<hbm>> -> memref<1x10240x64xf32, #tpu.memory_space<hbm>>
    %dma_wait3A_67 = tpu.memref_squeeze %dma_wait3A_66 : memref<1x10240x64xf32, #tpu.memory_space<hbm>> -> memref<10240x64xf32, #tpu.memory_space<hbm>>
    %dma_wait3A_68 = arith.constant 0 : i32
    %dma_wait3A_69 = arith.constant 0 : i32
    %dma_wait3A_70 = tpu.memref_slice %dma_wait3A_67[%dma_wait3A_68, %dma_wait3A_69] : memref<10240x64xf32, #tpu.memory_space<hbm>> -> memref<10240x64xf32, #tpu.memory_space<hbm>>
    tpu.wait_indirect_dma semaphore(%arg12 : memref<!tpu.dma_semaphore, #tpu.memory_space<semaphore_mem>>) src(%dma_wait3A_70 : memref<10240x64xf32, #tpu.memory_space<hbm>>) dst(%arg9 : memref<128x64xf32, #tpu.memory_space<vmem>>)
    %barrier3A_71 = arith.constant 0 : index
    tpu.barrier barrier_id(%barrier3A_71)
    %mul3A_72 = arith.constant 640 : i32
    %mul3A_73 = arith.muli %arg1, %mul3A_72 : i32
    %mul3A_74 = arith.constant 640 : i32
    %mul3A_75 = arith.muli %arg1, %mul3A_74 : i32
    "tpu.region"() ({
      %run_scoped3A = tpu.sem_alloc : memref<!tpu.dma_semaphore, #tpu.memory_space<semaphore_mem>>
      %dma_start3A_76 = arith.constant 0 : i32
      %dma_start3A_77 = tpu.memref_slice %arg5[%arg0, %mul3A_75, %dma_start3A_76] : memref<2x10240x64xf32, #tpu.memory_space<hbm>> -> memref<1x640x64xf32, #tpu.memory_space<hbm>>
      %dma_start3A_78 = tpu.memref_squeeze %dma_start3A_77 : memref<1x640x64xf32, #tpu.memory_space<hbm>> -> memref<640x64xf32, #tpu.memory_space<hbm>>
      %dma_start3A_79 = arith.constant 0 : i32
      %dma_start3A_80 = tpu.memref_slice %arg10[%mul3A_73, %dma_start3A_79] : memref<10240x64xf32, #tpu.memory_space<vmem_shared>> -> memref<640x64xf32, #tpu.memory_space<vmem_shared>>
      tpu.enqueue_dma source(%dma_start3A_80 : memref<640x64xf32, #tpu.memory_space<vmem_shared>>) target(%dma_start3A_78 : memref<640x64xf32, #tpu.memory_space<hbm>>) target_semaphore(%run_scoped3A : memref<!tpu.dma_semaphore, #tpu.memory_space<semaphore_mem>>)
      %dma_wait3A_81 = arith.constant 0 : i32
      %dma_wait3A_82 = tpu.memref_slice %arg5[%arg0, %mul3A_75, %dma_wait3A_81] : memref<2x10240x64xf32, #tpu.memory_space<hbm>> -> memref<1x640x64xf32, #tpu.memory_space<hbm>>
      %dma_wait3A_83 = tpu.memref_squeeze %dma_wait3A_82 : memref<1x640x64xf32, #tpu.memory_space<hbm>> -> memref<640x64xf32, #tpu.memory_space<hbm>>
      %dma_wait3A_84 = arith.constant 0 : i32
      %dma_wait3A_85 = tpu.memref_slice %arg10[%mul3A_73, %dma_wait3A_84] : memref<10240x64xf32, #tpu.memory_space<vmem_shared>> -> memref<640x64xf32, #tpu.memory_space<vmem_shared>>
      tpu.wait_dma2 semaphore(%run_scoped3A : memref<!tpu.dma_semaphore, #tpu.memory_space<semaphore_mem>>) src(%dma_wait3A_85 : memref<640x64xf32, #tpu.memory_space<vmem_shared>>) dst(%dma_wait3A_83 : memref<640x64xf32, #tpu.memory_space<hbm>>)
      tpu.yield
    }) : () -> ()
    return
  }
}

#map = affine_map<(d0, d1) -> (0, 0, 0)>
module attributes {stable_mosaic.version = 14 : i64} {
  func.func @_deg_body(%arg0: i32, %arg1: i32, %arg2: memref<32x82x128xi32, #tpu.memory_space<hbm>>, %arg3: memref<2x10240x16xf32, #tpu.memory_space<hbm>>, %arg4: memref<82x128xi32, #tpu.memory_space<vmem>>, %arg5: memref<128x16xf32, #tpu.memory_space<vmem>>, %arg6: memref<128x16xf32, #tpu.memory_space<vmem>>, %arg7: memref<10240x16xf32, #tpu.memory_space<vmem_shared>>) attributes {dimension_semantics = [#tpu.dimension_semantics<core_parallel>, #tpu.dimension_semantics<subcore_parallel>], iteration_bounds = array<i64: 2, 16>, scalar_prefetch = 0 : i64, scratch_operands = 4 : i64, tpu.core_type = #tpu.core_type<sc_vector_subcore>, window_params = [{transform_indices = #map}, {transform_indices = #map}]} {
    %mul3A = arith.constant 16 : i32
    %mul3A_0 = arith.muli %arg0, %mul3A : i32
    %add3A = arith.addi %mul3A_0, %arg1 : i32
    %scan3A = arith.constant 0 : i32
    %scan3A_1 = arith.constant 0 : i32
    %scan3A_2 = arith.constant 128 : i32
    %scan3A_3 = arith.addi %scan3A_1, %scan3A_2 : i32
    %scan3A_4 = arith.constant 1 : i32
    scf.for %scan3A_73 = %scan3A_1 to %scan3A_3 step %scan3A_4  : i32 {
      %broadcast_in_dim3A = arith.constant 0.000000e+00 : f32
      %broadcast_in_dim3A_74 = vector.broadcast %broadcast_in_dim3A : f32 to vector<16xf32>
      %swap3A = arith.index_cast %scan3A_73 : i32 to index
      %swap3A_75 = arith.constant 0 : index
      %swap3A_76 = tpu.vector_load %arg6[%swap3A, %swap3A_75] {strides = array<i32>} : memref<128x16xf32, #tpu.memory_space<vmem>>, vector<1x16xf32>,
      %swap3A_77 = vector.shape_cast %swap3A_76 : vector<1x16xf32> to vector<16xf32>
      %swap3A_78 = vector.shape_cast %broadcast_in_dim3A_74 : vector<16xf32> to vector<1x16xf32>
      tpu.vector_store %arg6[%swap3A, %swap3A_75], %swap3A_78 {strides = array<i32>} : memref<128x16xf32, #tpu.memory_space<vmem>>, vector<1x16xf32>,
      %broadcast_in_dim3A_79 = arith.constant 1.000000e+00 : f32
      %broadcast_in_dim3A_80 = vector.broadcast %broadcast_in_dim3A_79 : f32 to vector<16xf32>
      %swap3A_81 = arith.index_cast %scan3A_73 : i32 to index
      %swap3A_82 = arith.constant 0 : index
      %swap3A_83 = tpu.vector_load %arg5[%swap3A_81, %swap3A_82] {strides = array<i32>} : memref<128x16xf32, #tpu.memory_space<vmem>>, vector<1x16xf32>,
      %swap3A_84 = vector.shape_cast %swap3A_83 : vector<1x16xf32> to vector<16xf32>
      %swap3A_85 = vector.shape_cast %broadcast_in_dim3A_80 : vector<16xf32> to vector<1x16xf32>
      tpu.vector_store %arg5[%swap3A_81, %swap3A_82], %swap3A_85 {strides = array<i32>} : memref<128x16xf32, #tpu.memory_space<vmem>>, vector<1x16xf32>,
    }
    %scan3A_5 = arith.constant 128 : i32
    %mul3A_6 = arith.constant 640 : i32
    %mul3A_7 = arith.muli %arg1, %mul3A_6 : i32
    %add3A_8 = arith.constant 0 : i32
    %add3A_9 = arith.addi %mul3A_7, %add3A_8 : i32
    "tpu.region"() ({
      %run_scoped3A = tpu.sem_alloc : memref<!tpu.dma_semaphore, #tpu.memory_space<semaphore_mem>>
      %dma_start3A = arith.constant 0 : i32
      %dma_start3A_73 = tpu.memref_slice %arg7[%add3A_9, %dma_start3A] : memref<10240x16xf32, #tpu.memory_space<vmem_shared>> -> memref<128x16xf32, #tpu.memory_space<vmem_shared>>
      %dma_start3A_74 = arith.constant 0 : i32
      %dma_start3A_75 = tpu.memref_slice %arg7[%add3A_9, %dma_start3A_74] : memref<10240x16xf32, #tpu.memory_space<vmem_shared>> -> memref<128x16xf32, #tpu.memory_space<vmem_shared>>
      tpu.enqueue_dma source(%arg6 : memref<128x16xf32, #tpu.memory_space<vmem>>) target(%dma_start3A_75 : memref<128x16xf32, #tpu.memory_space<vmem_shared>>) target_semaphore(%run_scoped3A : memref<!tpu.dma_semaphore, #tpu.memory_space<semaphore_mem>>)
      %dma_wait3A = arith.constant 0 : i32
      %dma_wait3A_76 = tpu.memref_slice %arg7[%add3A_9, %dma_wait3A] : memref<10240x16xf32, #tpu.memory_space<vmem_shared>> -> memref<128x16xf32, #tpu.memory_space<vmem_shared>>
      %dma_wait3A_77 = arith.constant 0 : i32
      %dma_wait3A_78 = tpu.memref_slice %arg7[%add3A_9, %dma_wait3A_77] : memref<10240x16xf32, #tpu.memory_space<vmem_shared>> -> memref<128x16xf32, #tpu.memory_space<vmem_shared>>
      tpu.wait_dma2 semaphore(%run_scoped3A : memref<!tpu.dma_semaphore, #tpu.memory_space<semaphore_mem>>) src(%arg6 : memref<128x16xf32, #tpu.memory_space<vmem>>) dst(%dma_wait3A_78 : memref<128x16xf32, #tpu.memory_space<vmem_shared>>)
      tpu.yield
    }) : () -> ()
    %mul3A_10 = arith.constant 640 : i32
    %mul3A_11 = arith.muli %arg1, %mul3A_10 : i32
    %add3A_12 = arith.constant 128 : i32
    %add3A_13 = arith.addi %mul3A_11, %add3A_12 : i32
    "tpu.region"() ({
      %run_scoped3A = tpu.sem_alloc : memref<!tpu.dma_semaphore, #tpu.memory_space<semaphore_mem>>
      %dma_start3A = arith.constant 0 : i32
      %dma_start3A_73 = tpu.memref_slice %arg7[%add3A_13, %dma_start3A] : memref<10240x16xf32, #tpu.memory_space<vmem_shared>> -> memref<128x16xf32, #tpu.memory_space<vmem_shared>>
      %dma_start3A_74 = arith.constant 0 : i32
      %dma_start3A_75 = tpu.memref_slice %arg7[%add3A_13, %dma_start3A_74] : memref<10240x16xf32, #tpu.memory_space<vmem_shared>> -> memref<128x16xf32, #tpu.memory_space<vmem_shared>>
      tpu.enqueue_dma source(%arg6 : memref<128x16xf32, #tpu.memory_space<vmem>>) target(%dma_start3A_75 : memref<128x16xf32, #tpu.memory_space<vmem_shared>>) target_semaphore(%run_scoped3A : memref<!tpu.dma_semaphore, #tpu.memory_space<semaphore_mem>>)
      %dma_wait3A = arith.constant 0 : i32
      %dma_wait3A_76 = tpu.memref_slice %arg7[%add3A_13, %dma_wait3A] : memref<10240x16xf32, #tpu.memory_space<vmem_shared>> -> memref<128x16xf32, #tpu.memory_space<vmem_shared>>
      %dma_wait3A_77 = arith.constant 0 : i32
      %dma_wait3A_78 = tpu.memref_slice %arg7[%add3A_13, %dma_wait3A_77] : memref<10240x16xf32, #tpu.memory_space<vmem_shared>> -> memref<128x16xf32, #tpu.memory_space<vmem_shared>>
      tpu.wait_dma2 semaphore(%run_scoped3A : memref<!tpu.dma_semaphore, #tpu.memory_space<semaphore_mem>>) src(%arg6 : memref<128x16xf32, #tpu.memory_space<vmem>>) dst(%dma_wait3A_78 : memref<128x16xf32, #tpu.memory_space<vmem_shared>>)
      tpu.yield
    }) : () -> ()
    %mul3A_14 = arith.constant 640 : i32
    %mul3A_15 = arith.muli %arg1, %mul3A_14 : i32
    %add3A_16 = arith.constant 256 : i32
    %add3A_17 = arith.addi %mul3A_15, %add3A_16 : i32
    "tpu.region"() ({
      %run_scoped3A = tpu.sem_alloc : memref<!tpu.dma_semaphore, #tpu.memory_space<semaphore_mem>>
      %dma_start3A = arith.constant 0 : i32
      %dma_start3A_73 = tpu.memref_slice %arg7[%add3A_17, %dma_start3A] : memref<10240x16xf32, #tpu.memory_space<vmem_shared>> -> memref<128x16xf32, #tpu.memory_space<vmem_shared>>
      %dma_start3A_74 = arith.constant 0 : i32
      %dma_start3A_75 = tpu.memref_slice %arg7[%add3A_17, %dma_start3A_74] : memref<10240x16xf32, #tpu.memory_space<vmem_shared>> -> memref<128x16xf32, #tpu.memory_space<vmem_shared>>
      tpu.enqueue_dma source(%arg6 : memref<128x16xf32, #tpu.memory_space<vmem>>) target(%dma_start3A_75 : memref<128x16xf32, #tpu.memory_space<vmem_shared>>) target_semaphore(%run_scoped3A : memref<!tpu.dma_semaphore, #tpu.memory_space<semaphore_mem>>)
      %dma_wait3A = arith.constant 0 : i32
      %dma_wait3A_76 = tpu.memref_slice %arg7[%add3A_17, %dma_wait3A] : memref<10240x16xf32, #tpu.memory_space<vmem_shared>> -> memref<128x16xf32, #tpu.memory_space<vmem_shared>>
      %dma_wait3A_77 = arith.constant 0 : i32
      %dma_wait3A_78 = tpu.memref_slice %arg7[%add3A_17, %dma_wait3A_77] : memref<10240x16xf32, #tpu.memory_space<vmem_shared>> -> memref<128x16xf32, #tpu.memory_space<vmem_shared>>
      tpu.wait_dma2 semaphore(%run_scoped3A : memref<!tpu.dma_semaphore, #tpu.memory_space<semaphore_mem>>) src(%arg6 : memref<128x16xf32, #tpu.memory_space<vmem>>) dst(%dma_wait3A_78 : memref<128x16xf32, #tpu.memory_space<vmem_shared>>)
      tpu.yield
    }) : () -> ()
    %mul3A_18 = arith.constant 640 : i32
    %mul3A_19 = arith.muli %arg1, %mul3A_18 : i32
    %add3A_20 = arith.constant 384 : i32
    %add3A_21 = arith.addi %mul3A_19, %add3A_20 : i32
    "tpu.region"() ({
      %run_scoped3A = tpu.sem_alloc : memref<!tpu.dma_semaphore, #tpu.memory_space<semaphore_mem>>
      %dma_start3A = arith.constant 0 : i32
      %dma_start3A_73 = tpu.memref_slice %arg7[%add3A_21, %dma_start3A] : memref<10240x16xf32, #tpu.memory_space<vmem_shared>> -> memref<128x16xf32, #tpu.memory_space<vmem_shared>>
      %dma_start3A_74 = arith.constant 0 : i32
      %dma_start3A_75 = tpu.memref_slice %arg7[%add3A_21, %dma_start3A_74] : memref<10240x16xf32, #tpu.memory_space<vmem_shared>> -> memref<128x16xf32, #tpu.memory_space<vmem_shared>>
      tpu.enqueue_dma source(%arg6 : memref<128x16xf32, #tpu.memory_space<vmem>>) target(%dma_start3A_75 : memref<128x16xf32, #tpu.memory_space<vmem_shared>>) target_semaphore(%run_scoped3A : memref<!tpu.dma_semaphore, #tpu.memory_space<semaphore_mem>>)
      %dma_wait3A = arith.constant 0 : i32
      %dma_wait3A_76 = tpu.memref_slice %arg7[%add3A_21, %dma_wait3A] : memref<10240x16xf32, #tpu.memory_space<vmem_shared>> -> memref<128x16xf32, #tpu.memory_space<vmem_shared>>
      %dma_wait3A_77 = arith.constant 0 : i32
      %dma_wait3A_78 = tpu.memref_slice %arg7[%add3A_21, %dma_wait3A_77] : memref<10240x16xf32, #tpu.memory_space<vmem_shared>> -> memref<128x16xf32, #tpu.memory_space<vmem_shared>>
      tpu.wait_dma2 semaphore(%run_scoped3A : memref<!tpu.dma_semaphore, #tpu.memory_space<semaphore_mem>>) src(%arg6 : memref<128x16xf32, #tpu.memory_space<vmem>>) dst(%dma_wait3A_78 : memref<128x16xf32, #tpu.memory_space<vmem_shared>>)
      tpu.yield
    }) : () -> ()
    %mul3A_22 = arith.constant 640 : i32
    %mul3A_23 = arith.muli %arg1, %mul3A_22 : i32
    %add3A_24 = arith.constant 512 : i32
    %add3A_25 = arith.addi %mul3A_23, %add3A_24 : i32
    "tpu.region"() ({
      %run_scoped3A = tpu.sem_alloc : memref<!tpu.dma_semaphore, #tpu.memory_space<semaphore_mem>>
      %dma_start3A = arith.constant 0 : i32
      %dma_start3A_73 = tpu.memref_slice %arg7[%add3A_25, %dma_start3A] : memref<10240x16xf32, #tpu.memory_space<vmem_shared>> -> memref<128x16xf32, #tpu.memory_space<vmem_shared>>
      %dma_start3A_74 = arith.constant 0 : i32
      %dma_start3A_75 = tpu.memref_slice %arg7[%add3A_25, %dma_start3A_74] : memref<10240x16xf32, #tpu.memory_space<vmem_shared>> -> memref<128x16xf32, #tpu.memory_space<vmem_shared>>
      tpu.enqueue_dma source(%arg6 : memref<128x16xf32, #tpu.memory_space<vmem>>) target(%dma_start3A_75 : memref<128x16xf32, #tpu.memory_space<vmem_shared>>) target_semaphore(%run_scoped3A : memref<!tpu.dma_semaphore, #tpu.memory_space<semaphore_mem>>)
      %dma_wait3A = arith.constant 0 : i32
      %dma_wait3A_76 = tpu.memref_slice %arg7[%add3A_25, %dma_wait3A] : memref<10240x16xf32, #tpu.memory_space<vmem_shared>> -> memref<128x16xf32, #tpu.memory_space<vmem_shared>>
      %dma_wait3A_77 = arith.constant 0 : i32
      %dma_wait3A_78 = tpu.memref_slice %arg7[%add3A_25, %dma_wait3A_77] : memref<10240x16xf32, #tpu.memory_space<vmem_shared>> -> memref<128x16xf32, #tpu.memory_space<vmem_shared>>
      tpu.wait_dma2 semaphore(%run_scoped3A : memref<!tpu.dma_semaphore, #tpu.memory_space<semaphore_mem>>) src(%arg6 : memref<128x16xf32, #tpu.memory_space<vmem>>) dst(%dma_wait3A_78 : memref<128x16xf32, #tpu.memory_space<vmem_shared>>)
      tpu.yield
    }) : () -> ()
    %barrier3A = arith.constant 0 : index
    tpu.barrier barrier_id(%barrier3A)
    "tpu.region"() ({
      %run_scoped3A = tpu.sem_alloc : memref<!tpu.dma_semaphore, #tpu.memory_space<semaphore_mem>>
      %dma_start3A = arith.constant 0 : i32
      %dma_start3A_73 = arith.constant 0 : i32
      %dma_start3A_74 = tpu.memref_slice %arg2[%add3A, %dma_start3A, %dma_start3A_73] : memref<32x82x128xi32, #tpu.memory_space<hbm>> -> memref<1x82x128xi32, #tpu.memory_space<hbm>>
      %dma_start3A_75 = tpu.memref_squeeze %dma_start3A_74 : memref<1x82x128xi32, #tpu.memory_space<hbm>> -> memref<82x128xi32, #tpu.memory_space<hbm>>
      %dma_start3A_76 = arith.constant 0 : i32
      %dma_start3A_77 = arith.constant 0 : i32
      %dma_start3A_78 = tpu.memref_slice %arg2[%add3A, %dma_start3A_76, %dma_start3A_77] : memref<32x82x128xi32, #tpu.memory_space<hbm>> -> memref<1x82x128xi32, #tpu.memory_space<hbm>>
      %dma_start3A_79 = tpu.memref_squeeze %dma_start3A_78 : memref<1x82x128xi32, #tpu.memory_space<hbm>> -> memref<82x128xi32, #tpu.memory_space<hbm>>
      tpu.enqueue_dma source(%dma_start3A_79 : memref<82x128xi32, #tpu.memory_space<hbm>>) target(%arg4 : memref<82x128xi32, #tpu.memory_space<vmem>>) target_semaphore(%run_scoped3A : memref<!tpu.dma_semaphore, #tpu.memory_space<semaphore_mem>>)
      %dma_wait3A = arith.constant 0 : i32
      %dma_wait3A_80 = arith.constant 0 : i32
      %dma_wait3A_81 = tpu.memref_slice %arg2[%add3A, %dma_wait3A, %dma_wait3A_80] : memref<32x82x128xi32, #tpu.memory_space<hbm>> -> memref<1x82x128xi32, #tpu.memory_space<hbm>>
      %dma_wait3A_82 = tpu.memref_squeeze %dma_wait3A_81 : memref<1x82x128xi32, #tpu.memory_space<hbm>> -> memref<82x128xi32, #tpu.memory_space<hbm>>
      %dma_wait3A_83 = arith.constant 0 : i32
      %dma_wait3A_84 = arith.constant 0 : i32
      %dma_wait3A_85 = tpu.memref_slice %arg2[%add3A, %dma_wait3A_83, %dma_wait3A_84] : memref<32x82x128xi32, #tpu.memory_space<hbm>> -> memref<1x82x128xi32, #tpu.memory_space<hbm>>
      %dma_wait3A_86 = tpu.memref_squeeze %dma_wait3A_85 : memref<1x82x128xi32, #tpu.memory_space<hbm>> -> memref<82x128xi32, #tpu.memory_space<hbm>>
      tpu.wait_dma2 semaphore(%run_scoped3A : memref<!tpu.dma_semaphore, #tpu.memory_space<semaphore_mem>>) src(%dma_wait3A_86 : memref<82x128xi32, #tpu.memory_space<hbm>>) dst(%arg4 : memref<82x128xi32, #tpu.memory_space<vmem>>)
      tpu.yield
    }) : () -> ()
    %scan3A_26 = arith.constant 0 : i32
    %scan3A_27 = arith.constant 0 : i32
    %scan3A_28 = arith.constant 82 : i32
    %scan3A_29 = arith.addi %scan3A_27, %scan3A_28 : i32
    %scan3A_30 = arith.constant 1 : i32
    scf.for %scan3A_73 = %scan3A_27 to %scan3A_29 step %scan3A_30  : i32 {
      "tpu.region"() ({
        %run_scoped3A = tpu.sem_alloc : memref<!tpu.dma_semaphore, #tpu.memory_space<semaphore_mem>>
        %dma_start3A = arith.constant 0 : i32
        %dma_start3A_74 = tpu.memref_slice %arg4[%scan3A_73, %dma_start3A] : memref<82x128xi32, #tpu.memory_space<vmem>> -> memref<1x128xi32, #tpu.memory_space<vmem>>
        %dma_start3A_75 = tpu.memref_squeeze %dma_start3A_74 : memref<1x128xi32, #tpu.memory_space<vmem>> -> memref<128xi32, #tpu.memory_space<vmem>>
        %dma_start3A_76 = arith.constant 0 : i32
        %dma_start3A_77 = arith.constant 0 : i32
        %dma_start3A_78 = tpu.memref_slice %arg7[%dma_start3A_76, %dma_start3A_77] : memref<10240x16xf32, #tpu.memory_space<vmem_shared>> -> memref<10240x16xf32, #tpu.memory_space<vmem_shared>>
        tpu.enqueue_indirect_dma source(%arg5 : memref<128x16xf32, #tpu.memory_space<vmem>>) target(%dma_start3A_78 : memref<10240x16xf32, #tpu.memory_space<vmem_shared>>) offsets(%dma_start3A_75 : memref<128xi32, #tpu.memory_space<vmem>>) semaphore(%run_scoped3A : memref<!tpu.dma_semaphore, #tpu.memory_space<semaphore_mem>>) {add = true}
        %dma_wait3A = arith.constant 0 : i32
        %dma_wait3A_79 = tpu.memref_slice %arg4[%scan3A_73, %dma_wait3A] : memref<82x128xi32, #tpu.memory_space<vmem>> -> memref<1x128xi32, #tpu.memory_space<vmem>>
        %dma_wait3A_80 = tpu.memref_squeeze %dma_wait3A_79 : memref<1x128xi32, #tpu.memory_space<vmem>> -> memref<128xi32, #tpu.memory_space<vmem>>
        %dma_wait3A_81 = arith.constant 0 : i32
        %dma_wait3A_82 = arith.constant 0 : i32
        %dma_wait3A_83 = tpu.memref_slice %arg7[%dma_wait3A_81, %dma_wait3A_82] : memref<10240x16xf32, #tpu.memory_space<vmem_shared>> -> memref<10240x16xf32, #tpu.memory_space<vmem_shared>>
        tpu.wait_indirect_dma semaphore(%run_scoped3A : memref<!tpu.dma_semaphore, #tpu.memory_space<semaphore_mem>>) src(%arg5 : memref<128x16xf32, #tpu.memory_space<vmem>>) dst(%dma_wait3A_83 : memref<10240x16xf32, #tpu.memory_space<vmem_shared>>)
        tpu.yield
      }) : () -> ()
    }
    %scan3A_31 = arith.constant 82 : i32
    %barrier3A_32 = arith.constant 0 : index
    tpu.barrier barrier_id(%barrier3A_32)
    %mul3A_33 = arith.constant 640 : i32
    %mul3A_34 = arith.muli %arg1, %mul3A_33 : i32
    %add3A_35 = arith.constant 0 : i32
    %add3A_36 = arith.addi %mul3A_34, %add3A_35 : i32
    %mul3A_37 = arith.constant 640 : i32
    %mul3A_38 = arith.muli %arg1, %mul3A_37 : i32
    %add3A_39 = arith.constant 0 : i32
    %add3A_40 = arith.addi %mul3A_38, %add3A_39 : i32
    "tpu.region"() ({
      %run_scoped3A = tpu.sem_alloc : memref<!tpu.dma_semaphore, #tpu.memory_space<semaphore_mem>>
      %dma_start3A = arith.constant 0 : i32
      %dma_start3A_73 = tpu.memref_slice %arg3[%arg0, %add3A_40, %dma_start3A] : memref<2x10240x16xf32, #tpu.memory_space<hbm>> -> memref<1x128x16xf32, #tpu.memory_space<hbm>>
      %dma_start3A_74 = tpu.memref_squeeze %dma_start3A_73 : memref<1x128x16xf32, #tpu.memory_space<hbm>> -> memref<128x16xf32, #tpu.memory_space<hbm>>
      %dma_start3A_75 = arith.constant 0 : i32
      %dma_start3A_76 = tpu.memref_slice %arg7[%add3A_36, %dma_start3A_75] : memref<10240x16xf32, #tpu.memory_space<vmem_shared>> -> memref<128x16xf32, #tpu.memory_space<vmem_shared>>
      tpu.enqueue_dma source(%dma_start3A_76 : memref<128x16xf32, #tpu.memory_space<vmem_shared>>) target(%dma_start3A_74 : memref<128x16xf32, #tpu.memory_space<hbm>>) target_semaphore(%run_scoped3A : memref<!tpu.dma_semaphore, #tpu.memory_space<semaphore_mem>>)
      %dma_wait3A = arith.constant 0 : i32
      %dma_wait3A_77 = tpu.memref_slice %arg3[%arg0, %add3A_40, %dma_wait3A] : memref<2x10240x16xf32, #tpu.memory_space<hbm>> -> memref<1x128x16xf32, #tpu.memory_space<hbm>>
      %dma_wait3A_78 = tpu.memref_squeeze %dma_wait3A_77 : memref<1x128x16xf32, #tpu.memory_space<hbm>> -> memref<128x16xf32, #tpu.memory_space<hbm>>
      %dma_wait3A_79 = arith.constant 0 : i32
      %dma_wait3A_80 = tpu.memref_slice %arg7[%add3A_36, %dma_wait3A_79] : memref<10240x16xf32, #tpu.memory_space<vmem_shared>> -> memref<128x16xf32, #tpu.memory_space<vmem_shared>>
      tpu.wait_dma2 semaphore(%run_scoped3A : memref<!tpu.dma_semaphore, #tpu.memory_space<semaphore_mem>>) src(%dma_wait3A_80 : memref<128x16xf32, #tpu.memory_space<vmem_shared>>) dst(%dma_wait3A_78 : memref<128x16xf32, #tpu.memory_space<hbm>>)
      tpu.yield
    }) : () -> ()
    %mul3A_41 = arith.constant 640 : i32
    %mul3A_42 = arith.muli %arg1, %mul3A_41 : i32
    %add3A_43 = arith.constant 128 : i32
    %add3A_44 = arith.addi %mul3A_42, %add3A_43 : i32
    %mul3A_45 = arith.constant 640 : i32
    %mul3A_46 = arith.muli %arg1, %mul3A_45 : i32
    %add3A_47 = arith.constant 128 : i32
    %add3A_48 = arith.addi %mul3A_46, %add3A_47 : i32
    "tpu.region"() ({
      %run_scoped3A = tpu.sem_alloc : memref<!tpu.dma_semaphore, #tpu.memory_space<semaphore_mem>>
      %dma_start3A = arith.constant 0 : i32
      %dma_start3A_73 = tpu.memref_slice %arg3[%arg0, %add3A_48, %dma_start3A] : memref<2x10240x16xf32, #tpu.memory_space<hbm>> -> memref<1x128x16xf32, #tpu.memory_space<hbm>>
      %dma_start3A_74 = tpu.memref_squeeze %dma_start3A_73 : memref<1x128x16xf32, #tpu.memory_space<hbm>> -> memref<128x16xf32, #tpu.memory_space<hbm>>
      %dma_start3A_75 = arith.constant 0 : i32
      %dma_start3A_76 = tpu.memref_slice %arg7[%add3A_44, %dma_start3A_75] : memref<10240x16xf32, #tpu.memory_space<vmem_shared>> -> memref<128x16xf32, #tpu.memory_space<vmem_shared>>
      tpu.enqueue_dma source(%dma_start3A_76 : memref<128x16xf32, #tpu.memory_space<vmem_shared>>) target(%dma_start3A_74 : memref<128x16xf32, #tpu.memory_space<hbm>>) target_semaphore(%run_scoped3A : memref<!tpu.dma_semaphore, #tpu.memory_space<semaphore_mem>>)
      %dma_wait3A = arith.constant 0 : i32
      %dma_wait3A_77 = tpu.memref_slice %arg3[%arg0, %add3A_48, %dma_wait3A] : memref<2x10240x16xf32, #tpu.memory_space<hbm>> -> memref<1x128x16xf32, #tpu.memory_space<hbm>>
      %dma_wait3A_78 = tpu.memref_squeeze %dma_wait3A_77 : memref<1x128x16xf32, #tpu.memory_space<hbm>> -> memref<128x16xf32, #tpu.memory_space<hbm>>
      %dma_wait3A_79 = arith.constant 0 : i32
      %dma_wait3A_80 = tpu.memref_slice %arg7[%add3A_44, %dma_wait3A_79] : memref<10240x16xf32, #tpu.memory_space<vmem_shared>> -> memref<128x16xf32, #tpu.memory_space<vmem_shared>>
      tpu.wait_dma2 semaphore(%run_scoped3A : memref<!tpu.dma_semaphore, #tpu.memory_space<semaphore_mem>>) src(%dma_wait3A_80 : memref<128x16xf32, #tpu.memory_space<vmem_shared>>) dst(%dma_wait3A_78 : memref<128x16xf32, #tpu.memory_space<hbm>>)
      tpu.yield
    }) : () -> ()
    %mul3A_49 = arith.constant 640 : i32
    %mul3A_50 = arith.muli %arg1, %mul3A_49 : i32
    %add3A_51 = arith.constant 256 : i32
    %add3A_52 = arith.addi %mul3A_50, %add3A_51 : i32
    %mul3A_53 = arith.constant 640 : i32
    %mul3A_54 = arith.muli %arg1, %mul3A_53 : i32
    %add3A_55 = arith.constant 256 : i32
    %add3A_56 = arith.addi %mul3A_54, %add3A_55 : i32
    "tpu.region"() ({
      %run_scoped3A = tpu.sem_alloc : memref<!tpu.dma_semaphore, #tpu.memory_space<semaphore_mem>>
      %dma_start3A = arith.constant 0 : i32
      %dma_start3A_73 = tpu.memref_slice %arg3[%arg0, %add3A_56, %dma_start3A] : memref<2x10240x16xf32, #tpu.memory_space<hbm>> -> memref<1x128x16xf32, #tpu.memory_space<hbm>>
      %dma_start3A_74 = tpu.memref_squeeze %dma_start3A_73 : memref<1x128x16xf32, #tpu.memory_space<hbm>> -> memref<128x16xf32, #tpu.memory_space<hbm>>
      %dma_start3A_75 = arith.constant 0 : i32
      %dma_start3A_76 = tpu.memref_slice %arg7[%add3A_52, %dma_start3A_75] : memref<10240x16xf32, #tpu.memory_space<vmem_shared>> -> memref<128x16xf32, #tpu.memory_space<vmem_shared>>
      tpu.enqueue_dma source(%dma_start3A_76 : memref<128x16xf32, #tpu.memory_space<vmem_shared>>) target(%dma_start3A_74 : memref<128x16xf32, #tpu.memory_space<hbm>>) target_semaphore(%run_scoped3A : memref<!tpu.dma_semaphore, #tpu.memory_space<semaphore_mem>>)
      %dma_wait3A = arith.constant 0 : i32
      %dma_wait3A_77 = tpu.memref_slice %arg3[%arg0, %add3A_56, %dma_wait3A] : memref<2x10240x16xf32, #tpu.memory_space<hbm>> -> memref<1x128x16xf32, #tpu.memory_space<hbm>>
      %dma_wait3A_78 = tpu.memref_squeeze %dma_wait3A_77 : memref<1x128x16xf32, #tpu.memory_space<hbm>> -> memref<128x16xf32, #tpu.memory_space<hbm>>
      %dma_wait3A_79 = arith.constant 0 : i32
      %dma_wait3A_80 = tpu.memref_slice %arg7[%add3A_52, %dma_wait3A_79] : memref<10240x16xf32, #tpu.memory_space<vmem_shared>> -> memref<128x16xf32, #tpu.memory_space<vmem_shared>>
      tpu.wait_dma2 semaphore(%run_scoped3A : memref<!tpu.dma_semaphore, #tpu.memory_space<semaphore_mem>>) src(%dma_wait3A_80 : memref<128x16xf32, #tpu.memory_space<vmem_shared>>) dst(%dma_wait3A_78 : memref<128x16xf32, #tpu.memory_space<hbm>>)
      tpu.yield
    }) : () -> ()
    %mul3A_57 = arith.constant 640 : i32
    %mul3A_58 = arith.muli %arg1, %mul3A_57 : i32
    %add3A_59 = arith.constant 384 : i32
    %add3A_60 = arith.addi %mul3A_58, %add3A_59 : i32
    %mul3A_61 = arith.constant 640 : i32
    %mul3A_62 = arith.muli %arg1, %mul3A_61 : i32
    %add3A_63 = arith.constant 384 : i32
    %add3A_64 = arith.addi %mul3A_62, %add3A_63 : i32
    "tpu.region"() ({
      %run_scoped3A = tpu.sem_alloc : memref<!tpu.dma_semaphore, #tpu.memory_space<semaphore_mem>>
      %dma_start3A = arith.constant 0 : i32
      %dma_start3A_73 = tpu.memref_slice %arg3[%arg0, %add3A_64, %dma_start3A] : memref<2x10240x16xf32, #tpu.memory_space<hbm>> -> memref<1x128x16xf32, #tpu.memory_space<hbm>>
      %dma_start3A_74 = tpu.memref_squeeze %dma_start3A_73 : memref<1x128x16xf32, #tpu.memory_space<hbm>> -> memref<128x16xf32, #tpu.memory_space<hbm>>
      %dma_start3A_75 = arith.constant 0 : i32
      %dma_start3A_76 = tpu.memref_slice %arg7[%add3A_60, %dma_start3A_75] : memref<10240x16xf32, #tpu.memory_space<vmem_shared>> -> memref<128x16xf32, #tpu.memory_space<vmem_shared>>
      tpu.enqueue_dma source(%dma_start3A_76 : memref<128x16xf32, #tpu.memory_space<vmem_shared>>) target(%dma_start3A_74 : memref<128x16xf32, #tpu.memory_space<hbm>>) target_semaphore(%run_scoped3A : memref<!tpu.dma_semaphore, #tpu.memory_space<semaphore_mem>>)
      %dma_wait3A = arith.constant 0 : i32
      %dma_wait3A_77 = tpu.memref_slice %arg3[%arg0, %add3A_64, %dma_wait3A] : memref<2x10240x16xf32, #tpu.memory_space<hbm>> -> memref<1x128x16xf32, #tpu.memory_space<hbm>>
      %dma_wait3A_78 = tpu.memref_squeeze %dma_wait3A_77 : memref<1x128x16xf32, #tpu.memory_space<hbm>> -> memref<128x16xf32, #tpu.memory_space<hbm>>
      %dma_wait3A_79 = arith.constant 0 : i32
      %dma_wait3A_80 = tpu.memref_slice %arg7[%add3A_60, %dma_wait3A_79] : memref<10240x16xf32, #tpu.memory_space<vmem_shared>> -> memref<128x16xf32, #tpu.memory_space<vmem_shared>>
      tpu.wait_dma2 semaphore(%run_scoped3A : memref<!tpu.dma_semaphore, #tpu.memory_space<semaphore_mem>>) src(%dma_wait3A_80 : memref<128x16xf32, #tpu.memory_space<vmem_shared>>) dst(%dma_wait3A_78 : memref<128x16xf32, #tpu.memory_space<hbm>>)
      tpu.yield
    }) : () -> ()
    %mul3A_65 = arith.constant 640 : i32
    %mul3A_66 = arith.muli %arg1, %mul3A_65 : i32
    %add3A_67 = arith.constant 512 : i32
    %add3A_68 = arith.addi %mul3A_66, %add3A_67 : i32
    %mul3A_69 = arith.constant 640 : i32
    %mul3A_70 = arith.muli %arg1, %mul3A_69 : i32
    %add3A_71 = arith.constant 512 : i32
    %add3A_72 = arith.addi %mul3A_70, %add3A_71 : i32
    "tpu.region"() ({
      %run_scoped3A = tpu.sem_alloc : memref<!tpu.dma_semaphore, #tpu.memory_space<semaphore_mem>>
      %dma_start3A = arith.constant 0 : i32
      %dma_start3A_73 = tpu.memref_slice %arg3[%arg0, %add3A_72, %dma_start3A] : memref<2x10240x16xf32, #tpu.memory_space<hbm>> -> memref<1x128x16xf32, #tpu.memory_space<hbm>>
      %dma_start3A_74 = tpu.memref_squeeze %dma_start3A_73 : memref<1x128x16xf32, #tpu.memory_space<hbm>> -> memref<128x16xf32, #tpu.memory_space<hbm>>
      %dma_start3A_75 = arith.constant 0 : i32
      %dma_start3A_76 = tpu.memref_slice %arg7[%add3A_68, %dma_start3A_75] : memref<10240x16xf32, #tpu.memory_space<vmem_shared>> -> memref<128x16xf32, #tpu.memory_space<vmem_shared>>
      tpu.enqueue_dma source(%dma_start3A_76 : memref<128x16xf32, #tpu.memory_space<vmem_shared>>) target(%dma_start3A_74 : memref<128x16xf32, #tpu.memory_space<hbm>>) target_semaphore(%run_scoped3A : memref<!tpu.dma_semaphore, #tpu.memory_space<semaphore_mem>>)
      %dma_wait3A = arith.constant 0 : i32
      %dma_wait3A_77 = tpu.memref_slice %arg3[%arg0, %add3A_72, %dma_wait3A] : memref<2x10240x16xf32, #tpu.memory_space<hbm>> -> memref<1x128x16xf32, #tpu.memory_space<hbm>>
      %dma_wait3A_78 = tpu.memref_squeeze %dma_wait3A_77 : memref<1x128x16xf32, #tpu.memory_space<hbm>> -> memref<128x16xf32, #tpu.memory_space<hbm>>
      %dma_wait3A_79 = arith.constant 0 : i32
      %dma_wait3A_80 = tpu.memref_slice %arg7[%add3A_68, %dma_wait3A_79] : memref<10240x16xf32, #tpu.memory_space<vmem_shared>> -> memref<128x16xf32, #tpu.memory_space<vmem_shared>>
      tpu.wait_dma2 semaphore(%run_scoped3A : memref<!tpu.dma_semaphore, #tpu.memory_space<semaphore_mem>>) src(%dma_wait3A_80 : memref<128x16xf32, #tpu.memory_space<vmem_shared>>) dst(%dma_wait3A_78 : memref<128x16xf32, #tpu.memory_space<hbm>>)
      tpu.yield
    }) : () -> ()
    return
  }
}

#map = affine_map<(d0, d1) -> (0, 0, 0)>
module attributes {stable_mosaic.version = 14 : i64} {
  func.func @_spmm_body(%arg0: i32, %arg1: i32, %arg2: memref<16x164x128xi32, #tpu.memory_space<hbm>>, %arg3: memref<16x162x128xi32, #tpu.memory_space<hbm>>, %arg4: memref<2x10240x64xf32, #tpu.memory_space<hbm>>, %arg5: memref<2x10240x64xf32, #tpu.memory_space<hbm>>, %arg6: memref<164x128xi32, #tpu.memory_space<vmem>>, %arg7: memref<162x128xi32, #tpu.memory_space<vmem>>, %arg8: memref<128x64xf32, #tpu.memory_space<vmem>>, %arg9: memref<128x64xf32, #tpu.memory_space<vmem>>, %arg10: memref<10240x64xf32, #tpu.memory_space<vmem_shared>>, %arg11: memref<!tpu.dma_semaphore, #tpu.memory_space<semaphore_mem>>, %arg12: memref<!tpu.dma_semaphore, #tpu.memory_space<semaphore_mem>>) attributes {dimension_semantics = [#tpu.dimension_semantics<core_parallel>, #tpu.dimension_semantics<subcore_parallel>], iteration_bounds = array<i64: 2, 16>, scalar_prefetch = 0 : i64, scratch_operands = 7 : i64, tpu.core_type = #tpu.core_type<sc_vector_subcore>, window_params = [{transform_indices = #map}, {transform_indices = #map}, {transform_indices = #map}, {transform_indices = #map}]} {
    %scan3A = arith.constant 0 : i32
    %scan3A_0 = arith.constant 0 : i32
    %scan3A_1 = arith.constant 128 : i32
    %scan3A_2 = arith.addi %scan3A_0, %scan3A_1 : i32
    %scan3A_3 = arith.constant 1 : i32
    scf.for %scan3A_76 = %scan3A_0 to %scan3A_2 step %scan3A_3  : i32 {
      %broadcast_in_dim3A = arith.constant 0.000000e+00 : f32
      %broadcast_in_dim3A_77 = vector.broadcast %broadcast_in_dim3A : f32 to vector<16xf32>
      %swap3A = arith.index_cast %scan3A_76 : i32 to index
      %swap3A_78 = arith.constant 0 : index
      %swap3A_79 = tpu.vector_load %arg8[%swap3A, %swap3A_78] {strides = array<i32>} : memref<128x64xf32, #tpu.memory_space<vmem>>, vector<1x16xf32>,
      %swap3A_80 = vector.shape_cast %swap3A_79 : vector<1x16xf32> to vector<16xf32>
      %swap3A_81 = vector.shape_cast %broadcast_in_dim3A_77 : vector<16xf32> to vector<1x16xf32>
      tpu.vector_store %arg8[%swap3A, %swap3A_78], %swap3A_81 {strides = array<i32>} : memref<128x64xf32, #tpu.memory_space<vmem>>, vector<1x16xf32>,
      %broadcast_in_dim3A_82 = arith.constant 0.000000e+00 : f32
      %broadcast_in_dim3A_83 = vector.broadcast %broadcast_in_dim3A_82 : f32 to vector<16xf32>
      %swap3A_84 = arith.index_cast %scan3A_76 : i32 to index
      %swap3A_85 = arith.constant 16 : index
      %swap3A_86 = tpu.vector_load %arg8[%swap3A_84, %swap3A_85] {strides = array<i32>} : memref<128x64xf32, #tpu.memory_space<vmem>>, vector<1x16xf32>,
      %swap3A_87 = vector.shape_cast %swap3A_86 : vector<1x16xf32> to vector<16xf32>
      %swap3A_88 = vector.shape_cast %broadcast_in_dim3A_83 : vector<16xf32> to vector<1x16xf32>
      tpu.vector_store %arg8[%swap3A_84, %swap3A_85], %swap3A_88 {strides = array<i32>} : memref<128x64xf32, #tpu.memory_space<vmem>>, vector<1x16xf32>,
      %broadcast_in_dim3A_89 = arith.constant 0.000000e+00 : f32
      %broadcast_in_dim3A_90 = vector.broadcast %broadcast_in_dim3A_89 : f32 to vector<16xf32>
      %swap3A_91 = arith.index_cast %scan3A_76 : i32 to index
      %swap3A_92 = arith.constant 32 : index
      %swap3A_93 = tpu.vector_load %arg8[%swap3A_91, %swap3A_92] {strides = array<i32>} : memref<128x64xf32, #tpu.memory_space<vmem>>, vector<1x16xf32>,
      %swap3A_94 = vector.shape_cast %swap3A_93 : vector<1x16xf32> to vector<16xf32>
      %swap3A_95 = vector.shape_cast %broadcast_in_dim3A_90 : vector<16xf32> to vector<1x16xf32>
      tpu.vector_store %arg8[%swap3A_91, %swap3A_92], %swap3A_95 {strides = array<i32>} : memref<128x64xf32, #tpu.memory_space<vmem>>, vector<1x16xf32>,
      %broadcast_in_dim3A_96 = arith.constant 0.000000e+00 : f32
      %broadcast_in_dim3A_97 = vector.broadcast %broadcast_in_dim3A_96 : f32 to vector<16xf32>
      %swap3A_98 = arith.index_cast %scan3A_76 : i32 to index
      %swap3A_99 = arith.constant 48 : index
      %swap3A_100 = tpu.vector_load %arg8[%swap3A_98, %swap3A_99] {strides = array<i32>} : memref<128x64xf32, #tpu.memory_space<vmem>>, vector<1x16xf32>,
      %swap3A_101 = vector.shape_cast %swap3A_100 : vector<1x16xf32> to vector<16xf32>
      %swap3A_102 = vector.shape_cast %broadcast_in_dim3A_97 : vector<16xf32> to vector<1x16xf32>
      tpu.vector_store %arg8[%swap3A_98, %swap3A_99], %swap3A_102 {strides = array<i32>} : memref<128x64xf32, #tpu.memory_space<vmem>>, vector<1x16xf32>,
    }
    %scan3A_4 = arith.constant 128 : i32
    %mul3A = arith.constant 640 : i32
    %mul3A_5 = arith.muli %arg1, %mul3A : i32
    %add3A = arith.constant 0 : i32
    %add3A_6 = arith.addi %mul3A_5, %add3A : i32
    "tpu.region"() ({
      %run_scoped3A = tpu.sem_alloc : memref<!tpu.dma_semaphore, #tpu.memory_space<semaphore_mem>>
      %dma_start3A_76 = arith.constant 0 : i32
      %dma_start3A_77 = tpu.memref_slice %arg10[%add3A_6, %dma_start3A_76] : memref<10240x64xf32, #tpu.memory_space<vmem_shared>> -> memref<128x64xf32, #tpu.memory_space<vmem_shared>>
      %dma_start3A_78 = arith.constant 0 : i32
      %dma_start3A_79 = tpu.memref_slice %arg10[%add3A_6, %dma_start3A_78] : memref<10240x64xf32, #tpu.memory_space<vmem_shared>> -> memref<128x64xf32, #tpu.memory_space<vmem_shared>>
      tpu.enqueue_dma source(%arg8 : memref<128x64xf32, #tpu.memory_space<vmem>>) target(%dma_start3A_79 : memref<128x64xf32, #tpu.memory_space<vmem_shared>>) target_semaphore(%run_scoped3A : memref<!tpu.dma_semaphore, #tpu.memory_space<semaphore_mem>>)
      %dma_wait3A_80 = arith.constant 0 : i32
      %dma_wait3A_81 = tpu.memref_slice %arg10[%add3A_6, %dma_wait3A_80] : memref<10240x64xf32, #tpu.memory_space<vmem_shared>> -> memref<128x64xf32, #tpu.memory_space<vmem_shared>>
      %dma_wait3A_82 = arith.constant 0 : i32
      %dma_wait3A_83 = tpu.memref_slice %arg10[%add3A_6, %dma_wait3A_82] : memref<10240x64xf32, #tpu.memory_space<vmem_shared>> -> memref<128x64xf32, #tpu.memory_space<vmem_shared>>
      tpu.wait_dma2 semaphore(%run_scoped3A : memref<!tpu.dma_semaphore, #tpu.memory_space<semaphore_mem>>) src(%arg8 : memref<128x64xf32, #tpu.memory_space<vmem>>) dst(%dma_wait3A_83 : memref<128x64xf32, #tpu.memory_space<vmem_shared>>)
      tpu.yield
    }) : () -> ()
    %mul3A_7 = arith.constant 640 : i32
    %mul3A_8 = arith.muli %arg1, %mul3A_7 : i32
    %add3A_9 = arith.constant 128 : i32
    %add3A_10 = arith.addi %mul3A_8, %add3A_9 : i32
    "tpu.region"() ({
      %run_scoped3A = tpu.sem_alloc : memref<!tpu.dma_semaphore, #tpu.memory_space<semaphore_mem>>
      %dma_start3A_76 = arith.constant 0 : i32
      %dma_start3A_77 = tpu.memref_slice %arg10[%add3A_10, %dma_start3A_76] : memref<10240x64xf32, #tpu.memory_space<vmem_shared>> -> memref<128x64xf32, #tpu.memory_space<vmem_shared>>
      %dma_start3A_78 = arith.constant 0 : i32
      %dma_start3A_79 = tpu.memref_slice %arg10[%add3A_10, %dma_start3A_78] : memref<10240x64xf32, #tpu.memory_space<vmem_shared>> -> memref<128x64xf32, #tpu.memory_space<vmem_shared>>
      tpu.enqueue_dma source(%arg8 : memref<128x64xf32, #tpu.memory_space<vmem>>) target(%dma_start3A_79 : memref<128x64xf32, #tpu.memory_space<vmem_shared>>) target_semaphore(%run_scoped3A : memref<!tpu.dma_semaphore, #tpu.memory_space<semaphore_mem>>)
      %dma_wait3A_80 = arith.constant 0 : i32
      %dma_wait3A_81 = tpu.memref_slice %arg10[%add3A_10, %dma_wait3A_80] : memref<10240x64xf32, #tpu.memory_space<vmem_shared>> -> memref<128x64xf32, #tpu.memory_space<vmem_shared>>
      %dma_wait3A_82 = arith.constant 0 : i32
      %dma_wait3A_83 = tpu.memref_slice %arg10[%add3A_10, %dma_wait3A_82] : memref<10240x64xf32, #tpu.memory_space<vmem_shared>> -> memref<128x64xf32, #tpu.memory_space<vmem_shared>>
      tpu.wait_dma2 semaphore(%run_scoped3A : memref<!tpu.dma_semaphore, #tpu.memory_space<semaphore_mem>>) src(%arg8 : memref<128x64xf32, #tpu.memory_space<vmem>>) dst(%dma_wait3A_83 : memref<128x64xf32, #tpu.memory_space<vmem_shared>>)
      tpu.yield
    }) : () -> ()
    %mul3A_11 = arith.constant 640 : i32
    %mul3A_12 = arith.muli %arg1, %mul3A_11 : i32
    %add3A_13 = arith.constant 256 : i32
    %add3A_14 = arith.addi %mul3A_12, %add3A_13 : i32
    "tpu.region"() ({
      %run_scoped3A = tpu.sem_alloc : memref<!tpu.dma_semaphore, #tpu.memory_space<semaphore_mem>>
      %dma_start3A_76 = arith.constant 0 : i32
      %dma_start3A_77 = tpu.memref_slice %arg10[%add3A_14, %dma_start3A_76] : memref<10240x64xf32, #tpu.memory_space<vmem_shared>> -> memref<128x64xf32, #tpu.memory_space<vmem_shared>>
      %dma_start3A_78 = arith.constant 0 : i32
      %dma_start3A_79 = tpu.memref_slice %arg10[%add3A_14, %dma_start3A_78] : memref<10240x64xf32, #tpu.memory_space<vmem_shared>> -> memref<128x64xf32, #tpu.memory_space<vmem_shared>>
      tpu.enqueue_dma source(%arg8 : memref<128x64xf32, #tpu.memory_space<vmem>>) target(%dma_start3A_79 : memref<128x64xf32, #tpu.memory_space<vmem_shared>>) target_semaphore(%run_scoped3A : memref<!tpu.dma_semaphore, #tpu.memory_space<semaphore_mem>>)
      %dma_wait3A_80 = arith.constant 0 : i32
      %dma_wait3A_81 = tpu.memref_slice %arg10[%add3A_14, %dma_wait3A_80] : memref<10240x64xf32, #tpu.memory_space<vmem_shared>> -> memref<128x64xf32, #tpu.memory_space<vmem_shared>>
      %dma_wait3A_82 = arith.constant 0 : i32
      %dma_wait3A_83 = tpu.memref_slice %arg10[%add3A_14, %dma_wait3A_82] : memref<10240x64xf32, #tpu.memory_space<vmem_shared>> -> memref<128x64xf32, #tpu.memory_space<vmem_shared>>
      tpu.wait_dma2 semaphore(%run_scoped3A : memref<!tpu.dma_semaphore, #tpu.memory_space<semaphore_mem>>) src(%arg8 : memref<128x64xf32, #tpu.memory_space<vmem>>) dst(%dma_wait3A_83 : memref<128x64xf32, #tpu.memory_space<vmem_shared>>)
      tpu.yield
    }) : () -> ()
    %mul3A_15 = arith.constant 640 : i32
    %mul3A_16 = arith.muli %arg1, %mul3A_15 : i32
    %add3A_17 = arith.constant 384 : i32
    %add3A_18 = arith.addi %mul3A_16, %add3A_17 : i32
    "tpu.region"() ({
      %run_scoped3A = tpu.sem_alloc : memref<!tpu.dma_semaphore, #tpu.memory_space<semaphore_mem>>
      %dma_start3A_76 = arith.constant 0 : i32
      %dma_start3A_77 = tpu.memref_slice %arg10[%add3A_18, %dma_start3A_76] : memref<10240x64xf32, #tpu.memory_space<vmem_shared>> -> memref<128x64xf32, #tpu.memory_space<vmem_shared>>
      %dma_start3A_78 = arith.constant 0 : i32
      %dma_start3A_79 = tpu.memref_slice %arg10[%add3A_18, %dma_start3A_78] : memref<10240x64xf32, #tpu.memory_space<vmem_shared>> -> memref<128x64xf32, #tpu.memory_space<vmem_shared>>
      tpu.enqueue_dma source(%arg8 : memref<128x64xf32, #tpu.memory_space<vmem>>) target(%dma_start3A_79 : memref<128x64xf32, #tpu.memory_space<vmem_shared>>) target_semaphore(%run_scoped3A : memref<!tpu.dma_semaphore, #tpu.memory_space<semaphore_mem>>)
      %dma_wait3A_80 = arith.constant 0 : i32
      %dma_wait3A_81 = tpu.memref_slice %arg10[%add3A_18, %dma_wait3A_80] : memref<10240x64xf32, #tpu.memory_space<vmem_shared>> -> memref<128x64xf32, #tpu.memory_space<vmem_shared>>
      %dma_wait3A_82 = arith.constant 0 : i32
      %dma_wait3A_83 = tpu.memref_slice %arg10[%add3A_18, %dma_wait3A_82] : memref<10240x64xf32, #tpu.memory_space<vmem_shared>> -> memref<128x64xf32, #tpu.memory_space<vmem_shared>>
      tpu.wait_dma2 semaphore(%run_scoped3A : memref<!tpu.dma_semaphore, #tpu.memory_space<semaphore_mem>>) src(%arg8 : memref<128x64xf32, #tpu.memory_space<vmem>>) dst(%dma_wait3A_83 : memref<128x64xf32, #tpu.memory_space<vmem_shared>>)
      tpu.yield
    }) : () -> ()
    %mul3A_19 = arith.constant 640 : i32
    %mul3A_20 = arith.muli %arg1, %mul3A_19 : i32
    %add3A_21 = arith.constant 512 : i32
    %add3A_22 = arith.addi %mul3A_20, %add3A_21 : i32
    "tpu.region"() ({
      %run_scoped3A = tpu.sem_alloc : memref<!tpu.dma_semaphore, #tpu.memory_space<semaphore_mem>>
      %dma_start3A_76 = arith.constant 0 : i32
      %dma_start3A_77 = tpu.memref_slice %arg10[%add3A_22, %dma_start3A_76] : memref<10240x64xf32, #tpu.memory_space<vmem_shared>> -> memref<128x64xf32, #tpu.memory_space<vmem_shared>>
      %dma_start3A_78 = arith.constant 0 : i32
      %dma_start3A_79 = tpu.memref_slice %arg10[%add3A_22, %dma_start3A_78] : memref<10240x64xf32, #tpu.memory_space<vmem_shared>> -> memref<128x64xf32, #tpu.memory_space<vmem_shared>>
      tpu.enqueue_dma source(%arg8 : memref<128x64xf32, #tpu.memory_space<vmem>>) target(%dma_start3A_79 : memref<128x64xf32, #tpu.memory_space<vmem_shared>>) target_semaphore(%run_scoped3A : memref<!tpu.dma_semaphore, #tpu.memory_space<semaphore_mem>>)
      %dma_wait3A_80 = arith.constant 0 : i32
      %dma_wait3A_81 = tpu.memref_slice %arg10[%add3A_22, %dma_wait3A_80] : memref<10240x64xf32, #tpu.memory_space<vmem_shared>> -> memref<128x64xf32, #tpu.memory_space<vmem_shared>>
      %dma_wait3A_82 = arith.constant 0 : i32
      %dma_wait3A_83 = tpu.memref_slice %arg10[%add3A_22, %dma_wait3A_82] : memref<10240x64xf32, #tpu.memory_space<vmem_shared>> -> memref<128x64xf32, #tpu.memory_space<vmem_shared>>
      tpu.wait_dma2 semaphore(%run_scoped3A : memref<!tpu.dma_semaphore, #tpu.memory_space<semaphore_mem>>) src(%arg8 : memref<128x64xf32, #tpu.memory_space<vmem>>) dst(%dma_wait3A_83 : memref<128x64xf32, #tpu.memory_space<vmem_shared>>)
      tpu.yield
    }) : () -> ()
    %barrier3A = arith.constant 0 : index
    tpu.barrier barrier_id(%barrier3A)
    "tpu.region"() ({
      %run_scoped3A = tpu.sem_alloc : memref<!tpu.dma_semaphore, #tpu.memory_space<semaphore_mem>>
      %dma_start3A_76 = arith.constant 0 : i32
      %dma_start3A_77 = arith.constant 0 : i32
      %dma_start3A_78 = tpu.memref_slice %arg2[%arg1, %dma_start3A_76, %dma_start3A_77] : memref<16x164x128xi32, #tpu.memory_space<hbm>> -> memref<1x164x128xi32, #tpu.memory_space<hbm>>
      %dma_start3A_79 = tpu.memref_squeeze %dma_start3A_78 : memref<1x164x128xi32, #tpu.memory_space<hbm>> -> memref<164x128xi32, #tpu.memory_space<hbm>>
      %dma_start3A_80 = arith.constant 0 : i32
      %dma_start3A_81 = arith.constant 0 : i32
      %dma_start3A_82 = tpu.memref_slice %arg2[%arg1, %dma_start3A_80, %dma_start3A_81] : memref<16x164x128xi32, #tpu.memory_space<hbm>> -> memref<1x164x128xi32, #tpu.memory_space<hbm>>
      %dma_start3A_83 = tpu.memref_squeeze %dma_start3A_82 : memref<1x164x128xi32, #tpu.memory_space<hbm>> -> memref<164x128xi32, #tpu.memory_space<hbm>>
      tpu.enqueue_dma source(%dma_start3A_83 : memref<164x128xi32, #tpu.memory_space<hbm>>) target(%arg6 : memref<164x128xi32, #tpu.memory_space<vmem>>) target_semaphore(%run_scoped3A : memref<!tpu.dma_semaphore, #tpu.memory_space<semaphore_mem>>)
      %dma_wait3A_84 = arith.constant 0 : i32
      %dma_wait3A_85 = arith.constant 0 : i32
      %dma_wait3A_86 = tpu.memref_slice %arg2[%arg1, %dma_wait3A_84, %dma_wait3A_85] : memref<16x164x128xi32, #tpu.memory_space<hbm>> -> memref<1x164x128xi32, #tpu.memory_space<hbm>>
      %dma_wait3A_87 = tpu.memref_squeeze %dma_wait3A_86 : memref<1x164x128xi32, #tpu.memory_space<hbm>> -> memref<164x128xi32, #tpu.memory_space<hbm>>
      %dma_wait3A_88 = arith.constant 0 : i32
      %dma_wait3A_89 = arith.constant 0 : i32
      %dma_wait3A_90 = tpu.memref_slice %arg2[%arg1, %dma_wait3A_88, %dma_wait3A_89] : memref<16x164x128xi32, #tpu.memory_space<hbm>> -> memref<1x164x128xi32, #tpu.memory_space<hbm>>
      %dma_wait3A_91 = tpu.memref_squeeze %dma_wait3A_90 : memref<1x164x128xi32, #tpu.memory_space<hbm>> -> memref<164x128xi32, #tpu.memory_space<hbm>>
      tpu.wait_dma2 semaphore(%run_scoped3A : memref<!tpu.dma_semaphore, #tpu.memory_space<semaphore_mem>>) src(%dma_wait3A_91 : memref<164x128xi32, #tpu.memory_space<hbm>>) dst(%arg6 : memref<164x128xi32, #tpu.memory_space<vmem>>)
      tpu.yield
    }) : () -> ()
    "tpu.region"() ({
      %run_scoped3A = tpu.sem_alloc : memref<!tpu.dma_semaphore, #tpu.memory_space<semaphore_mem>>
      %dma_start3A_76 = arith.constant 0 : i32
      %dma_start3A_77 = arith.constant 0 : i32
      %dma_start3A_78 = tpu.memref_slice %arg3[%arg1, %dma_start3A_76, %dma_start3A_77] : memref<16x162x128xi32, #tpu.memory_space<hbm>> -> memref<1x162x128xi32, #tpu.memory_space<hbm>>
      %dma_start3A_79 = tpu.memref_squeeze %dma_start3A_78 : memref<1x162x128xi32, #tpu.memory_space<hbm>> -> memref<162x128xi32, #tpu.memory_space<hbm>>
      %dma_start3A_80 = arith.constant 0 : i32
      %dma_start3A_81 = arith.constant 0 : i32
      %dma_start3A_82 = tpu.memref_slice %arg3[%arg1, %dma_start3A_80, %dma_start3A_81] : memref<16x162x128xi32, #tpu.memory_space<hbm>> -> memref<1x162x128xi32, #tpu.memory_space<hbm>>
      %dma_start3A_83 = tpu.memref_squeeze %dma_start3A_82 : memref<1x162x128xi32, #tpu.memory_space<hbm>> -> memref<162x128xi32, #tpu.memory_space<hbm>>
      tpu.enqueue_dma source(%dma_start3A_83 : memref<162x128xi32, #tpu.memory_space<hbm>>) target(%arg7 : memref<162x128xi32, #tpu.memory_space<vmem>>) target_semaphore(%run_scoped3A : memref<!tpu.dma_semaphore, #tpu.memory_space<semaphore_mem>>)
      %dma_wait3A_84 = arith.constant 0 : i32
      %dma_wait3A_85 = arith.constant 0 : i32
      %dma_wait3A_86 = tpu.memref_slice %arg3[%arg1, %dma_wait3A_84, %dma_wait3A_85] : memref<16x162x128xi32, #tpu.memory_space<hbm>> -> memref<1x162x128xi32, #tpu.memory_space<hbm>>
      %dma_wait3A_87 = tpu.memref_squeeze %dma_wait3A_86 : memref<1x162x128xi32, #tpu.memory_space<hbm>> -> memref<162x128xi32, #tpu.memory_space<hbm>>
      %dma_wait3A_88 = arith.constant 0 : i32
      %dma_wait3A_89 = arith.constant 0 : i32
      %dma_wait3A_90 = tpu.memref_slice %arg3[%arg1, %dma_wait3A_88, %dma_wait3A_89] : memref<16x162x128xi32, #tpu.memory_space<hbm>> -> memref<1x162x128xi32, #tpu.memory_space<hbm>>
      %dma_wait3A_91 = tpu.memref_squeeze %dma_wait3A_90 : memref<1x162x128xi32, #tpu.memory_space<hbm>> -> memref<162x128xi32, #tpu.memory_space<hbm>>
      tpu.wait_dma2 semaphore(%run_scoped3A : memref<!tpu.dma_semaphore, #tpu.memory_space<semaphore_mem>>) src(%dma_wait3A_91 : memref<162x128xi32, #tpu.memory_space<hbm>>) dst(%arg7 : memref<162x128xi32, #tpu.memory_space<vmem>>)
      tpu.yield
    }) : () -> ()
    %dma_start3A = arith.constant 0 : i32
    %dma_start3A_23 = arith.constant 0 : i32
    %dma_start3A_24 = tpu.memref_slice %arg6[%dma_start3A, %dma_start3A_23] : memref<164x128xi32, #tpu.memory_space<vmem>> -> memref<1x128xi32, #tpu.memory_space<vmem>>
    %dma_start3A_25 = tpu.memref_squeeze %dma_start3A_24 : memref<1x128xi32, #tpu.memory_space<vmem>> -> memref<128xi32, #tpu.memory_space<vmem>>
    %dma_start3A_26 = arith.constant 0 : i32
    %dma_start3A_27 = arith.constant 0 : i32
    %dma_start3A_28 = tpu.memref_slice %arg4[%arg0, %dma_start3A_26, %dma_start3A_27] : memref<2x10240x64xf32, #tpu.memory_space<hbm>> -> memref<1x10240x64xf32, #tpu.memory_space<hbm>>
    %dma_start3A_29 = tpu.memref_squeeze %dma_start3A_28 : memref<1x10240x64xf32, #tpu.memory_space<hbm>> -> memref<10240x64xf32, #tpu.memory_space<hbm>>
    %dma_start3A_30 = arith.constant 0 : i32
    %dma_start3A_31 = arith.constant 0 : i32
    %dma_start3A_32 = tpu.memref_slice %dma_start3A_29[%dma_start3A_30, %dma_start3A_31] : memref<10240x64xf32, #tpu.memory_space<hbm>> -> memref<10240x64xf32, #tpu.memory_space<hbm>>
    tpu.enqueue_indirect_dma source(%dma_start3A_32 : memref<10240x64xf32, #tpu.memory_space<hbm>>) target(%arg8 : memref<128x64xf32, #tpu.memory_space<vmem>>) offsets(%dma_start3A_25 : memref<128xi32, #tpu.memory_space<vmem>>) semaphore(%arg11 : memref<!tpu.dma_semaphore, #tpu.memory_space<semaphore_mem>>)
    %dma_start3A_33 = arith.constant 1 : i32
    %dma_start3A_34 = arith.constant 0 : i32
    %dma_start3A_35 = tpu.memref_slice %arg6[%dma_start3A_33, %dma_start3A_34] : memref<164x128xi32, #tpu.memory_space<vmem>> -> memref<1x128xi32, #tpu.memory_space<vmem>>
    %dma_start3A_36 = tpu.memref_squeeze %dma_start3A_35 : memref<1x128xi32, #tpu.memory_space<vmem>> -> memref<128xi32, #tpu.memory_space<vmem>>
    %dma_start3A_37 = arith.constant 0 : i32
    %dma_start3A_38 = arith.constant 0 : i32
    %dma_start3A_39 = tpu.memref_slice %arg4[%arg0, %dma_start3A_37, %dma_start3A_38] : memref<2x10240x64xf32, #tpu.memory_space<hbm>> -> memref<1x10240x64xf32, #tpu.memory_space<hbm>>
    %dma_start3A_40 = tpu.memref_squeeze %dma_start3A_39 : memref<1x10240x64xf32, #tpu.memory_space<hbm>> -> memref<10240x64xf32, #tpu.memory_space<hbm>>
    %dma_start3A_41 = arith.constant 0 : i32
    %dma_start3A_42 = arith.constant 0 : i32
    %dma_start3A_43 = tpu.memref_slice %dma_start3A_40[%dma_start3A_41, %dma_start3A_42] : memref<10240x64xf32, #tpu.memory_space<hbm>> -> memref<10240x64xf32, #tpu.memory_space<hbm>>
    tpu.enqueue_indirect_dma source(%dma_start3A_43 : memref<10240x64xf32, #tpu.memory_space<hbm>>) target(%arg9 : memref<128x64xf32, #tpu.memory_space<vmem>>) offsets(%dma_start3A_36 : memref<128xi32, #tpu.memory_space<vmem>>) semaphore(%arg12 : memref<!tpu.dma_semaphore, #tpu.memory_space<semaphore_mem>>)
    %scan3A_44 = arith.constant 0 : i32
    %scan3A_45 = arith.constant 0 : i32
    %scan3A_46 = arith.constant 81 : i32
    %scan3A_47 = arith.addi %scan3A_45, %scan3A_46 : i32
    %scan3A_48 = arith.constant 1 : i32
    scf.for %scan3A_76 = %scan3A_45 to %scan3A_47 step %scan3A_48  : i32 {
      %mul3A_77 = arith.constant 2 : i32
      %mul3A_78 = arith.muli %mul3A_77, %scan3A_76 : i32
      %add3A_79 = arith.constant 0 : i32
      %add3A_80 = arith.addi %mul3A_78, %add3A_79 : i32
      %dma_wait3A_81 = arith.constant 0 : i32
      %dma_wait3A_82 = tpu.memref_slice %arg6[%add3A_80, %dma_wait3A_81] : memref<164x128xi32, #tpu.memory_space<vmem>> -> memref<1x128xi32, #tpu.memory_space<vmem>>
      %dma_wait3A_83 = tpu.memref_squeeze %dma_wait3A_82 : memref<1x128xi32, #tpu.memory_space<vmem>> -> memref<128xi32, #tpu.memory_space<vmem>>
      %dma_wait3A_84 = arith.constant 0 : i32
      %dma_wait3A_85 = arith.constant 0 : i32
      %dma_wait3A_86 = tpu.memref_slice %arg4[%arg0, %dma_wait3A_84, %dma_wait3A_85] : memref<2x10240x64xf32, #tpu.memory_space<hbm>> -> memref<1x10240x64xf32, #tpu.memory_space<hbm>>
      %dma_wait3A_87 = tpu.memref_squeeze %dma_wait3A_86 : memref<1x10240x64xf32, #tpu.memory_space<hbm>> -> memref<10240x64xf32, #tpu.memory_space<hbm>>
      %dma_wait3A_88 = arith.constant 0 : i32
      %dma_wait3A_89 = arith.constant 0 : i32
      %dma_wait3A_90 = tpu.memref_slice %dma_wait3A_87[%dma_wait3A_88, %dma_wait3A_89] : memref<10240x64xf32, #tpu.memory_space<hbm>> -> memref<10240x64xf32, #tpu.memory_space<hbm>>
      tpu.wait_indirect_dma semaphore(%arg11 : memref<!tpu.dma_semaphore, #tpu.memory_space<semaphore_mem>>) src(%dma_wait3A_90 : memref<10240x64xf32, #tpu.memory_space<hbm>>) dst(%arg8 : memref<128x64xf32, #tpu.memory_space<vmem>>)
      %add3A_91 = arith.constant 0 : i32
      %add3A_92 = arith.addi %mul3A_78, %add3A_91 : i32
      "tpu.region"() ({
        %run_scoped3A = tpu.sem_alloc : memref<!tpu.dma_semaphore, #tpu.memory_space<semaphore_mem>>
        %dma_start3A_135 = arith.constant 0 : i32
        %dma_start3A_136 = tpu.memref_slice %arg7[%add3A_92, %dma_start3A_135] : memref<162x128xi32, #tpu.memory_space<vmem>> -> memref<1x128xi32, #tpu.memory_space<vmem>>
        %dma_start3A_137 = tpu.memref_squeeze %dma_start3A_136 : memref<1x128xi32, #tpu.memory_space<vmem>> -> memref<128xi32, #tpu.memory_space<vmem>>
        %dma_start3A_138 = arith.constant 0 : i32
        %dma_start3A_139 = arith.constant 0 : i32
        %dma_start3A_140 = tpu.memref_slice %arg10[%dma_start3A_138, %dma_start3A_139] : memref<10240x64xf32, #tpu.memory_space<vmem_shared>> -> memref<10240x64xf32, #tpu.memory_space<vmem_shared>>
        tpu.enqueue_indirect_dma source(%arg8 : memref<128x64xf32, #tpu.memory_space<vmem>>) target(%dma_start3A_140 : memref<10240x64xf32, #tpu.memory_space<vmem_shared>>) offsets(%dma_start3A_137 : memref<128xi32, #tpu.memory_space<vmem>>) semaphore(%run_scoped3A : memref<!tpu.dma_semaphore, #tpu.memory_space<semaphore_mem>>) {add = true}
        %dma_wait3A_141 = arith.constant 0 : i32
        %dma_wait3A_142 = tpu.memref_slice %arg7[%add3A_92, %dma_wait3A_141] : memref<162x128xi32, #tpu.memory_space<vmem>> -> memref<1x128xi32, #tpu.memory_space<vmem>>
        %dma_wait3A_143 = tpu.memref_squeeze %dma_wait3A_142 : memref<1x128xi32, #tpu.memory_space<vmem>> -> memref<128xi32, #tpu.memory_space<vmem>>
        %dma_wait3A_144 = arith.constant 0 : i32
        %dma_wait3A_145 = arith.constant 0 : i32
        %dma_wait3A_146 = tpu.memref_slice %arg10[%dma_wait3A_144, %dma_wait3A_145] : memref<10240x64xf32, #tpu.memory_space<vmem_shared>> -> memref<10240x64xf32, #tpu.memory_space<vmem_shared>>
        tpu.wait_indirect_dma semaphore(%run_scoped3A : memref<!tpu.dma_semaphore, #tpu.memory_space<semaphore_mem>>) src(%arg8 : memref<128x64xf32, #tpu.memory_space<vmem>>) dst(%dma_wait3A_146 : memref<10240x64xf32, #tpu.memory_space<vmem_shared>>)
        tpu.yield
      }) : () -> ()
      %add3A_93 = arith.constant 0 : i32
      %add3A_94 = arith.addi %mul3A_78, %add3A_93 : i32
      %add3A_95 = arith.constant 2 : i32
      %add3A_96 = arith.addi %add3A_94, %add3A_95 : i32
      %dma_start3A_97 = arith.constant 0 : i32
      %dma_start3A_98 = tpu.memref_slice %arg6[%add3A_96, %dma_start3A_97] : memref<164x128xi32, #tpu.memory_space<vmem>> -> memref<1x128xi32, #tpu.memory_space<vmem>>
      %dma_start3A_99 = tpu.memref_squeeze %dma_start3A_98 : memref<1x128xi32, #tpu.memory_space<vmem>> -> memref<128xi32, #tpu.memory_space<vmem>>
      %dma_start3A_100 = arith.constant 0 : i32
      %dma_start3A_101 = arith.constant 0 : i32
      %dma_start3A_102 = tpu.memref_slice %arg4[%arg0, %dma_start3A_100, %dma_start3A_101] : memref<2x10240x64xf32, #tpu.memory_space<hbm>> -> memref<1x10240x64xf32, #tpu.memory_space<hbm>>
      %dma_start3A_103 = tpu.memref_squeeze %dma_start3A_102 : memref<1x10240x64xf32, #tpu.memory_space<hbm>> -> memref<10240x64xf32, #tpu.memory_space<hbm>>
      %dma_start3A_104 = arith.constant 0 : i32
      %dma_start3A_105 = arith.constant 0 : i32
      %dma_start3A_106 = tpu.memref_slice %dma_start3A_103[%dma_start3A_104, %dma_start3A_105] : memref<10240x64xf32, #tpu.memory_space<hbm>> -> memref<10240x64xf32, #tpu.memory_space<hbm>>
      tpu.enqueue_indirect_dma source(%dma_start3A_106 : memref<10240x64xf32, #tpu.memory_space<hbm>>) target(%arg8 : memref<128x64xf32, #tpu.memory_space<vmem>>) offsets(%dma_start3A_99 : memref<128xi32, #tpu.memory_space<vmem>>) semaphore(%arg11 : memref<!tpu.dma_semaphore, #tpu.memory_space<semaphore_mem>>)
      %add3A_107 = arith.constant 1 : i32
      %add3A_108 = arith.addi %mul3A_78, %add3A_107 : i32
      %dma_wait3A_109 = arith.constant 0 : i32
      %dma_wait3A_110 = tpu.memref_slice %arg6[%add3A_108, %dma_wait3A_109] : memref<164x128xi32, #tpu.memory_space<vmem>> -> memref<1x128xi32, #tpu.memory_space<vmem>>
      %dma_wait3A_111 = tpu.memref_squeeze %dma_wait3A_110 : memref<1x128xi32, #tpu.memory_space<vmem>> -> memref<128xi32, #tpu.memory_space<vmem>>
      %dma_wait3A_112 = arith.constant 0 : i32
      %dma_wait3A_113 = arith.constant 0 : i32
      %dma_wait3A_114 = tpu.memref_slice %arg4[%arg0, %dma_wait3A_112, %dma_wait3A_113] : memref<2x10240x64xf32, #tpu.memory_space<hbm>> -> memref<1x10240x64xf32, #tpu.memory_space<hbm>>
      %dma_wait3A_115 = tpu.memref_squeeze %dma_wait3A_114 : memref<1x10240x64xf32, #tpu.memory_space<hbm>> -> memref<10240x64xf32, #tpu.memory_space<hbm>>
      %dma_wait3A_116 = arith.constant 0 : i32
      %dma_wait3A_117 = arith.constant 0 : i32
      %dma_wait3A_118 = tpu.memref_slice %dma_wait3A_115[%dma_wait3A_116, %dma_wait3A_117] : memref<10240x64xf32, #tpu.memory_space<hbm>> -> memref<10240x64xf32, #tpu.memory_space<hbm>>
      tpu.wait_indirect_dma semaphore(%arg12 : memref<!tpu.dma_semaphore, #tpu.memory_space<semaphore_mem>>) src(%dma_wait3A_118 : memref<10240x64xf32, #tpu.memory_space<hbm>>) dst(%arg9 : memref<128x64xf32, #tpu.memory_space<vmem>>)
      %add3A_119 = arith.constant 1 : i32
      %add3A_120 = arith.addi %mul3A_78, %add3A_119 : i32
      "tpu.region"() ({
        %run_scoped3A = tpu.sem_alloc : memref<!tpu.dma_semaphore, #tpu.memory_space<semaphore_mem>>
        %dma_start3A_135 = arith.constant 0 : i32
        %dma_start3A_136 = tpu.memref_slice %arg7[%add3A_120, %dma_start3A_135] : memref<162x128xi32, #tpu.memory_space<vmem>> -> memref<1x128xi32, #tpu.memory_space<vmem>>
        %dma_start3A_137 = tpu.memref_squeeze %dma_start3A_136 : memref<1x128xi32, #tpu.memory_space<vmem>> -> memref<128xi32, #tpu.memory_space<vmem>>
        %dma_start3A_138 = arith.constant 0 : i32
        %dma_start3A_139 = arith.constant 0 : i32
        %dma_start3A_140 = tpu.memref_slice %arg10[%dma_start3A_138, %dma_start3A_139] : memref<10240x64xf32, #tpu.memory_space<vmem_shared>> -> memref<10240x64xf32, #tpu.memory_space<vmem_shared>>
        tpu.enqueue_indirect_dma source(%arg9 : memref<128x64xf32, #tpu.memory_space<vmem>>) target(%dma_start3A_140 : memref<10240x64xf32, #tpu.memory_space<vmem_shared>>) offsets(%dma_start3A_137 : memref<128xi32, #tpu.memory_space<vmem>>) semaphore(%run_scoped3A : memref<!tpu.dma_semaphore, #tpu.memory_space<semaphore_mem>>) {add = true}
        %dma_wait3A_141 = arith.constant 0 : i32
        %dma_wait3A_142 = tpu.memref_slice %arg7[%add3A_120, %dma_wait3A_141] : memref<162x128xi32, #tpu.memory_space<vmem>> -> memref<1x128xi32, #tpu.memory_space<vmem>>
        %dma_wait3A_143 = tpu.memref_squeeze %dma_wait3A_142 : memref<1x128xi32, #tpu.memory_space<vmem>> -> memref<128xi32, #tpu.memory_space<vmem>>
        %dma_wait3A_144 = arith.constant 0 : i32
        %dma_wait3A_145 = arith.constant 0 : i32
        %dma_wait3A_146 = tpu.memref_slice %arg10[%dma_wait3A_144, %dma_wait3A_145] : memref<10240x64xf32, #tpu.memory_space<vmem_shared>> -> memref<10240x64xf32, #tpu.memory_space<vmem_shared>>
        tpu.wait_indirect_dma semaphore(%run_scoped3A : memref<!tpu.dma_semaphore, #tpu.memory_space<semaphore_mem>>) src(%arg9 : memref<128x64xf32, #tpu.memory_space<vmem>>) dst(%dma_wait3A_146 : memref<10240x64xf32, #tpu.memory_space<vmem_shared>>)
        tpu.yield
      }) : () -> ()
      %add3A_121 = arith.constant 1 : i32
      %add3A_122 = arith.addi %mul3A_78, %add3A_121 : i32
      %add3A_123 = arith.constant 2 : i32
      %add3A_124 = arith.addi %add3A_122, %add3A_123 : i32
      %dma_start3A_125 = arith.constant 0 : i32
      %dma_start3A_126 = tpu.memref_slice %arg6[%add3A_124, %dma_start3A_125] : memref<164x128xi32, #tpu.memory_space<vmem>> -> memref<1x128xi32, #tpu.memory_space<vmem>>
      %dma_start3A_127 = tpu.memref_squeeze %dma_start3A_126 : memref<1x128xi32, #tpu.memory_space<vmem>> -> memref<128xi32, #tpu.memory_space<vmem>>
      %dma_start3A_128 = arith.constant 0 : i32
      %dma_start3A_129 = arith.constant 0 : i32
      %dma_start3A_130 = tpu.memref_slice %arg4[%arg0, %dma_start3A_128, %dma_start3A_129] : memref<2x10240x64xf32, #tpu.memory_space<hbm>> -> memref<1x10240x64xf32, #tpu.memory_space<hbm>>
      %dma_start3A_131 = tpu.memref_squeeze %dma_start3A_130 : memref<1x10240x64xf32, #tpu.memory_space<hbm>> -> memref<10240x64xf32, #tpu.memory_space<hbm>>
      %dma_start3A_132 = arith.constant 0 : i32
      %dma_start3A_133 = arith.constant 0 : i32
      %dma_start3A_134 = tpu.memref_slice %dma_start3A_131[%dma_start3A_132, %dma_start3A_133] : memref<10240x64xf32, #tpu.memory_space<hbm>> -> memref<10240x64xf32, #tpu.memory_space<hbm>>
      tpu.enqueue_indirect_dma source(%dma_start3A_134 : memref<10240x64xf32, #tpu.memory_space<hbm>>) target(%arg9 : memref<128x64xf32, #tpu.memory_space<vmem>>) offsets(%dma_start3A_127 : memref<128xi32, #tpu.memory_space<vmem>>) semaphore(%arg12 : memref<!tpu.dma_semaphore, #tpu.memory_space<semaphore_mem>>)
    }
    %scan3A_49 = arith.constant 81 : i32
    %dma_wait3A = arith.constant 0 : i32
    %dma_wait3A_50 = arith.constant 0 : i32
    %dma_wait3A_51 = tpu.memref_slice %arg6[%dma_wait3A, %dma_wait3A_50] : memref<164x128xi32, #tpu.memory_space<vmem>> -> memref<1x128xi32, #tpu.memory_space<vmem>>
    %dma_wait3A_52 = tpu.memref_squeeze %dma_wait3A_51 : memref<1x128xi32, #tpu.memory_space<vmem>> -> memref<128xi32, #tpu.memory_space<vmem>>
    %dma_wait3A_53 = arith.constant 0 : i32
    %dma_wait3A_54 = arith.constant 0 : i32
    %dma_wait3A_55 = tpu.memref_slice %arg4[%arg0, %dma_wait3A_53, %dma_wait3A_54] : memref<2x10240x64xf32, #tpu.memory_space<hbm>> -> memref<1x10240x64xf32, #tpu.memory_space<hbm>>
    %dma_wait3A_56 = tpu.memref_squeeze %dma_wait3A_55 : memref<1x10240x64xf32, #tpu.memory_space<hbm>> -> memref<10240x64xf32, #tpu.memory_space<hbm>>
    %dma_wait3A_57 = arith.constant 0 : i32
    %dma_wait3A_58 = arith.constant 0 : i32
    %dma_wait3A_59 = tpu.memref_slice %dma_wait3A_56[%dma_wait3A_57, %dma_wait3A_58] : memref<10240x64xf32, #tpu.memory_space<hbm>> -> memref<10240x64xf32, #tpu.memory_space<hbm>>
    tpu.wait_indirect_dma semaphore(%arg11 : memref<!tpu.dma_semaphore, #tpu.memory_space<semaphore_mem>>) src(%dma_wait3A_59 : memref<10240x64xf32, #tpu.memory_space<hbm>>) dst(%arg8 : memref<128x64xf32, #tpu.memory_space<vmem>>)
    %dma_wait3A_60 = arith.constant 0 : i32
    %dma_wait3A_61 = arith.constant 0 : i32
    %dma_wait3A_62 = tpu.memref_slice %arg6[%dma_wait3A_60, %dma_wait3A_61] : memref<164x128xi32, #tpu.memory_space<vmem>> -> memref<1x128xi32, #tpu.memory_space<vmem>>
    %dma_wait3A_63 = tpu.memref_squeeze %dma_wait3A_62 : memref<1x128xi32, #tpu.memory_space<vmem>> -> memref<128xi32, #tpu.memory_space<vmem>>
    %dma_wait3A_64 = arith.constant 0 : i32
    %dma_wait3A_65 = arith.constant 0 : i32
    %dma_wait3A_66 = tpu.memref_slice %arg4[%arg0, %dma_wait3A_64, %dma_wait3A_65] : memref<2x10240x64xf32, #tpu.memory_space<hbm>> -> memref<1x10240x64xf32, #tpu.memory_space<hbm>>
    %dma_wait3A_67 = tpu.memref_squeeze %dma_wait3A_66 : memref<1x10240x64xf32, #tpu.memory_space<hbm>> -> memref<10240x64xf32, #tpu.memory_space<hbm>>
    %dma_wait3A_68 = arith.constant 0 : i32
    %dma_wait3A_69 = arith.constant 0 : i32
    %dma_wait3A_70 = tpu.memref_slice %dma_wait3A_67[%dma_wait3A_68, %dma_wait3A_69] : memref<10240x64xf32, #tpu.memory_space<hbm>> -> memref<10240x64xf32, #tpu.memory_space<hbm>>
    tpu.wait_indirect_dma semaphore(%arg12 : memref<!tpu.dma_semaphore, #tpu.memory_space<semaphore_mem>>) src(%dma_wait3A_70 : memref<10240x64xf32, #tpu.memory_space<hbm>>) dst(%arg9 : memref<128x64xf32, #tpu.memory_space<vmem>>)
    %barrier3A_71 = arith.constant 0 : index
    tpu.barrier barrier_id(%barrier3A_71)
    %mul3A_72 = arith.constant 640 : i32
    %mul3A_73 = arith.muli %arg1, %mul3A_72 : i32
    %mul3A_74 = arith.constant 640 : i32
    %mul3A_75 = arith.muli %arg1, %mul3A_74 : i32
    "tpu.region"() ({
      %run_scoped3A = tpu.sem_alloc : memref<!tpu.dma_semaphore, #tpu.memory_space<semaphore_mem>>
      %dma_start3A_76 = arith.constant 0 : i32
      %dma_start3A_77 = tpu.memref_slice %arg5[%arg0, %mul3A_75, %dma_start3A_76] : memref<2x10240x64xf32, #tpu.memory_space<hbm>> -> memref<1x640x64xf32, #tpu.memory_space<hbm>>
      %dma_start3A_78 = tpu.memref_squeeze %dma_start3A_77 : memref<1x640x64xf32, #tpu.memory_space<hbm>> -> memref<640x64xf32, #tpu.memory_space<hbm>>
      %dma_start3A_79 = arith.constant 0 : i32
      %dma_start3A_80 = tpu.memref_slice %arg10[%mul3A_73, %dma_start3A_79] : memref<10240x64xf32, #tpu.memory_space<vmem_shared>> -> memref<640x64xf32, #tpu.memory_space<vmem_shared>>
      tpu.enqueue_dma source(%dma_start3A_80 : memref<640x64xf32, #tpu.memory_space<vmem_shared>>) target(%dma_start3A_78 : memref<640x64xf32, #tpu.memory_space<hbm>>) target_semaphore(%run_scoped3A : memref<!tpu.dma_semaphore, #tpu.memory_space<semaphore_mem>>)
      %dma_wait3A_81 = arith.constant 0 : i32
      %dma_wait3A_82 = tpu.memref_slice %arg5[%arg0, %mul3A_75, %dma_wait3A_81] : memref<2x10240x64xf32, #tpu.memory_space<hbm>> -> memref<1x640x64xf32, #tpu.memory_space<hbm>>
      %dma_wait3A_83 = tpu.memref_squeeze %dma_wait3A_82 : memref<1x640x64xf32, #tpu.memory_space<hbm>> -> memref<640x64xf32, #tpu.memory_space<hbm>>
      %dma_wait3A_84 = arith.constant 0 : i32
      %dma_wait3A_85 = tpu.memref_slice %arg10[%mul3A_73, %dma_wait3A_84] : memref<10240x64xf32, #tpu.memory_space<vmem_shared>> -> memref<640x64xf32, #tpu.memory_space<vmem_shared>>
      tpu.wait_dma2 semaphore(%run_scoped3A : memref<!tpu.dma_semaphore, #tpu.memory_space<semaphore_mem>>) src(%dma_wait3A_85 : memref<640x64xf32, #tpu.memory_space<vmem_shared>>) dst(%dma_wait3A_83 : memref<640x64xf32, #tpu.memory_space<hbm>>)
      tpu.yield
    }) : () -> ()
    return
  }
}

#map = affine_map<(d0, d1) -> (0, 0, 0)>
#map1 = affine_map<(d0, d1) -> (0, 0)>
module attributes {stable_mosaic.version = 14 : i64} {
  func.func @_pool_body(%arg0: i32, %arg1: i32, %arg2: memref<32x5x64xi32, #tpu.memory_space<hbm>>, %arg3: memref<10240x128xf32, #tpu.memory_space<hbm>>, %arg4: memref<2x128x128xf32, #tpu.memory_space<hbm>>, %arg5: memref<5x64xi32, #tpu.memory_space<vmem>>, %arg6: memref<320x128xf32, #tpu.memory_space<vmem>>, %arg7: memref<8x128xf32, #tpu.memory_space<vmem>>, %arg8: memref<128x128xf32, #tpu.memory_space<vmem_shared>>, %arg9: memref<!tpu.dma_semaphore, #tpu.memory_space<semaphore_mem>>) attributes {dimension_semantics = [#tpu.dimension_semantics<core_parallel>, #tpu.dimension_semantics<subcore_parallel>], iteration_bounds = array<i64: 2, 16>, scalar_prefetch = 0 : i64, scratch_operands = 5 : i64, tpu.core_type = #tpu.core_type<sc_vector_subcore>, window_params = [{transform_indices = #map}, {transform_indices = #map1}, {transform_indices = #map}]} {
    %mul3A = arith.constant 16 : i32
    %mul3A_0 = arith.muli %arg0, %mul3A : i32
    %add3A = arith.addi %mul3A_0, %arg1 : i32
    %scan3A = arith.constant 0 : i32
    %scan3A_1 = arith.constant 0 : i32
    %scan3A_2 = arith.constant 8 : i32
    %scan3A_3 = arith.addi %scan3A_1, %scan3A_2 : i32
    %scan3A_4 = arith.constant 1 : i32
    scf.for %scan3A_23 = %scan3A_1 to %scan3A_3 step %scan3A_4  : i32 {
      %broadcast_in_dim3A = arith.constant 0.000000e+00 : f32
      %broadcast_in_dim3A_24 = vector.broadcast %broadcast_in_dim3A : f32 to vector<16xf32>
      %swap3A = arith.index_cast %scan3A_23 : i32 to index
      %swap3A_25 = arith.constant 0 : index
      %swap3A_26 = tpu.vector_load %arg7[%swap3A, %swap3A_25] {strides = array<i32>} : memref<8x128xf32, #tpu.memory_space<vmem>>, vector<1x16xf32>,
      %swap3A_27 = vector.shape_cast %swap3A_26 : vector<1x16xf32> to vector<16xf32>
      %swap3A_28 = vector.shape_cast %broadcast_in_dim3A_24 : vector<16xf32> to vector<1x16xf32>
      tpu.vector_store %arg7[%swap3A, %swap3A_25], %swap3A_28 {strides = array<i32>} : memref<8x128xf32, #tpu.memory_space<vmem>>, vector<1x16xf32>,
      %broadcast_in_dim3A_29 = arith.constant 0.000000e+00 : f32
      %broadcast_in_dim3A_30 = vector.broadcast %broadcast_in_dim3A_29 : f32 to vector<16xf32>
      %swap3A_31 = arith.index_cast %scan3A_23 : i32 to index
      %swap3A_32 = arith.constant 16 : index
      %swap3A_33 = tpu.vector_load %arg7[%swap3A_31, %swap3A_32] {strides = array<i32>} : memref<8x128xf32, #tpu.memory_space<vmem>>, vector<1x16xf32>,
      %swap3A_34 = vector.shape_cast %swap3A_33 : vector<1x16xf32> to vector<16xf32>
      %swap3A_35 = vector.shape_cast %broadcast_in_dim3A_30 : vector<16xf32> to vector<1x16xf32>
      tpu.vector_store %arg7[%swap3A_31, %swap3A_32], %swap3A_35 {strides = array<i32>} : memref<8x128xf32, #tpu.memory_space<vmem>>, vector<1x16xf32>,
      %broadcast_in_dim3A_36 = arith.constant 0.000000e+00 : f32
      %broadcast_in_dim3A_37 = vector.broadcast %broadcast_in_dim3A_36 : f32 to vector<16xf32>
      %swap3A_38 = arith.index_cast %scan3A_23 : i32 to index
      %swap3A_39 = arith.constant 32 : index
      %swap3A_40 = tpu.vector_load %arg7[%swap3A_38, %swap3A_39] {strides = array<i32>} : memref<8x128xf32, #tpu.memory_space<vmem>>, vector<1x16xf32>,
      %swap3A_41 = vector.shape_cast %swap3A_40 : vector<1x16xf32> to vector<16xf32>
      %swap3A_42 = vector.shape_cast %broadcast_in_dim3A_37 : vector<16xf32> to vector<1x16xf32>
      tpu.vector_store %arg7[%swap3A_38, %swap3A_39], %swap3A_42 {strides = array<i32>} : memref<8x128xf32, #tpu.memory_space<vmem>>, vector<1x16xf32>,
      %broadcast_in_dim3A_43 = arith.constant 0.000000e+00 : f32
      %broadcast_in_dim3A_44 = vector.broadcast %broadcast_in_dim3A_43 : f32 to vector<16xf32>
      %swap3A_45 = arith.index_cast %scan3A_23 : i32 to index
      %swap3A_46 = arith.constant 48 : index
      %swap3A_47 = tpu.vector_load %arg7[%swap3A_45, %swap3A_46] {strides = array<i32>} : memref<8x128xf32, #tpu.memory_space<vmem>>, vector<1x16xf32>,
      %swap3A_48 = vector.shape_cast %swap3A_47 : vector<1x16xf32> to vector<16xf32>
      %swap3A_49 = vector.shape_cast %broadcast_in_dim3A_44 : vector<16xf32> to vector<1x16xf32>
      tpu.vector_store %arg7[%swap3A_45, %swap3A_46], %swap3A_49 {strides = array<i32>} : memref<8x128xf32, #tpu.memory_space<vmem>>, vector<1x16xf32>,
      %broadcast_in_dim3A_50 = arith.constant 0.000000e+00 : f32
      %broadcast_in_dim3A_51 = vector.broadcast %broadcast_in_dim3A_50 : f32 to vector<16xf32>
      %swap3A_52 = arith.index_cast %scan3A_23 : i32 to index
      %swap3A_53 = arith.constant 64 : index
      %swap3A_54 = tpu.vector_load %arg7[%swap3A_52, %swap3A_53] {strides = array<i32>} : memref<8x128xf32, #tpu.memory_space<vmem>>, vector<1x16xf32>,
      %swap3A_55 = vector.shape_cast %swap3A_54 : vector<1x16xf32> to vector<16xf32>
      %swap3A_56 = vector.shape_cast %broadcast_in_dim3A_51 : vector<16xf32> to vector<1x16xf32>
      tpu.vector_store %arg7[%swap3A_52, %swap3A_53], %swap3A_56 {strides = array<i32>} : memref<8x128xf32, #tpu.memory_space<vmem>>, vector<1x16xf32>,
      %broadcast_in_dim3A_57 = arith.constant 0.000000e+00 : f32
      %broadcast_in_dim3A_58 = vector.broadcast %broadcast_in_dim3A_57 : f32 to vector<16xf32>
      %swap3A_59 = arith.index_cast %scan3A_23 : i32 to index
      %swap3A_60 = arith.constant 80 : index
      %swap3A_61 = tpu.vector_load %arg7[%swap3A_59, %swap3A_60] {strides = array<i32>} : memref<8x128xf32, #tpu.memory_space<vmem>>, vector<1x16xf32>,
      %swap3A_62 = vector.shape_cast %swap3A_61 : vector<1x16xf32> to vector<16xf32>
      %swap3A_63 = vector.shape_cast %broadcast_in_dim3A_58 : vector<16xf32> to vector<1x16xf32>
      tpu.vector_store %arg7[%swap3A_59, %swap3A_60], %swap3A_63 {strides = array<i32>} : memref<8x128xf32, #tpu.memory_space<vmem>>, vector<1x16xf32>,
      %broadcast_in_dim3A_64 = arith.constant 0.000000e+00 : f32
      %broadcast_in_dim3A_65 = vector.broadcast %broadcast_in_dim3A_64 : f32 to vector<16xf32>
      %swap3A_66 = arith.index_cast %scan3A_23 : i32 to index
      %swap3A_67 = arith.constant 96 : index
      %swap3A_68 = tpu.vector_load %arg7[%swap3A_66, %swap3A_67] {strides = array<i32>} : memref<8x128xf32, #tpu.memory_space<vmem>>, vector<1x16xf32>,
      %swap3A_69 = vector.shape_cast %swap3A_68 : vector<1x16xf32> to vector<16xf32>
      %swap3A_70 = vector.shape_cast %broadcast_in_dim3A_65 : vector<16xf32> to vector<1x16xf32>
      tpu.vector_store %arg7[%swap3A_66, %swap3A_67], %swap3A_70 {strides = array<i32>} : memref<8x128xf32, #tpu.memory_space<vmem>>, vector<1x16xf32>,
      %broadcast_in_dim3A_71 = arith.constant 0.000000e+00 : f32
      %broadcast_in_dim3A_72 = vector.broadcast %broadcast_in_dim3A_71 : f32 to vector<16xf32>
      %swap3A_73 = arith.index_cast %scan3A_23 : i32 to index
      %swap3A_74 = arith.constant 112 : index
      %swap3A_75 = tpu.vector_load %arg7[%swap3A_73, %swap3A_74] {strides = array<i32>} : memref<8x128xf32, #tpu.memory_space<vmem>>, vector<1x16xf32>,
      %swap3A_76 = vector.shape_cast %swap3A_75 : vector<1x16xf32> to vector<16xf32>
      %swap3A_77 = vector.shape_cast %broadcast_in_dim3A_72 : vector<16xf32> to vector<1x16xf32>
      tpu.vector_store %arg7[%swap3A_73, %swap3A_74], %swap3A_77 {strides = array<i32>} : memref<8x128xf32, #tpu.memory_space<vmem>>, vector<1x16xf32>,
    }
    %scan3A_5 = arith.constant 8 : i32
    %mul3A_6 = arith.constant 8 : i32
    %mul3A_7 = arith.muli %arg1, %mul3A_6 : i32
    "tpu.region"() ({
      %run_scoped3A_23 = tpu.sem_alloc : memref<!tpu.dma_semaphore, #tpu.memory_space<semaphore_mem>>
      %dma_start3A_24 = arith.constant 0 : i32
      %dma_start3A_25 = tpu.memref_slice %arg8[%mul3A_7, %dma_start3A_24] : memref<128x128xf32, #tpu.memory_space<vmem_shared>> -> memref<8x128xf32, #tpu.memory_space<vmem_shared>>
      %dma_start3A_26 = arith.constant 0 : i32
      %dma_start3A_27 = tpu.memref_slice %arg8[%mul3A_7, %dma_start3A_26] : memref<128x128xf32, #tpu.memory_space<vmem_shared>> -> memref<8x128xf32, #tpu.memory_space<vmem_shared>>
      tpu.enqueue_dma source(%arg7 : memref<8x128xf32, #tpu.memory_space<vmem>>) target(%dma_start3A_27 : memref<8x128xf32, #tpu.memory_space<vmem_shared>>) target_semaphore(%run_scoped3A_23 : memref<!tpu.dma_semaphore, #tpu.memory_space<semaphore_mem>>)
      %dma_wait3A_28 = arith.constant 0 : i32
      %dma_wait3A_29 = tpu.memref_slice %arg8[%mul3A_7, %dma_wait3A_28] : memref<128x128xf32, #tpu.memory_space<vmem_shared>> -> memref<8x128xf32, #tpu.memory_space<vmem_shared>>
      %dma_wait3A_30 = arith.constant 0 : i32
      %dma_wait3A_31 = tpu.memref_slice %arg8[%mul3A_7, %dma_wait3A_30] : memref<128x128xf32, #tpu.memory_space<vmem_shared>> -> memref<8x128xf32, #tpu.memory_space<vmem_shared>>
      tpu.wait_dma2 semaphore(%run_scoped3A_23 : memref<!tpu.dma_semaphore, #tpu.memory_space<semaphore_mem>>) src(%arg7 : memref<8x128xf32, #tpu.memory_space<vmem>>) dst(%dma_wait3A_31 : memref<8x128xf32, #tpu.memory_space<vmem_shared>>)
      tpu.yield
    }) : () -> ()
    %barrier3A = arith.constant 0 : index
    tpu.barrier barrier_id(%barrier3A)
    "tpu.region"() ({
      %run_scoped3A_23 = tpu.sem_alloc : memref<!tpu.dma_semaphore, #tpu.memory_space<semaphore_mem>>
      %dma_start3A_24 = arith.constant 0 : i32
      %dma_start3A_25 = arith.constant 0 : i32
      %dma_start3A_26 = tpu.memref_slice %arg2[%add3A, %dma_start3A_24, %dma_start3A_25] : memref<32x5x64xi32, #tpu.memory_space<hbm>> -> memref<1x5x64xi32, #tpu.memory_space<hbm>>
      %dma_start3A_27 = tpu.memref_squeeze %dma_start3A_26 : memref<1x5x64xi32, #tpu.memory_space<hbm>> -> memref<5x64xi32, #tpu.memory_space<hbm>>
      %dma_start3A_28 = arith.constant 0 : i32
      %dma_start3A_29 = arith.constant 0 : i32
      %dma_start3A_30 = tpu.memref_slice %arg2[%add3A, %dma_start3A_28, %dma_start3A_29] : memref<32x5x64xi32, #tpu.memory_space<hbm>> -> memref<1x5x64xi32, #tpu.memory_space<hbm>>
      %dma_start3A_31 = tpu.memref_squeeze %dma_start3A_30 : memref<1x5x64xi32, #tpu.memory_space<hbm>> -> memref<5x64xi32, #tpu.memory_space<hbm>>
      tpu.enqueue_dma source(%dma_start3A_31 : memref<5x64xi32, #tpu.memory_space<hbm>>) target(%arg5 : memref<5x64xi32, #tpu.memory_space<vmem>>) target_semaphore(%run_scoped3A_23 : memref<!tpu.dma_semaphore, #tpu.memory_space<semaphore_mem>>)
      %dma_wait3A_32 = arith.constant 0 : i32
      %dma_wait3A_33 = arith.constant 0 : i32
      %dma_wait3A_34 = tpu.memref_slice %arg2[%add3A, %dma_wait3A_32, %dma_wait3A_33] : memref<32x5x64xi32, #tpu.memory_space<hbm>> -> memref<1x5x64xi32, #tpu.memory_space<hbm>>
      %dma_wait3A_35 = tpu.memref_squeeze %dma_wait3A_34 : memref<1x5x64xi32, #tpu.memory_space<hbm>> -> memref<5x64xi32, #tpu.memory_space<hbm>>
      %dma_wait3A_36 = arith.constant 0 : i32
      %dma_wait3A_37 = arith.constant 0 : i32
      %dma_wait3A_38 = tpu.memref_slice %arg2[%add3A, %dma_wait3A_36, %dma_wait3A_37] : memref<32x5x64xi32, #tpu.memory_space<hbm>> -> memref<1x5x64xi32, #tpu.memory_space<hbm>>
      %dma_wait3A_39 = tpu.memref_squeeze %dma_wait3A_38 : memref<1x5x64xi32, #tpu.memory_space<hbm>> -> memref<5x64xi32, #tpu.memory_space<hbm>>
      tpu.wait_dma2 semaphore(%run_scoped3A_23 : memref<!tpu.dma_semaphore, #tpu.memory_space<semaphore_mem>>) src(%dma_wait3A_39 : memref<5x64xi32, #tpu.memory_space<hbm>>) dst(%arg5 : memref<5x64xi32, #tpu.memory_space<vmem>>)
      tpu.yield
    }) : () -> ()
    %mul3A_8 = arith.constant 320 : i32
    %mul3A_9 = arith.muli %add3A, %mul3A_8 : i32
    %dma_start3A = arith.constant 0 : i32
    %dma_start3A_10 = tpu.memref_slice %arg3[%mul3A_9, %dma_start3A] : memref<10240x128xf32, #tpu.memory_space<hbm>> -> memref<320x128xf32, #tpu.memory_space<hbm>>
    %dma_start3A_11 = arith.constant 0 : i32
    %dma_start3A_12 = tpu.memref_slice %arg3[%mul3A_9, %dma_start3A_11] : memref<10240x128xf32, #tpu.memory_space<hbm>> -> memref<320x128xf32, #tpu.memory_space<hbm>>
    tpu.enqueue_dma source(%dma_start3A_12 : memref<320x128xf32, #tpu.memory_space<hbm>>) target(%arg6 : memref<320x128xf32, #tpu.memory_space<vmem>>) target_semaphore(%arg9 : memref<!tpu.dma_semaphore, #tpu.memory_space<semaphore_mem>>)
    %dma_wait3A = arith.constant 0 : i32
    %dma_wait3A_13 = tpu.memref_slice %arg3[%mul3A_9, %dma_wait3A] : memref<10240x128xf32, #tpu.memory_space<hbm>> -> memref<320x128xf32, #tpu.memory_space<hbm>>
    %dma_wait3A_14 = arith.constant 0 : i32
    %dma_wait3A_15 = tpu.memref_slice %arg3[%mul3A_9, %dma_wait3A_14] : memref<10240x128xf32, #tpu.memory_space<hbm>> -> memref<320x128xf32, #tpu.memory_space<hbm>>
    tpu.wait_dma2 semaphore(%arg9 : memref<!tpu.dma_semaphore, #tpu.memory_space<semaphore_mem>>) src(%dma_wait3A_15 : memref<320x128xf32, #tpu.memory_space<hbm>>) dst(%arg6 : memref<320x128xf32, #tpu.memory_space<vmem>>)
    %run_scoped3A = arith.constant 0 : i32
    "tpu.region"() ({
      %run_scoped3A_23 = tpu.sem_alloc : memref<!tpu.dma_semaphore, #tpu.memory_space<semaphore_mem>>
      %dma_start3A_24 = arith.constant 0 : i32
      %dma_start3A_25 = arith.constant 0 : i32
      %dma_start3A_26 = tpu.memref_slice %arg6[%dma_start3A_24, %dma_start3A_25] : memref<320x128xf32, #tpu.memory_space<vmem>> -> memref<64x128xf32, #tpu.memory_space<vmem>>
      %dma_start3A_27 = arith.constant 0 : i32
      %dma_start3A_28 = tpu.memref_slice %arg5[%run_scoped3A, %dma_start3A_27] : memref<5x64xi32, #tpu.memory_space<vmem>> -> memref<1x64xi32, #tpu.memory_space<vmem>>
      %dma_start3A_29 = tpu.memref_squeeze %dma_start3A_28 : memref<1x64xi32, #tpu.memory_space<vmem>> -> memref<64xi32, #tpu.memory_space<vmem>>
      %dma_start3A_30 = arith.constant 0 : i32
      %dma_start3A_31 = arith.constant 0 : i32
      %dma_start3A_32 = tpu.memref_slice %arg8[%dma_start3A_30, %dma_start3A_31] : memref<128x128xf32, #tpu.memory_space<vmem_shared>> -> memref<128x128xf32, #tpu.memory_space<vmem_shared>>
      tpu.enqueue_indirect_dma source(%dma_start3A_26 : memref<64x128xf32, #tpu.memory_space<vmem>>) target(%dma_start3A_32 : memref<128x128xf32, #tpu.memory_space<vmem_shared>>) offsets(%dma_start3A_29 : memref<64xi32, #tpu.memory_space<vmem>>) semaphore(%run_scoped3A_23 : memref<!tpu.dma_semaphore, #tpu.memory_space<semaphore_mem>>) {add = true}
      %dma_wait3A_33 = arith.constant 0 : i32
      %dma_wait3A_34 = arith.constant 0 : i32
      %dma_wait3A_35 = tpu.memref_slice %arg6[%dma_wait3A_33, %dma_wait3A_34] : memref<320x128xf32, #tpu.memory_space<vmem>> -> memref<64x128xf32, #tpu.memory_space<vmem>>
      %dma_wait3A_36 = arith.constant 0 : i32
      %dma_wait3A_37 = tpu.memref_slice %arg5[%run_scoped3A, %dma_wait3A_36] : memref<5x64xi32, #tpu.memory_space<vmem>> -> memref<1x64xi32, #tpu.memory_space<vmem>>
      %dma_wait3A_38 = tpu.memref_squeeze %dma_wait3A_37 : memref<1x64xi32, #tpu.memory_space<vmem>> -> memref<64xi32, #tpu.memory_space<vmem>>
      %dma_wait3A_39 = arith.constant 0 : i32
      %dma_wait3A_40 = arith.constant 0 : i32
      %dma_wait3A_41 = tpu.memref_slice %arg8[%dma_wait3A_39, %dma_wait3A_40] : memref<128x128xf32, #tpu.memory_space<vmem_shared>> -> memref<128x128xf32, #tpu.memory_space<vmem_shared>>
      tpu.wait_indirect_dma semaphore(%run_scoped3A_23 : memref<!tpu.dma_semaphore, #tpu.memory_space<semaphore_mem>>) src(%dma_wait3A_35 : memref<64x128xf32, #tpu.memory_space<vmem>>) dst(%dma_wait3A_41 : memref<128x128xf32, #tpu.memory_space<vmem_shared>>)
      tpu.yield
    }) : () -> ()
    %run_scoped3A_16 = arith.constant 1 : i32
    "tpu.region"() ({
      %run_scoped3A_23 = tpu.sem_alloc : memref<!tpu.dma_semaphore, #tpu.memory_space<semaphore_mem>>
      %dma_start3A_24 = arith.constant 64 : i32
      %dma_start3A_25 = arith.constant 0 : i32
      %dma_start3A_26 = tpu.memref_slice %arg6[%dma_start3A_24, %dma_start3A_25] : memref<320x128xf32, #tpu.memory_space<vmem>> -> memref<64x128xf32, #tpu.memory_space<vmem>>
      %dma_start3A_27 = arith.constant 0 : i32
      %dma_start3A_28 = tpu.memref_slice %arg5[%run_scoped3A_16, %dma_start3A_27] : memref<5x64xi32, #tpu.memory_space<vmem>> -> memref<1x64xi32, #tpu.memory_space<vmem>>
      %dma_start3A_29 = tpu.memref_squeeze %dma_start3A_28 : memref<1x64xi32, #tpu.memory_space<vmem>> -> memref<64xi32, #tpu.memory_space<vmem>>
      %dma_start3A_30 = arith.constant 0 : i32
      %dma_start3A_31 = arith.constant 0 : i32
      %dma_start3A_32 = tpu.memref_slice %arg8[%dma_start3A_30, %dma_start3A_31] : memref<128x128xf32, #tpu.memory_space<vmem_shared>> -> memref<128x128xf32, #tpu.memory_space<vmem_shared>>
      tpu.enqueue_indirect_dma source(%dma_start3A_26 : memref<64x128xf32, #tpu.memory_space<vmem>>) target(%dma_start3A_32 : memref<128x128xf32, #tpu.memory_space<vmem_shared>>) offsets(%dma_start3A_29 : memref<64xi32, #tpu.memory_space<vmem>>) semaphore(%run_scoped3A_23 : memref<!tpu.dma_semaphore, #tpu.memory_space<semaphore_mem>>) {add = true}
      %dma_wait3A_33 = arith.constant 64 : i32
      %dma_wait3A_34 = arith.constant 0 : i32
      %dma_wait3A_35 = tpu.memref_slice %arg6[%dma_wait3A_33, %dma_wait3A_34] : memref<320x128xf32, #tpu.memory_space<vmem>> -> memref<64x128xf32, #tpu.memory_space<vmem>>
      %dma_wait3A_36 = arith.constant 0 : i32
      %dma_wait3A_37 = tpu.memref_slice %arg5[%run_scoped3A_16, %dma_wait3A_36] : memref<5x64xi32, #tpu.memory_space<vmem>> -> memref<1x64xi32, #tpu.memory_space<vmem>>
      %dma_wait3A_38 = tpu.memref_squeeze %dma_wait3A_37 : memref<1x64xi32, #tpu.memory_space<vmem>> -> memref<64xi32, #tpu.memory_space<vmem>>
      %dma_wait3A_39 = arith.constant 0 : i32
      %dma_wait3A_40 = arith.constant 0 : i32
      %dma_wait3A_41 = tpu.memref_slice %arg8[%dma_wait3A_39, %dma_wait3A_40] : memref<128x128xf32, #tpu.memory_space<vmem_shared>> -> memref<128x128xf32, #tpu.memory_space<vmem_shared>>
      tpu.wait_indirect_dma semaphore(%run_scoped3A_23 : memref<!tpu.dma_semaphore, #tpu.memory_space<semaphore_mem>>) src(%dma_wait3A_35 : memref<64x128xf32, #tpu.memory_space<vmem>>) dst(%dma_wait3A_41 : memref<128x128xf32, #tpu.memory_space<vmem_shared>>)
      tpu.yield
    }) : () -> ()
    %run_scoped3A_17 = arith.constant 2 : i32
    "tpu.region"() ({
      %run_scoped3A_23 = tpu.sem_alloc : memref<!tpu.dma_semaphore, #tpu.memory_space<semaphore_mem>>
      %dma_start3A_24 = arith.constant 128 : i32
      %dma_start3A_25 = arith.constant 0 : i32
      %dma_start3A_26 = tpu.memref_slice %arg6[%dma_start3A_24, %dma_start3A_25] : memref<320x128xf32, #tpu.memory_space<vmem>> -> memref<64x128xf32, #tpu.memory_space<vmem>>
      %dma_start3A_27 = arith.constant 0 : i32
      %dma_start3A_28 = tpu.memref_slice %arg5[%run_scoped3A_17, %dma_start3A_27] : memref<5x64xi32, #tpu.memory_space<vmem>> -> memref<1x64xi32, #tpu.memory_space<vmem>>
      %dma_start3A_29 = tpu.memref_squeeze %dma_start3A_28 : memref<1x64xi32, #tpu.memory_space<vmem>> -> memref<64xi32, #tpu.memory_space<vmem>>
      %dma_start3A_30 = arith.constant 0 : i32
      %dma_start3A_31 = arith.constant 0 : i32
      %dma_start3A_32 = tpu.memref_slice %arg8[%dma_start3A_30, %dma_start3A_31] : memref<128x128xf32, #tpu.memory_space<vmem_shared>> -> memref<128x128xf32, #tpu.memory_space<vmem_shared>>
      tpu.enqueue_indirect_dma source(%dma_start3A_26 : memref<64x128xf32, #tpu.memory_space<vmem>>) target(%dma_start3A_32 : memref<128x128xf32, #tpu.memory_space<vmem_shared>>) offsets(%dma_start3A_29 : memref<64xi32, #tpu.memory_space<vmem>>) semaphore(%run_scoped3A_23 : memref<!tpu.dma_semaphore, #tpu.memory_space<semaphore_mem>>) {add = true}
      %dma_wait3A_33 = arith.constant 128 : i32
      %dma_wait3A_34 = arith.constant 0 : i32
      %dma_wait3A_35 = tpu.memref_slice %arg6[%dma_wait3A_33, %dma_wait3A_34] : memref<320x128xf32, #tpu.memory_space<vmem>> -> memref<64x128xf32, #tpu.memory_space<vmem>>
      %dma_wait3A_36 = arith.constant 0 : i32
      %dma_wait3A_37 = tpu.memref_slice %arg5[%run_scoped3A_17, %dma_wait3A_36] : memref<5x64xi32, #tpu.memory_space<vmem>> -> memref<1x64xi32, #tpu.memory_space<vmem>>
      %dma_wait3A_38 = tpu.memref_squeeze %dma_wait3A_37 : memref<1x64xi32, #tpu.memory_space<vmem>> -> memref<64xi32, #tpu.memory_space<vmem>>
      %dma_wait3A_39 = arith.constant 0 : i32
      %dma_wait3A_40 = arith.constant 0 : i32
      %dma_wait3A_41 = tpu.memref_slice %arg8[%dma_wait3A_39, %dma_wait3A_40] : memref<128x128xf32, #tpu.memory_space<vmem_shared>> -> memref<128x128xf32, #tpu.memory_space<vmem_shared>>
      tpu.wait_indirect_dma semaphore(%run_scoped3A_23 : memref<!tpu.dma_semaphore, #tpu.memory_space<semaphore_mem>>) src(%dma_wait3A_35 : memref<64x128xf32, #tpu.memory_space<vmem>>) dst(%dma_wait3A_41 : memref<128x128xf32, #tpu.memory_space<vmem_shared>>)
      tpu.yield
    }) : () -> ()
    %run_scoped3A_18 = arith.constant 3 : i32
    "tpu.region"() ({
      %run_scoped3A_23 = tpu.sem_alloc : memref<!tpu.dma_semaphore, #tpu.memory_space<semaphore_mem>>
      %dma_start3A_24 = arith.constant 192 : i32
      %dma_start3A_25 = arith.constant 0 : i32
      %dma_start3A_26 = tpu.memref_slice %arg6[%dma_start3A_24, %dma_start3A_25] : memref<320x128xf32, #tpu.memory_space<vmem>> -> memref<64x128xf32, #tpu.memory_space<vmem>>
      %dma_start3A_27 = arith.constant 0 : i32
      %dma_start3A_28 = tpu.memref_slice %arg5[%run_scoped3A_18, %dma_start3A_27] : memref<5x64xi32, #tpu.memory_space<vmem>> -> memref<1x64xi32, #tpu.memory_space<vmem>>
      %dma_start3A_29 = tpu.memref_squeeze %dma_start3A_28 : memref<1x64xi32, #tpu.memory_space<vmem>> -> memref<64xi32, #tpu.memory_space<vmem>>
      %dma_start3A_30 = arith.constant 0 : i32
      %dma_start3A_31 = arith.constant 0 : i32
      %dma_start3A_32 = tpu.memref_slice %arg8[%dma_start3A_30, %dma_start3A_31] : memref<128x128xf32, #tpu.memory_space<vmem_shared>> -> memref<128x128xf32, #tpu.memory_space<vmem_shared>>
      tpu.enqueue_indirect_dma source(%dma_start3A_26 : memref<64x128xf32, #tpu.memory_space<vmem>>) target(%dma_start3A_32 : memref<128x128xf32, #tpu.memory_space<vmem_shared>>) offsets(%dma_start3A_29 : memref<64xi32, #tpu.memory_space<vmem>>) semaphore(%run_scoped3A_23 : memref<!tpu.dma_semaphore, #tpu.memory_space<semaphore_mem>>) {add = true}
      %dma_wait3A_33 = arith.constant 192 : i32
      %dma_wait3A_34 = arith.constant 0 : i32
      %dma_wait3A_35 = tpu.memref_slice %arg6[%dma_wait3A_33, %dma_wait3A_34] : memref<320x128xf32, #tpu.memory_space<vmem>> -> memref<64x128xf32, #tpu.memory_space<vmem>>
      %dma_wait3A_36 = arith.constant 0 : i32
      %dma_wait3A_37 = tpu.memref_slice %arg5[%run_scoped3A_18, %dma_wait3A_36] : memref<5x64xi32, #tpu.memory_space<vmem>> -> memref<1x64xi32, #tpu.memory_space<vmem>>
      %dma_wait3A_38 = tpu.memref_squeeze %dma_wait3A_37 : memref<1x64xi32, #tpu.memory_space<vmem>> -> memref<64xi32, #tpu.memory_space<vmem>>
      %dma_wait3A_39 = arith.constant 0 : i32
      %dma_wait3A_40 = arith.constant 0 : i32
      %dma_wait3A_41 = tpu.memref_slice %arg8[%dma_wait3A_39, %dma_wait3A_40] : memref<128x128xf32, #tpu.memory_space<vmem_shared>> -> memref<128x128xf32, #tpu.memory_space<vmem_shared>>
      tpu.wait_indirect_dma semaphore(%run_scoped3A_23 : memref<!tpu.dma_semaphore, #tpu.memory_space<semaphore_mem>>) src(%dma_wait3A_35 : memref<64x128xf32, #tpu.memory_space<vmem>>) dst(%dma_wait3A_41 : memref<128x128xf32, #tpu.memory_space<vmem_shared>>)
      tpu.yield
    }) : () -> ()
    %run_scoped3A_19 = arith.constant 4 : i32
    "tpu.region"() ({
      %run_scoped3A_23 = tpu.sem_alloc : memref<!tpu.dma_semaphore, #tpu.memory_space<semaphore_mem>>
      %dma_start3A_24 = arith.constant 256 : i32
      %dma_start3A_25 = arith.constant 0 : i32
      %dma_start3A_26 = tpu.memref_slice %arg6[%dma_start3A_24, %dma_start3A_25] : memref<320x128xf32, #tpu.memory_space<vmem>> -> memref<64x128xf32, #tpu.memory_space<vmem>>
      %dma_start3A_27 = arith.constant 0 : i32
      %dma_start3A_28 = tpu.memref_slice %arg5[%run_scoped3A_19, %dma_start3A_27] : memref<5x64xi32, #tpu.memory_space<vmem>> -> memref<1x64xi32, #tpu.memory_space<vmem>>
      %dma_start3A_29 = tpu.memref_squeeze %dma_start3A_28 : memref<1x64xi32, #tpu.memory_space<vmem>> -> memref<64xi32, #tpu.memory_space<vmem>>
      %dma_start3A_30 = arith.constant 0 : i32
      %dma_start3A_31 = arith.constant 0 : i32
      %dma_start3A_32 = tpu.memref_slice %arg8[%dma_start3A_30, %dma_start3A_31] : memref<128x128xf32, #tpu.memory_space<vmem_shared>> -> memref<128x128xf32, #tpu.memory_space<vmem_shared>>
      tpu.enqueue_indirect_dma source(%dma_start3A_26 : memref<64x128xf32, #tpu.memory_space<vmem>>) target(%dma_start3A_32 : memref<128x128xf32, #tpu.memory_space<vmem_shared>>) offsets(%dma_start3A_29 : memref<64xi32, #tpu.memory_space<vmem>>) semaphore(%run_scoped3A_23 : memref<!tpu.dma_semaphore, #tpu.memory_space<semaphore_mem>>) {add = true}
      %dma_wait3A_33 = arith.constant 256 : i32
      %dma_wait3A_34 = arith.constant 0 : i32
      %dma_wait3A_35 = tpu.memref_slice %arg6[%dma_wait3A_33, %dma_wait3A_34] : memref<320x128xf32, #tpu.memory_space<vmem>> -> memref<64x128xf32, #tpu.memory_space<vmem>>
      %dma_wait3A_36 = arith.constant 0 : i32
      %dma_wait3A_37 = tpu.memref_slice %arg5[%run_scoped3A_19, %dma_wait3A_36] : memref<5x64xi32, #tpu.memory_space<vmem>> -> memref<1x64xi32, #tpu.memory_space<vmem>>
      %dma_wait3A_38 = tpu.memref_squeeze %dma_wait3A_37 : memref<1x64xi32, #tpu.memory_space<vmem>> -> memref<64xi32, #tpu.memory_space<vmem>>
      %dma_wait3A_39 = arith.constant 0 : i32
      %dma_wait3A_40 = arith.constant 0 : i32
      %dma_wait3A_41 = tpu.memref_slice %arg8[%dma_wait3A_39, %dma_wait3A_40] : memref<128x128xf32, #tpu.memory_space<vmem_shared>> -> memref<128x128xf32, #tpu.memory_space<vmem_shared>>
      tpu.wait_indirect_dma semaphore(%run_scoped3A_23 : memref<!tpu.dma_semaphore, #tpu.memory_space<semaphore_mem>>) src(%dma_wait3A_35 : memref<64x128xf32, #tpu.memory_space<vmem>>) dst(%dma_wait3A_41 : memref<128x128xf32, #tpu.memory_space<vmem_shared>>)
      tpu.yield
    }) : () -> ()
    %barrier3A_20 = arith.constant 0 : index
    tpu.barrier barrier_id(%barrier3A_20)
    %eq3A = arith.constant 0 : i32
    %eq3A_21 = arith.cmpi eq, %arg1, %eq3A : i32
    %convert_element_type3A = arith.extui %eq3A_21 : i1 to i32
    %cond3A = arith.constant 0 : i32
    %cond3A_22 = arith.cmpi ne, %convert_element_type3A, %cond3A : i32
    scf.if %cond3A_22 {
      "tpu.region"() ({
        %run_scoped3A_23 = tpu.sem_alloc : memref<!tpu.dma_semaphore, #tpu.memory_space<semaphore_mem>>
        %dma_start3A_24 = arith.constant 0 : i32
        %dma_start3A_25 = arith.constant 0 : i32
        %dma_start3A_26 = tpu.memref_slice %arg4[%arg0, %dma_start3A_24, %dma_start3A_25] : memref<2x128x128xf32, #tpu.memory_space<hbm>> -> memref<1x128x128xf32, #tpu.memory_space<hbm>>
        %dma_start3A_27 = tpu.memref_squeeze %dma_start3A_26 : memref<1x128x128xf32, #tpu.memory_space<hbm>> -> memref<128x128xf32, #tpu.memory_space<hbm>>
        tpu.enqueue_dma source(%arg8 : memref<128x128xf32, #tpu.memory_space<vmem_shared>>) target(%dma_start3A_27 : memref<128x128xf32, #tpu.memory_space<hbm>>) target_semaphore(%run_scoped3A_23 : memref<!tpu.dma_semaphore, #tpu.memory_space<semaphore_mem>>)
        %dma_wait3A_28 = arith.constant 0 : i32
        %dma_wait3A_29 = arith.constant 0 : i32
        %dma_wait3A_30 = tpu.memref_slice %arg4[%arg0, %dma_wait3A_28, %dma_wait3A_29] : memref<2x128x128xf32, #tpu.memory_space<hbm>> -> memref<1x128x128xf32, #tpu.memory_space<hbm>>
        %dma_wait3A_31 = tpu.memref_squeeze %dma_wait3A_30 : memref<1x128x128xf32, #tpu.memory_space<hbm>> -> memref<128x128xf32, #tpu.memory_space<hbm>>
        tpu.wait_dma2 semaphore(%run_scoped3A_23 : memref<!tpu.dma_semaphore, #tpu.memory_space<semaphore_mem>>) src(%arg8 : memref<128x128xf32, #tpu.memory_space<vmem_shared>>) dst(%dma_wait3A_31 : memref<128x128xf32, #tpu.memory_space<hbm>>)
        tpu.yield
      }) : () -> ()
    } else {
    }
    return
  }
}

module attributes {stable_mosaic.version = 14 : i64} {
  func.func @_first_body(%arg0: i32, %arg1: memref<1024x128xf32, #tpu.memory_space<vmem>>, %arg2: memref<2x1024x16xf32, #tpu.memory_space<vmem>>, %arg3: memref<128x128xf32, #tpu.memory_space<vmem>>, %arg4: memref<1x128xf32, #tpu.memory_space<vmem>>, %arg5: memref<1024x128xf32, #tpu.memory_space<vmem>>, %arg6: memref<2x1024x64xf32, #tpu.memory_space<vmem>>) attributes {dimension_semantics = [#tpu.dimension_semantics<arbitrary>], iteration_bounds = array<i64: 10>, scalar_prefetch = 0 : i64, scratch_operands = 0 : i64, tpu.core_type = #tpu.core_type<tc>, window_params = [{transform_indices = @transform_0, window_bounds = array<i64: 1024, 128>}, {transform_indices = @transform_1, window_bounds = array<i64: 2, 1024, 16>}, {pipeline_mode = #tpu.pipeline_mode<synchronous>, transform_indices = @transform_2, window_bounds = array<i64: 128, 128>}, {pipeline_mode = #tpu.pipeline_mode<synchronous>, transform_indices = @transform_3, window_bounds = array<i64: 1, 128>}, {transform_indices = @transform_4, window_bounds = array<i64: 1024, 128>}, {transform_indices = @transform_5, window_bounds = array<i64: 2, 1024, 64>}]} {
    %get3A = arith.constant 0 : index
    %get3A_0 = arith.constant 0 : index
    %get3A_1 = arith.constant 0 : index
    %get3A_2 = vector.load %arg2[%get3A, %get3A_0, %get3A_1] : memref<2x1024x16xf32, #tpu.memory_space<vmem>>, vector<1x1024x1xf32>
    %get3A_3 = vector.shape_cast %get3A_2 : vector<1x1024x1xf32> to vector<1024x1xf32>
    %get3A_4 = arith.constant 1 : index
    %get3A_5 = arith.constant 0 : index
    %get3A_6 = arith.constant 0 : index
    %get3A_7 = vector.load %arg2[%get3A_4, %get3A_5, %get3A_6] : memref<2x1024x16xf32, #tpu.memory_space<vmem>>, vector<1x1024x1xf32>
    %get3A_8 = vector.shape_cast %get3A_7 : vector<1x1024x1xf32> to vector<1024x1xf32>
    %add3A = arith.addf %get3A_3, %get3A_8 : vector<1024x1xf32>
    %gt3A = arith.constant 0.000000e+00 : f32
    %gt3A_9 = vector.broadcast %gt3A : f32 to vector<1024x1xf32>
    %gt3A_10 = arith.cmpf ogt, %add3A, %gt3A_9 : vector<1024x1xf32>
    %max3A = arith.constant 1.000000e-30 : f32
    %max3A_11 = vector.broadcast %max3A : f32 to vector<1024x1xf32>
    %max3A_12 = arith.maximumf %add3A, %max3A_11 : vector<1024x1xf32>
    %rsqrt3A = math.rsqrt %max3A_12 : vector<1024x1xf32>
    %jit3A = arith.constant 0.000000e+00 : f32
    %broadcast_in_dim3A = vector.broadcast %jit3A : f32 to vector<1024x1xf32>
    %select_n3A = arith.select %gt3A_10, %rsqrt3A, %broadcast_in_dim3A : vector<1024x1xi1>, vector<1024x1xf32>
    %broadcast_in_dim3A_13 = vector.shape_cast %select_n3A : vector<1024x1xf32> to vector<1024x1xf32>
    %broadcast_in_dim3A_14 = vector.broadcast %broadcast_in_dim3A_13 : vector<1024x1xf32> to vector<1024x128xf32>
    %swap3A = arith.constant 0 : index
    %swap3A_15 = arith.constant 0 : index
    %swap3A_16 = vector.load %arg5[%swap3A, %swap3A_15] : memref<1024x128xf32, #tpu.memory_space<vmem>>, vector<1024x128xf32>
    tpu.vector_store %arg5[%swap3A, %swap3A_15], %broadcast_in_dim3A_14 {strides = array<i32>} : memref<1024x128xf32, #tpu.memory_space<vmem>>, vector<1024x128xf32>,
    %get3A_17 = arith.constant 0 : index
    %get3A_18 = arith.constant 0 : index
    %get3A_19 = vector.load %arg1[%get3A_17, %get3A_18] : memref<1024x128xf32, #tpu.memory_space<vmem>>, vector<1024x128xf32>
    %get3A_20 = arith.constant 0 : index
    %get3A_21 = arith.constant 0 : index
    %get3A_22 = vector.load %arg3[%get3A_20, %get3A_21] : memref<128x128xf32, #tpu.memory_space<vmem>>, vector<128x128xf32>
    %dot_general3A = arith.constant dense<0.000000e+00> : vector<1024x128xf32>
    %dot_general3A_23 = tpu.matmul %get3A_19, %get3A_22, %dot_general3A {dimension_numbers = #tpu.dot_dimension_numbers<[1], [0], [0], [1], [0, 0, 1, 1], [], []>, transpose_lhs_hint = false} : vector<1024x128xf32>, vector<128x128xf32>, vector<1024x128xf32> -> vector<1024x128xf32>
    %get3A_24 = arith.constant 0 : index
    %get3A_25 = arith.constant 0 : index
    %get3A_26 = vector.load %arg4[%get3A_24, %get3A_25] : memref<1x128xf32, #tpu.memory_space<vmem>>, vector<1x128xf32>
    %add3A_27 = vector.broadcast %get3A_26 : vector<1x128xf32> to vector<1024x128xf32>
    %add3A_28 = arith.addf %dot_general3A_23, %add3A_27 : vector<1024x128xf32>
    %mul3A = arith.mulf %add3A_28, %broadcast_in_dim3A_14 : vector<1024x128xf32>
    %slice3A = vector.extract_strided_slice %mul3A {offsets = [0, 0], sizes = [1024, 64], strides = [1, 1]} : vector<1024x128xf32> to vector<1024x64xf32>
    %swap3A_29 = arith.constant 0 : index
    %swap3A_30 = arith.constant 0 : index
    %swap3A_31 = arith.constant 0 : index
    %swap3A_32 = vector.load %arg6[%swap3A_29, %swap3A_30, %swap3A_31] : memref<2x1024x64xf32, #tpu.memory_space<vmem>>, vector<1x1024x64xf32>
    %swap3A_33 = vector.shape_cast %swap3A_32 : vector<1x1024x64xf32> to vector<1024x64xf32>
    %swap3A_34 = vector.shape_cast %slice3A : vector<1024x64xf32> to vector<1x1024x64xf32>
    tpu.vector_store %arg6[%swap3A_29, %swap3A_30, %swap3A_31], %swap3A_34 {strides = array<i32>} : memref<2x1024x64xf32, #tpu.memory_space<vmem>>, vector<1x1024x64xf32>,
    %slice3A_35 = vector.extract_strided_slice %mul3A {offsets = [0, 64], sizes = [1024, 64], strides = [1, 1]} : vector<1024x128xf32> to vector<1024x64xf32>
    %swap3A_36 = arith.constant 1 : index
    %swap3A_37 = arith.constant 0 : index
    %swap3A_38 = arith.constant 0 : index
    %swap3A_39 = vector.load %arg6[%swap3A_36, %swap3A_37, %swap3A_38] : memref<2x1024x64xf32, #tpu.memory_space<vmem>>, vector<1x1024x64xf32>
    %swap3A_40 = vector.shape_cast %swap3A_39 : vector<1x1024x64xf32> to vector<1024x64xf32>
    %swap3A_41 = vector.shape_cast %slice3A_35 : vector<1024x64xf32> to vector<1x1024x64xf32>
    tpu.vector_store %arg6[%swap3A_36, %swap3A_37, %swap3A_38], %swap3A_41 {strides = array<i32>} : memref<2x1024x64xf32, #tpu.memory_space<vmem>>, vector<1x1024x64xf32>,
    return
  }
  func.func @transform_0(%arg0: i32) -> (i32, i32) {
    %c0_i32 = arith.constant 0 : i32
    %c0_i32_0 = arith.constant 0 : i32
    return %arg0, %c0_i32 : i32, i32
  }
  func.func @transform_1(%arg0: i32) -> (i32, i32, i32) {
    %c0_i32 = arith.constant 0 : i32
    %c0_i32_0 = arith.constant 0 : i32
    %c0_i32_1 = arith.constant 0 : i32
    return %c0_i32, %arg0, %c0_i32_0 : i32, i32, i32
  }
  func.func @transform_2(%arg0: i32) -> (i32, i32) {
    %c0_i32 = arith.constant 0 : i32
    %c0_i32_0 = arith.constant 0 : i32
    %c0_i32_1 = arith.constant 0 : i32
    return %c0_i32, %c0_i32_0 : i32, i32
  }
  func.func @transform_3(%arg0: i32) -> (i32, i32) {
    %c0_i32 = arith.constant 0 : i32
    %c0_i32_0 = arith.constant 0 : i32
    %c0_i32_1 = arith.constant 0 : i32
    return %c0_i32, %c0_i32_0 : i32, i32
  }
  func.func @transform_4(%arg0: i32) -> (i32, i32) {
    %c0_i32 = arith.constant 0 : i32
    %c0_i32_0 = arith.constant 0 : i32
    return %arg0, %c0_i32 : i32, i32
  }
  func.func @transform_5(%arg0: i32) -> (i32, i32, i32) {
    %c0_i32 = arith.constant 0 : i32
    %c0_i32_0 = arith.constant 0 : i32
    %c0_i32_1 = arith.constant 0 : i32
    return %c0_i32, %arg0, %c0_i32_0 : i32, i32, i32
  }
}

module attributes {stable_mosaic.version = 14 : i64} {
  func.func @_mid_body(%arg0: i32, %arg1: memref<2x1024x64xf32, #tpu.memory_space<vmem>>, %arg2: memref<1024x128xf32, #tpu.memory_space<vmem>>, %arg3: memref<1024x128xf32, #tpu.memory_space<vmem>>, %arg4: memref<1x128xf32, #tpu.memory_space<vmem>>, %arg5: memref<1x128xf32, #tpu.memory_space<vmem>>, %arg6: memref<128x128xf32, #tpu.memory_space<vmem>>, %arg7: memref<1x128xf32, #tpu.memory_space<vmem>>, %arg8: memref<1024x128xf32, #tpu.memory_space<vmem>>, %arg9: memref<2x1024x64xf32, #tpu.memory_space<vmem>>) attributes {dimension_semantics = [#tpu.dimension_semantics<arbitrary>], iteration_bounds = array<i64: 10>, scalar_prefetch = 0 : i64, scratch_operands = 0 : i64, tpu.core_type = #tpu.core_type<tc>, window_params = [{transform_indices = @transform_0, window_bounds = array<i64: 2, 1024, 64>}, {transform_indices = @transform_1, window_bounds = array<i64: 1024, 128>}, {transform_indices = @transform_2, window_bounds = array<i64: 1024, 128>}, {pipeline_mode = #tpu.pipeline_mode<synchronous>, transform_indices = @transform_3, window_bounds = array<i64: 1, 128>}, {pipeline_mode = #tpu.pipeline_mode<synchronous>, transform_indices = @transform_4, window_bounds = array<i64: 1, 128>}, {pipeline_mode = #tpu.pipeline_mode<synchronous>, transform_indices = @transform_5, window_bounds = array<i64: 128, 128>}, {pipeline_mode = #tpu.pipeline_mode<synchronous>, transform_indices = @transform_6, window_bounds = array<i64: 1, 128>}, {transform_indices = @transform_7, window_bounds = array<i64: 1024, 128>}, {transform_indices = @transform_8, window_bounds = array<i64: 2, 1024, 64>}]} {
    %get3A = arith.constant 0 : index
    %get3A_0 = arith.constant 0 : index
    %get3A_1 = vector.load %arg3[%get3A, %get3A_0] : memref<1024x128xf32, #tpu.memory_space<vmem>>, vector<1024x128xf32>
    %get3A_2 = arith.constant 0 : index
    %get3A_3 = arith.constant 0 : index
    %get3A_4 = arith.constant 0 : index
    %get3A_5 = vector.load %arg1[%get3A_2, %get3A_3, %get3A_4] : memref<2x1024x64xf32, #tpu.memory_space<vmem>>, vector<1x1024x64xf32>
    %get3A_6 = vector.shape_cast %get3A_5 : vector<1x1024x64xf32> to vector<1024x64xf32>
    %get3A_7 = arith.constant 1 : index
    %get3A_8 = arith.constant 0 : index
    %get3A_9 = arith.constant 0 : index
    %get3A_10 = vector.load %arg1[%get3A_7, %get3A_8, %get3A_9] : memref<2x1024x64xf32, #tpu.memory_space<vmem>>, vector<1x1024x64xf32>
    %get3A_11 = vector.shape_cast %get3A_10 : vector<1x1024x64xf32> to vector<1024x64xf32>
    %concatenate3A = tpu.concatenate %get3A_6, %get3A_11 in 1 : vector<1024x64xf32>, vector<1024x64xf32> -> vector<1024x128xf32>
    %mul3A = arith.mulf %concatenate3A, %get3A_1 : vector<1024x128xf32>
    %get3A_12 = arith.constant 0 : index
    %get3A_13 = arith.constant 0 : index
    %get3A_14 = vector.load %arg4[%get3A_12, %get3A_13] : memref<1x128xf32, #tpu.memory_space<vmem>>, vector<1x128xf32>
    %mul3A_15 = arith.constant 0.999994993 : f32
    %mul3A_16 = vector.broadcast %mul3A_15 : f32 to vector<1x128xf32>
    %mul3A_17 = arith.mulf %get3A_14, %mul3A_16 : vector<1x128xf32>
    %mul3A_18 = vector.broadcast %mul3A_17 : vector<1x128xf32> to vector<1024x128xf32>
    %mul3A_19 = arith.mulf %mul3A_18, %mul3A : vector<1024x128xf32>
    %get3A_20 = arith.constant 0 : index
    %get3A_21 = arith.constant 0 : index
    %get3A_22 = vector.load %arg5[%get3A_20, %get3A_21] : memref<1x128xf32, #tpu.memory_space<vmem>>, vector<1x128xf32>
    %add3A = vector.broadcast %get3A_22 : vector<1x128xf32> to vector<1024x128xf32>
    %add3A_23 = arith.addf %mul3A_19, %add3A : vector<1024x128xf32>
    %max3A = arith.constant 0.000000e+00 : f32
    %max3A_24 = vector.broadcast %max3A : f32 to vector<1024x128xf32>
    %max3A_25 = arith.maximumf %add3A_23, %max3A_24 : vector<1024x128xf32>
    %get3A_26 = arith.constant 0 : index
    %get3A_27 = arith.constant 0 : index
    %get3A_28 = vector.load %arg2[%get3A_26, %get3A_27] : memref<1024x128xf32, #tpu.memory_space<vmem>>, vector<1024x128xf32>
    %add3A_29 = arith.addf %max3A_25, %get3A_28 : vector<1024x128xf32>
    %swap3A = arith.constant 0 : index
    %swap3A_30 = arith.constant 0 : index
    %swap3A_31 = vector.load %arg8[%swap3A, %swap3A_30] : memref<1024x128xf32, #tpu.memory_space<vmem>>, vector<1024x128xf32>
    tpu.vector_store %arg8[%swap3A, %swap3A_30], %add3A_29 {strides = array<i32>} : memref<1024x128xf32, #tpu.memory_space<vmem>>, vector<1024x128xf32>,
    %get3A_32 = arith.constant 0 : index
    %get3A_33 = arith.constant 0 : index
    %get3A_34 = vector.load %arg6[%get3A_32, %get3A_33] : memref<128x128xf32, #tpu.memory_space<vmem>>, vector<128x128xf32>
    %dot_general3A = arith.constant dense<0.000000e+00> : vector<1024x128xf32>
    %dot_general3A_35 = tpu.matmul %add3A_29, %get3A_34, %dot_general3A {dimension_numbers = #tpu.dot_dimension_numbers<[1], [0], [0], [1], [0, 0, 1, 1], [], []>, transpose_lhs_hint = false} : vector<1024x128xf32>, vector<128x128xf32>, vector<1024x128xf32> -> vector<1024x128xf32>
    %get3A_36 = arith.constant 0 : index
    %get3A_37 = arith.constant 0 : index
    %get3A_38 = vector.load %arg7[%get3A_36, %get3A_37] : memref<1x128xf32, #tpu.memory_space<vmem>>, vector<1x128xf32>
    %add3A_39 = vector.broadcast %get3A_38 : vector<1x128xf32> to vector<1024x128xf32>
    %add3A_40 = arith.addf %dot_general3A_35, %add3A_39 : vector<1024x128xf32>
    %mul3A_41 = arith.mulf %add3A_40, %get3A_1 : vector<1024x128xf32>
    %slice3A = vector.extract_strided_slice %mul3A_41 {offsets = [0, 0], sizes = [1024, 64], strides = [1, 1]} : vector<1024x128xf32> to vector<1024x64xf32>
    %swap3A_42 = arith.constant 0 : index
    %swap3A_43 = arith.constant 0 : index
    %swap3A_44 = arith.constant 0 : index
    %swap3A_45 = vector.load %arg9[%swap3A_42, %swap3A_43, %swap3A_44] : memref<2x1024x64xf32, #tpu.memory_space<vmem>>, vector<1x1024x64xf32>
    %swap3A_46 = vector.shape_cast %swap3A_45 : vector<1x1024x64xf32> to vector<1024x64xf32>
    %swap3A_47 = vector.shape_cast %slice3A : vector<1024x64xf32> to vector<1x1024x64xf32>
    tpu.vector_store %arg9[%swap3A_42, %swap3A_43, %swap3A_44], %swap3A_47 {strides = array<i32>} : memref<2x1024x64xf32, #tpu.memory_space<vmem>>, vector<1x1024x64xf32>,
    %slice3A_48 = vector.extract_strided_slice %mul3A_41 {offsets = [0, 64], sizes = [1024, 64], strides = [1, 1]} : vector<1024x128xf32> to vector<1024x64xf32>
    %swap3A_49 = arith.constant 1 : index
    %swap3A_50 = arith.constant 0 : index
    %swap3A_51 = arith.constant 0 : index
    %swap3A_52 = vector.load %arg9[%swap3A_49, %swap3A_50, %swap3A_51] : memref<2x1024x64xf32, #tpu.memory_space<vmem>>, vector<1x1024x64xf32>
    %swap3A_53 = vector.shape_cast %swap3A_52 : vector<1x1024x64xf32> to vector<1024x64xf32>
    %swap3A_54 = vector.shape_cast %slice3A_48 : vector<1024x64xf32> to vector<1x1024x64xf32>
    tpu.vector_store %arg9[%swap3A_49, %swap3A_50, %swap3A_51], %swap3A_54 {strides = array<i32>} : memref<2x1024x64xf32, #tpu.memory_space<vmem>>, vector<1x1024x64xf32>,
    return
  }
  func.func @transform_0(%arg0: i32) -> (i32, i32, i32) {
    %c0_i32 = arith.constant 0 : i32
    %c0_i32_0 = arith.constant 0 : i32
    %c0_i32_1 = arith.constant 0 : i32
    return %c0_i32, %arg0, %c0_i32_0 : i32, i32, i32
  }
  func.func @transform_1(%arg0: i32) -> (i32, i32) {
    %c0_i32 = arith.constant 0 : i32
    %c0_i32_0 = arith.constant 0 : i32
    return %arg0, %c0_i32 : i32, i32
  }
  func.func @transform_2(%arg0: i32) -> (i32, i32) {
    %c0_i32 = arith.constant 0 : i32
    %c0_i32_0 = arith.constant 0 : i32
    return %arg0, %c0_i32 : i32, i32
  }
  func.func @transform_3(%arg0: i32) -> (i32, i32) {
    %c0_i32 = arith.constant 0 : i32
    %c0_i32_0 = arith.constant 0 : i32
    %c0_i32_1 = arith.constant 0 : i32
    return %c0_i32, %c0_i32_0 : i32, i32
  }
  func.func @transform_4(%arg0: i32) -> (i32, i32) {
    %c0_i32 = arith.constant 0 : i32
    %c0_i32_0 = arith.constant 0 : i32
    %c0_i32_1 = arith.constant 0 : i32
    return %c0_i32, %c0_i32_0 : i32, i32
  }
  func.func @transform_5(%arg0: i32) -> (i32, i32) {
    %c0_i32 = arith.constant 0 : i32
    %c0_i32_0 = arith.constant 0 : i32
    %c0_i32_1 = arith.constant 0 : i32
    return %c0_i32, %c0_i32_0 : i32, i32
  }
  func.func @transform_6(%arg0: i32) -> (i32, i32) {
    %c0_i32 = arith.constant 0 : i32
    %c0_i32_0 = arith.constant 0 : i32
    %c0_i32_1 = arith.constant 0 : i32
    return %c0_i32, %c0_i32_0 : i32, i32
  }
  func.func @transform_7(%arg0: i32) -> (i32, i32) {
    %c0_i32 = arith.constant 0 : i32
    %c0_i32_0 = arith.constant 0 : i32
    return %arg0, %c0_i32 : i32, i32
  }
  func.func @transform_8(%arg0: i32) -> (i32, i32, i32) {
    %c0_i32 = arith.constant 0 : i32
    %c0_i32_0 = arith.constant 0 : i32
    %c0_i32_1 = arith.constant 0 : i32
    return %c0_i32, %arg0, %c0_i32_0 : i32, i32, i32
  }
}

module attributes {stable_mosaic.version = 14 : i64} {
  func.func @_last_body(%arg0: i32, %arg1: memref<2x1024x64xf32, #tpu.memory_space<vmem>>, %arg2: memref<1024x128xf32, #tpu.memory_space<vmem>>, %arg3: memref<1024x128xf32, #tpu.memory_space<vmem>>, %arg4: memref<1x128xf32, #tpu.memory_space<vmem>>, %arg5: memref<1x128xf32, #tpu.memory_space<vmem>>, %arg6: memref<1024x128xf32, #tpu.memory_space<vmem>>) attributes {dimension_semantics = [#tpu.dimension_semantics<arbitrary>], iteration_bounds = array<i64: 10>, scalar_prefetch = 0 : i64, scratch_operands = 0 : i64, tpu.core_type = #tpu.core_type<tc>, window_params = [{transform_indices = @transform_0, window_bounds = array<i64: 2, 1024, 64>}, {transform_indices = @transform_1, window_bounds = array<i64: 1024, 128>}, {transform_indices = @transform_2, window_bounds = array<i64: 1024, 128>}, {pipeline_mode = #tpu.pipeline_mode<synchronous>, transform_indices = @transform_3, window_bounds = array<i64: 1, 128>}, {pipeline_mode = #tpu.pipeline_mode<synchronous>, transform_indices = @transform_4, window_bounds = array<i64: 1, 128>}, {transform_indices = @transform_5, window_bounds = array<i64: 1024, 128>}]} {
    %get3A = arith.constant 0 : index
    %get3A_0 = arith.constant 0 : index
    %get3A_1 = arith.constant 0 : index
    %get3A_2 = vector.load %arg1[%get3A, %get3A_0, %get3A_1] : memref<2x1024x64xf32, #tpu.memory_space<vmem>>, vector<1x1024x64xf32>
    %get3A_3 = vector.shape_cast %get3A_2 : vector<1x1024x64xf32> to vector<1024x64xf32>
    %get3A_4 = arith.constant 1 : index
    %get3A_5 = arith.constant 0 : index
    %get3A_6 = arith.constant 0 : index
    %get3A_7 = vector.load %arg1[%get3A_4, %get3A_5, %get3A_6] : memref<2x1024x64xf32, #tpu.memory_space<vmem>>, vector<1x1024x64xf32>
    %get3A_8 = vector.shape_cast %get3A_7 : vector<1x1024x64xf32> to vector<1024x64xf32>
    %concatenate3A = tpu.concatenate %get3A_3, %get3A_8 in 1 : vector<1024x64xf32>, vector<1024x64xf32> -> vector<1024x128xf32>
    %get3A_9 = arith.constant 0 : index
    %get3A_10 = arith.constant 0 : index
    %get3A_11 = vector.load %arg3[%get3A_9, %get3A_10] : memref<1024x128xf32, #tpu.memory_space<vmem>>, vector<1024x128xf32>
    %mul3A = arith.mulf %concatenate3A, %get3A_11 : vector<1024x128xf32>
    %get3A_12 = arith.constant 0 : index
    %get3A_13 = arith.constant 0 : index
    %get3A_14 = vector.load %arg4[%get3A_12, %get3A_13] : memref<1x128xf32, #tpu.memory_space<vmem>>, vector<1x128xf32>
    %mul3A_15 = arith.constant 0.999994993 : f32
    %mul3A_16 = vector.broadcast %mul3A_15 : f32 to vector<1x128xf32>
    %mul3A_17 = arith.mulf %get3A_14, %mul3A_16 : vector<1x128xf32>
    %mul3A_18 = vector.broadcast %mul3A_17 : vector<1x128xf32> to vector<1024x128xf32>
    %mul3A_19 = arith.mulf %mul3A_18, %mul3A : vector<1024x128xf32>
    %get3A_20 = arith.constant 0 : index
    %get3A_21 = arith.constant 0 : index
    %get3A_22 = vector.load %arg5[%get3A_20, %get3A_21] : memref<1x128xf32, #tpu.memory_space<vmem>>, vector<1x128xf32>
    %add3A = vector.broadcast %get3A_22 : vector<1x128xf32> to vector<1024x128xf32>
    %add3A_23 = arith.addf %mul3A_19, %add3A : vector<1024x128xf32>
    %max3A = arith.constant 0.000000e+00 : f32
    %max3A_24 = vector.broadcast %max3A : f32 to vector<1024x128xf32>
    %max3A_25 = arith.maximumf %add3A_23, %max3A_24 : vector<1024x128xf32>
    %get3A_26 = arith.constant 0 : index
    %get3A_27 = arith.constant 0 : index
    %get3A_28 = vector.load %arg2[%get3A_26, %get3A_27] : memref<1024x128xf32, #tpu.memory_space<vmem>>, vector<1024x128xf32>
    %add3A_29 = arith.addf %max3A_25, %get3A_28 : vector<1024x128xf32>
    %swap3A = arith.constant 0 : index
    %swap3A_30 = arith.constant 0 : index
    %swap3A_31 = vector.load %arg6[%swap3A, %swap3A_30] : memref<1024x128xf32, #tpu.memory_space<vmem>>, vector<1024x128xf32>
    tpu.vector_store %arg6[%swap3A, %swap3A_30], %add3A_29 {strides = array<i32>} : memref<1024x128xf32, #tpu.memory_space<vmem>>, vector<1024x128xf32>,
    return
  }
  func.func @transform_0(%arg0: i32) -> (i32, i32, i32) {
    %c0_i32 = arith.constant 0 : i32
    %c0_i32_0 = arith.constant 0 : i32
    %c0_i32_1 = arith.constant 0 : i32
    return %c0_i32, %arg0, %c0_i32_0 : i32, i32, i32
  }
  func.func @transform_1(%arg0: i32) -> (i32, i32) {
    %c0_i32 = arith.constant 0 : i32
    %c0_i32_0 = arith.constant 0 : i32
    return %arg0, %c0_i32 : i32, i32
  }
  func.func @transform_2(%arg0: i32) -> (i32, i32) {
    %c0_i32 = arith.constant 0 : i32
    %c0_i32_0 = arith.constant 0 : i32
    return %arg0, %c0_i32 : i32, i32
  }
  func.func @transform_3(%arg0: i32) -> (i32, i32) {
    %c0_i32 = arith.constant 0 : i32
    %c0_i32_0 = arith.constant 0 : i32
    %c0_i32_1 = arith.constant 0 : i32
    return %c0_i32, %c0_i32_0 : i32, i32
  }
  func.func @transform_4(%arg0: i32) -> (i32, i32) {
    %c0_i32 = arith.constant 0 : i32
    %c0_i32_0 = arith.constant 0 : i32
    %c0_i32_1 = arith.constant 0 : i32
    return %c0_i32, %c0_i32_0 : i32, i32
  }
  func.func @transform_5(%arg0: i32) -> (i32, i32) {
    %c0_i32 = arith.constant 0 : i32
    %c0_i32_0 = arith.constant 0 : i32
    return %arg0, %c0_i32 : i32, i32
  }
}

module attributes {stable_mosaic.version = 14 : i64} {
  func.func @_head_body(%arg0: memref<2x128x128xf32, #tpu.memory_space<vmem>>, %arg1: memref<1x10240xi32, #tpu.memory_space<vmem>>, %arg2: memref<128x128xf32, #tpu.memory_space<vmem>>, %arg3: memref<1x128xf32, #tpu.memory_space<vmem>>, %arg4: memref<128x128xf32, #tpu.memory_space<vmem>>) attributes {dimension_semantics = [], scalar_prefetch = 0 : i64, scratch_operands = 0 : i64, tpu.core_type = #tpu.core_type<tc>} {
    %get3A = arith.constant 0 : index
    %get3A_0 = arith.constant 0 : index
    %get3A_1 = arith.constant 0 : index
    %get3A_2 = vector.load %arg0[%get3A, %get3A_0, %get3A_1] : memref<2x128x128xf32, #tpu.memory_space<vmem>>, vector<1x128x128xf32>
    %get3A_3 = vector.shape_cast %get3A_2 : vector<1x128x128xf32> to vector<128x128xf32>
    %get3A_4 = arith.constant 1 : index
    %get3A_5 = arith.constant 0 : index
    %get3A_6 = arith.constant 0 : index
    %get3A_7 = vector.load %arg0[%get3A_4, %get3A_5, %get3A_6] : memref<2x128x128xf32, #tpu.memory_space<vmem>>, vector<1x128x128xf32>
    %get3A_8 = vector.shape_cast %get3A_7 : vector<1x128x128xf32> to vector<128x128xf32>
    %add3A = arith.addf %get3A_3, %get3A_8 : vector<128x128xf32>
    %iota3A = tpu.iota {dimensions = array<i32: 0>} : vector<128x1xi32>
    %get3A_9 = arith.constant 0 : index
    %get3A_10 = arith.constant 0 : index
    %get3A_11 = vector.load %arg1[%get3A_9, %get3A_10] : memref<1x10240xi32, #tpu.memory_space<vmem>>, vector<1x10240xi32>
    %eq3A = vector.broadcast %get3A_11 : vector<1x10240xi32> to vector<128x10240xi32>
    %eq3A_12 = vector.broadcast %iota3A : vector<128x1xi32> to vector<128x10240xi32>
    %eq3A_13 = arith.cmpi eq, %eq3A, %eq3A_12 : vector<128x10240xi32>
    %convert_element_type3A = arith.extui %eq3A_13 : vector<128x10240xi1> to vector<128x10240xi32>
    %convert_element_type3A_14 = arith.sitofp %convert_element_type3A : vector<128x10240xi32> to vector<128x10240xf32>
    %reduce_sum3A = arith.constant dense<0.000000e+00> : vector<128xf32>
    %reduce_sum3A_15 = vector.multi_reduction <add>, %convert_element_type3A_14, %reduce_sum3A [1] : vector<128x10240xf32> to vector<128xf32>
    %broadcast_in_dim3A = vector.shape_cast %reduce_sum3A_15 : vector<128xf32> to vector<128x1xf32>
    %max3A = arith.constant 1.000000e+00 : f32
    %max3A_16 = vector.broadcast %max3A : f32 to vector<128x1xf32>
    %max3A_17 = arith.maximumf %broadcast_in_dim3A, %max3A_16 : vector<128x1xf32>
    %div3A = vector.broadcast %max3A_17 : vector<128x1xf32> to vector<128x128xf32>
    %div3A_18 = arith.divf %add3A, %div3A : vector<128x128xf32>
    %get3A_19 = arith.constant 0 : index
    %get3A_20 = arith.constant 0 : index
    %get3A_21 = vector.load %arg2[%get3A_19, %get3A_20] : memref<128x128xf32, #tpu.memory_space<vmem>>, vector<128x128xf32>
    %dot_general3A = arith.constant dense<0.000000e+00> : vector<128x128xf32>
    %dot_general3A_22 = tpu.matmul %div3A_18, %get3A_21, %dot_general3A {dimension_numbers = #tpu.dot_dimension_numbers<[1], [0], [0], [1], [0, 0, 1, 1], [], []>, transpose_lhs_hint = false} : vector<128x128xf32>, vector<128x128xf32>, vector<128x128xf32> -> vector<128x128xf32>
    %get3A_23 = arith.constant 0 : index
    %get3A_24 = arith.constant 0 : index
    %get3A_25 = vector.load %arg3[%get3A_23, %get3A_24] : memref<1x128xf32, #tpu.memory_space<vmem>>, vector<1x128xf32>
    %add3A_26 = vector.broadcast %get3A_25 : vector<1x128xf32> to vector<128x128xf32>
    %add3A_27 = arith.addf %dot_general3A_22, %add3A_26 : vector<128x128xf32>
    %swap3A = arith.constant 0 : index
    %swap3A_28 = arith.constant 0 : index
    %swap3A_29 = vector.load %arg4[%swap3A, %swap3A_28] : memref<128x128xf32, #tpu.memory_space<vmem>>, vector<128x128xf32>
    tpu.vector_store %arg4[%swap3A, %swap3A_28], %add3A_27 {strides = array<i32>} : memref<128x128xf32, #tpu.memory_space<vmem>>, vector<128x128xf32>,
    return
  }
}

</mosaic_0001>

<sc_bundles>
// kernel: kernel.12.cloned.1.call-start
scs
__scs_entry_jumppad:
0x0: {  	(pc) =	sbr.rel $0x88, $3  }
0x1: {  	(tag) =	ssettag $0x0;
	lr =	simm.s32 $0x1  }
0x2: {  	[smem:$0x3F90] =	sst lr;
	_ =	strace $0xD0000000  }
0x3: {  	_ = 	snop  }
0x4: {  	_ = 	snop  }
0x5: {  	_ = 	snop  }
0x6: {  	_ = 	snop  }
0x7: {  	_ = 	snop  }
__scs_overlays_trampoline_lowered:
0x8: {  	[smem:$0x3F9F] =	sst s0  }
0x9: {  	[smem:$0x3FA0] =	sst s1  }
0xa: {  	[smem:$0x3FA1] =	sst s2  }
0xb: {  	[smem:$0x3FA2] =	sst s3  }
0xc: {  	[smem:$0x3FA3] =	sst s4  }
0xd: {  	[smem:$0x3FA4] =	sst s5  }
0xe: {  	[smem:$0x3FA5] =	sst s6  }
0xf: {  	[smem:$0x3FA6] =	sst s7  }
0x10: {  	[smem:$0x3FA7] =	sst s8  }
0x11: {  	[smem:$0x3FA8] =	sst s9;
	s0 =	simm.s32 @!p0 $0x0  }
0x12: {  	s1 =	sld [smem:$0x3F8E];
	s0 =	simm.s32 @p0 $0x1  }
0x13: {  	[smem:$0x3FA9] =	sst s0;
	s0 =	simm.s32 @!p1 $0x0  }
0x14: {  	s2 =	sld [smem:$0x3F8D];
	s0 =	simm.s32 @p1 $0x1  }
0x15: {  	[smem:$0x3FAA] =	sst s0;
	s0 =	simm.s32 @!p2 $0x0  }
0x16: {  	s3 =	sld [smem:$0x3FDB];
	s0 =	simm.s32 @p2 $0x1  }
0x17: {  	s4 =	simm.s32 $0x1BF5;
	[smem:$0x3FAC] =	sst s0  }
0x18: {  	s0 =	sld [smem:$0x3F8F];
	_ =	swait.ge [sflag:s4], $0x0  }
0x19: {  	s7 =	sld [smem:$0x3F90]  }
0x1a: {  	s8 =	sadd.s32 $0xFFFFE003, lr  }
0x1b: {  	s9 =	sadd.s32 $0xFFFFFEF7, lr;
	s5 =	simm.s32 $0xFFFFFFFF;
	p2 =	slt.u32 s8, $0xFFFFF086  }
0x1c: {  	p1 =	slt.u32 s9, $0xF7A;
	s5 =	simm.s32 @!p2 $0x0  }
0x1d: {  	s5 =	simm.s32 @p1 $0x1;
	p0 =	seq.s32 s7, s2  }
0x1e: {  	s7 =	smul.u32 @!p0 $0xF7A, s2;
	p2 =	seq.s32 @!p0 s5, $0x0  }
0x1f: {  	s9 =	smul.u32 $0xF7A, s1;
	s8 =	simm.s32 @!p0 $0x1BF5;
	p2 =	por !p2, p0  }
0x20: {  	[sflag:s8] =	ssyncset.s32 @!p0 $0xFFFFF086;
	s6 =	sadd.s32 @!p0 s3, s7;
	s7 =	simm.s32 @!p0 $0x108  }
0x21: {  	s3 =	sadd.s32 s3, s9;
	s6 =	sadd.s32 @!p0 $0x88, s6;
	s7 =	simm.s32 @p2 $0x1082  }
0x22: {  	[simem:s7], [sflag:s8] =	dma.local @!p0 [hbm:s6], $0xF7A  }
0x23: {  	s9 =	sor.u32 $0xD0000000, s2;
	s6 =	simm.s32 $0x108;
	_ =	swait.ge @!p0 [sflag:s8], $0x0  }
0x24: {  	s3 =	sadd.s32 $0x88, s3;
	s6 =	simm.s32 @!p1 $0x1082;
	[sflag:s4] =	ssyncset.s32 $0xFFFFF086  }
0x25: {  	[simem:s6], [sflag:s4] =	dma.local [hbm:s3], $0xF7A  }
0x26: {  	[smem:$0x3F90] =	sst s1;
	(tag) =	ssettag s2;
	_ =	strace s9  }
0x27: {  	s1 =	sld [smem:$0x3FA0]  }
0x28: {  	s2 =	sld [smem:$0x3FA1]  }
0x29: {  	s4 =	sld [smem:$0x3FA3]  }
0x2a: {  	p0 =	seq.s32 s5, $0x0;
	s5 =	sld [smem:$0x3FA4]  }
0x2b: {  	s6 =	sld [smem:$0x3FA5]  }
0x2c: {  	s7 =	sld [smem:$0x3FA6]  }
0x2d: {  	s3 =	simm.s32 $0x108;
	s8 =	sld [smem:$0x3FA7]  }
0x2e: {  	s3 =	simm.s32 @!p0 $0x1082;
	s9 =	sld [smem:$0x3FA8]  }
0x2f: {  	lr =	sadd.s32 s0, s3;
	s0 =	sld [smem:$0x3F9F]  }
0x30: {  	s3 =	sld [smem:$0x3FA2]  }
0x31: {  	[smem:$0x3FAB] =	sst s10  }
0x32: {  	s10 =	sld [smem:$0x3FA9];
	_ =	sdelay $0x3  }
0x33: {  	p0 =	seq.s32 s10, $0x1;
	s10 =	sld [smem:$0x3FAB];
	_ =	sdelay $0x3  }
0x34: {  	[smem:$0x3FAB] =	sst s10  }
0x35: {  	s10 =	sld [smem:$0x3FAA];
	_ =	sdelay $0x3  }
0x36: {  	p1 =	seq.s32 s10, $0x1;
	s10 =	sld [smem:$0x3FAB];
	_ =	sdelay $0x3  }
0x37: {  	[smem:$0x3FAB] =	sst s10  }
0x38: {  	s10 =	sld [smem:$0x3FAC]  }
0x39: {  	_ = 	snop;
	(pc) =	sbr.ind lr, $3  }
0x3a: {  	_ = 	snop  }
0x3b: {  	_ = 	snop  }
0x3c: {  	p2 =	seq.s32 s10, $0x1;
	s10 =	sld [smem:$0x3FAB]  }
0x3d: {  	_ =	shalt  }
0x3e: {  	_ =	shalt  }
0x3f: {  	_ =	shalt  }
0x40: {  	_ =	shalt  }
0x41: {  	_ =	shalt  }
0x42: {  	_ =	shalt  }
0x43: {  	_ =	shalt  }
0x44: {  	_ =	shalt  }
0x45: {  	_ =	shalt  }
0x46: {  	_ =	shalt  }
0x47: {  	_ =	shalt  }
0x48: {  	_ =	shalt  }
0x49: {  	_ =	shalt  }
0x4a: {  	_ =	shalt  }
0x4b: {  	_ =	shalt  }
0x4c: {  	_ =	shalt  }
0x4d: {  	_ =	shalt  }
0x4e: {  	_ =	shalt  }
0x4f: {  	_ =	shalt  }
0x50: {  	_ =	shalt  }
0x51: {  	_ =	shalt  }
0x52: {  	_ =	shalt  }
0x53: {  	_ =	shalt  }
0x54: {  	_ =	shalt  }
0x55: {  	_ =	shalt  }
0x56: {  	_ =	shalt  }
0x57: {  	_ =	shalt  }
0x58: {  	_ =	shalt  }
0x59: {  	_ =	shalt  }
0x5a: {  	_ =	shalt  }
0x5b: {  	_ =	shalt  }
0x5c: {  	_ =	shalt  }
0x5d: {  	_ =	shalt  }
0x5e: {  	_ =	shalt  }
0x5f: {  	_ =	shalt  }
0x60: {  	_ =	shalt  }
0x61: {  	_ =	shalt  }
0x62: {  	_ =	shalt  }
0x63: {  	_ =	shalt  }
0x64: {  	_ =	shalt  }
0x65: {  	_ =	shalt  }
0x66: {  	_ =	shalt  }
0x67: {  	_ =	shalt  }
0x68: {  	_ =	shalt  }
0x69: {  	_ =	shalt  }
0x6a: {  	_ =	shalt  }
0x6b: {  	_ =	shalt  }
0x6c: {  	_ =	shalt  }
0x6d: {  	_ =	shalt  }
0x6e: {  	_ =	shalt  }
0x6f: {  	_ =	shalt  }
0x70: {  	_ =	shalt  }
0x71: {  	_ =	shalt  }
0x72: {  	_ =	shalt  }
0x73: {  	_ =	shalt  }
0x74: {  	_ =	shalt  }
0x75: {  	_ =	shalt  }
0x76: {  	_ =	shalt  }
0x77: {  	_ =	shalt  }
0x78: {  	_ =	shalt  }
0x79: {  	_ =	shalt  }
0x7a: {  	_ =	shalt  }
0x7b: {  	_ =	shalt  }
0x7c: {  	_ =	shalt  }
0x7d: {  	_ =	shalt  }
0x7e: {  	_ =	shalt  }
0x7f: {  	_ =	shalt  }
0x80: {  	_ =	shalt  }
0x81: {  	_ =	shalt  }
0x82: {  	_ =	shalt  }
0x83: {  	_ =	shalt  }
0x84: {  	_ =	shalt  }
0x85: {  	_ =	shalt  }
0x86: {  	_ =	shalt  }
0x87: {  	_ =	shalt  }
.Lfunc_end0:
.L_simem_size_0:
called_computation_lowered:
.L_overlay_start_0:
0x88: {  	s2 =	sld [smem:$0x3FD9]  }
0x89: {  	s3 =	sld [smem:$0x3FFE];
	_ =	sdelay $0x1  }
0x8a: {  	s1 =	srdreg.scid  }
0x8b: {  	s0 =	sand.u32 $0x1, s1  }
0x8c: {  	s16 =	sshll.u32 s0, $0xA;
	s2 =	sadd.s32 s3, s2  }
0x8d: {  	s2 =	sadd.s32 s2, s16  }
0x8e: {  	[smem:$0x3FB7] =	sst s2  }
0x8f: {  	_ = 	snop  }
0x90: {  	(tm) =	ssettm $0x1  }
0x91: {  	s17 =	sld [smem:$0x3FFB];
	_ =	sdelay $0x3  }
0x92: {  	_ =	strace s17  }
0x93: {  	s2 =	sld [smem:$0x3FFC];
	_ =	sdelay $0x3  }
0x94: {  	_ =	strace s2  }
0x95: {  	s2 =	sld [smem:$0x3FFD];
	_ =	sdelay $0x3  }
0x96: {  	_ =	strace s2  }
0x97: {  	_ =	strace $0x8FFFFFFF  }
0x98: {  	s18 =	sld [smem:$0x3FDB];
	_ =	sdelay $0x1  }
0x99: {  	s19 =	simm.s32 $_scs_section_size  }
0x9a: {  	s4 =	simm.s32 $_size__tile_overlayer_lowered;
	s5 =	simm.s32 $_tile_overlayer_lowered  }
0x9b: {  	s22 =	simm.s32 $0x1BFF;
	s21 =	sshll.u32 s5, $0x1;
	s2 =	sadd.s32 s19, s18  }
0x9c: {  	s6 =	simm.s32 $0x0;
	s20 =	sshll.u32 s4, $0x1;
	s4 =	sadd.s32 s21, s2  }
0x9d: {  	[timem:s6], [sflag:s22] =	dma.local [hbm:s4], s20  }
0x9e: {  	_ =	swait.ge [sflag:s22], s20  }
0x9f: {  	s3 =	ssub.s32 $0x0, s20;
	[sflag:s22] =	ssyncset.done $0x0  }
0xa0: {  	[sflag:s22] =	ssyncadd.s32 s3;
	_ =	sdelay $0x1  }
0xa1: {  	s23 =	simm.s32 $0x1B8B  }
0xa2: {  	_ =	swait.ge [sflag:s23], $0x1  }
0xa3: {  	[sflag:s23] =	ssyncset.done $0x0  }
0xa4: {  	s25 =	simm.s32 $0x1B8E;
	s24 =	sld [smem:$0x3FFE];
	[sflag:s23] =	ssyncadd.s32 $0xFFFFFFFF  }
0xa5: {  	s26 =	simm.s32 $execute0_lowered;
	[smem:$0x3FD2] =	sst s25  }
0xa6: {  	s4 =	sshll.u32 s26, $0x1;
	_ =	strace $0x80000046;
	[dreg:$0x1] =	wrdreg $0xFFFFFFFF  }
0xa7: {  	s28 =	simm.s32 $_size_execute0_lowered;
	s2 =	sadd.s32 s2, s4;
	[dreg:$0x0] =	wrdreg $0x0  }
0xa8: {  	s4 =	sshll.u32 s28, $0x1;
	[dreg:$0x2] =	wrdreg s2  }
0xa9: {  	[dreg:$0x3] =	wrdreg s4  }
0xaa: {  	[dreg:$0x4] =	wrdreg $0xC0  }
0xab: {  	_ =	task [dreg:s6], $0x5FFFF  }
0xac: {  	[dreg:$0x1] =	wrdreg $0xFFFFFFFF  }
0xad: {  	[dreg:$0x0] =	wrdreg $0x60  }
0xae: {  	[dreg:$0x2] =	wrdreg s24  }
0xaf: {  	[dreg:$0x3] =	wrdreg $0x39000  }
0xb0: {  	[dreg:$0x4] =	wrdreg $0x9  }
0xb1: {  	_ =	task.clear_ibuf [dreg:s6], $0x5FFFF;
	_ =	strace $0x90000046  }
0xb2: {  	s29 =	simm.s32 $0x9;
	_ =	strace $0x80000048  }
0xb3: {  	_ =	swait.ge [sflag:s29], $0x1  }
0xb4: {  	[sflag:s29] =	ssyncadd.s32 $0xFFFFFFFF  }
0xb5: {  	_ =	strace $0x90000048  }
0xb6: {  	_ =	sfence  }
0xb7: {  	s30 =	sld [smem:$0x0];
	_ =	sdelay $0x2  }
0xb8: {  	s31 =	sshll.u32 s1, $0xD;
	s1 =	sshrl.u32 s1, $0x2  }
0xb9: {  	s3 =	sand.u32 $0x4000, s31;
	s1 =	sadd.s32 s1, s30  }
0xba: {  	s0 =	sor.u32 s3, s0;
	s1 =	sshll.u32 s1, $0x11  }
0xbb: {  	s0 =	sor.u32 s1, s0  }
0xbc: {  	s0 =	sadd.s32 $0x8F2B, s0  }
0xbd: {  	[sflag:s0] =	ssyncadd.remote.s32 $0x1  }
0xbe: {  	_ =	sfence.sel $0xFFFF  }
0xbf: {  	[dreg:$0x0] =	wrdreg $0xFFFFFFFF;
	(pc) =	sbr.abs _section_cstart, $3  }
0xc0: {  	[dreg:$0x1] =	wrdreg $0xFFFFFFFF  }
0xc1: {  	_ =	task.clear_ibuf [dreg:s6], $0x2FFFF;
	_ =	strace $0x9FFFFFFF  }
0xc2: {  	(tm) =	ssettm $0x7FFFFFFF  }
0xc3: {  	_ =	shalt  }
tec
execute0_lowered:
.L_overlay_start_1:
0x0: {  	(tag) =	ssettag $0x1  }
0x1: {  	s4 =	rddreg [dreg:$0x0]  }
0x2: {  	s0 =	srdreg.scid;
	s2 =	rddreg [dreg:$0x1];
	s3 =	simm.s32 $0x0  }
0x3: {  	s19 =	simm.s32 $0x2900;
	s5 =	sand.u32 $0x1, s0;
	s0 =	stileid.u32  }
0x4: {  	[smem:$0x7FF] =	sst s3;
	s14 =	sadd.s32 $0xE400, s4;
	s8 =	smul.u32 $0x2800, s0  }
0x5: {  	s1 =	sshll.u32 s5, $0x4;
	s7 =	ssub.s32 $0x2, s5;
	s13 =	smul.u32 $0x28000, s5  }
0x6: {  	s6 =	sor.u32 s0, s1;
	s1 =	rddreg [dreg:$0x2];
	s29 =	sshrl.u32 s7, $0x1  }
0x7: {  	_ =	strace $0x80000047;
	s6 =	smul.u32 $0x520, s6;
	s15 =	ssub.s32 s7, s29  }
0x8: {  	s10 =	sadd.s32 $0x800, s8;
	s12 =	sadd.s32 $0x1000, s8;
	s16 =	sadd.s32 $0x1800, s8  }
0x9: {  	s17 =	sadd.s32 $0x2000, s8;
	s11 =	sadd.s32 s8, s13;
	s5 =	sadd.s32 s10, s2  }
0xa: {  	s7 =	sadd.s32 s16, s2;
	s11 =	sshrl.u32 s11, $0x3;
	s18 =	sadd.s32 s13, s10  }
0xb: {  	s16 =	sadd.s32 s13, s16;
	s15 =	smax.u32 s15, $0x1;
	s9 =	sadd.s32 s6, s4  }
0xc: {  	s4 =	sadd.s32 s8, s2;
	s6 =	sadd.s32 s12, s2;
	s8 =	sadd.s32 s17, s2  }
0xd: {  	s10 =	sadd.s32 s14, s11;
	s30 =	sshrl.u32 s18, $0x3;
	s12 =	sadd.s32 s13, s12  }
0xe: {  	s16 =	sshrl.u32 s16, $0x3;
	s17 =	sadd.s32 s13, s17;
	s18 =	simm.s32 $0x80  }
0xf: {  	s9 =	sadd.s32 $0x4000, s9;
	s11 =	sadd.s32 s14, s30;
	s12 =	sshrl.u32 s12, $0x3  }
0x10: {  	s13 =	sadd.s32 s14, s16;
	s31 =	sshrl.u32 s17, $0x3;
	s16 =	simm.s32 $0x3100  }
0x11: {  	v0 =	vimm.f32 $0.0e+00;
	v1 =	vimm.f32 $1.000000000e+00;
	s17 =	simm.s32 $0x1;
	s12 =	sadd.s32 s14, s12;
	s14 =	sadd.s32 s14, s31  }
.LBB2_1:
0x12: {  	s20 =	simm.s32 $0x40;
	s21 =	simm.s32 $0x0  }
.LBB2_2:
0x13: {  	p0 =	sne.s32 s20, $0x1FC0;
	[tilespmem:s21+$0x3100] =	vst v0;
	s22 =	smov.u32 s20;
	s20 =	sadd.s32 $0x40, s20  }
.Ltmp0:
0x14: {  	[tilespmem:s21+$0x2900] =	vst v1;
	(pc) =	sbr.rel @p0 .LBB2_2-.Ltmp0, $2  }
0x15: {  	_ =	sdelay $0x2  }
0x16: {  	s21 =	sshra.s32 s22, $0x2  }
0x17: {  	[tilespmem:s21+$0x3100] =	vst v0  }
0x18: {  	[tilespmem:s21+$0x2900] =	vst v1  }
0x19: {  	[spmem:s4] =	stream.linear.scatter [tilespmem:s16], [sflag:$0x1], $0x800, $0x38;
	[tilespmem:$0x6100] =	vst v63  }
0x1a: {  	_ =	swait.ge [sflag:s17], $0x800  }
0x1b: {  	[sflag:s17] =	ssyncset.done $0x0  }
0x1c: {  	[sflag:s17] =	ssyncadd.s32 $0xFFFFF800  }
0x1d: {  	[spmem:s5] =	stream.linear.scatter [tilespmem:s16], [sflag:$0x1], $0x800, $0x38;
	[tilespmem:$0x6100] =	vst v63  }
0x1e: {  	_ =	swait.ge [sflag:s17], $0x800  }
0x1f: {  	[sflag:s17] =	ssyncset.done $0x0  }
0x20: {  	[sflag:s17] =	ssyncadd.s32 $0xFFFFF800  }
0x21: {  	[spmem:s6] =	stream.linear.scatter [tilespmem:s16], [sflag:$0x1], $0x800, $0x38;
	[tilespmem:$0x6100] =	vst v63  }
0x22: {  	_ =	swait.ge [sflag:s17], $0x800  }
0x23: {  	[sflag:s17] =	ssyncset.done $0x0  }
0x24: {  	[sflag:s17] =	ssyncadd.s32 $0xFFFFF800  }
0x25: {  	[spmem:s7] =	stream.linear.scatter [tilespmem:s16], [sflag:$0x1], $0x800, $0x38;
	[tilespmem:$0x6100] =	vst v63  }
0x26: {  	_ =	swait.ge [sflag:s17], $0x800  }
0x27: {  	[sflag:s17] =	ssyncset.done $0x0  }
0x28: {  	[sflag:s17] =	ssyncadd.s32 $0xFFFFF800  }
0x29: {  	[spmem:s8] =	stream.linear.scatter [tilespmem:s16], [sflag:$0x1], $0x800, $0x38;
	[tilespmem:$0x6100] =	vst v63  }
0x2a: {  	_ =	swait.ge [sflag:s17], $0x800  }
0x2b: {  	[sflag:s17] =	ssyncset.done $0x0  }
0x2c: {  	[sflag:s17] =	ssyncadd.s32 $0xFFFFF800  }
0x2d: {  	s20 =	simm.s32 $0x0;
	[bflag:$0x0] =	sbarrier.arrive $0xFFFF  }
0x2e: {  	[tilespmem:s20], [sflag:$0x1] =	stream.linear.gather [hbm4b:s9+s20], $0x2900, $0x38;
	[tilespmem:$0x6100] =	vst v63  }
0x2f: {  	_ =	swait.ge [sflag:s17], $0x2900  }
0x30: {  	[sflag:s17] =	ssyncset.done $0x0  }
0x31: {  	s31 =	simm.s32 $0x0;
	[sflag:s17] =	ssyncadd.s32 $0xFFFFD700  }
0x32: {  	[spmem:s2] =	stream.indirect.scatter.add.f32 [tilespmem:s19], [sflag:$0x1], $0x10, s31, s18, $0xb8;
	[tilespmem:$0x6100] =	vst v63  }
0x33: {  	_ =	swait.ge [sflag:s17], $0x800  }
0x34: {  	s20 =	simm.s32 $0x200;
	[sflag:s17] =	ssyncset.done $0x0  }
.LBB2_4:
0x35: {  	s21 =	sshra.s32 s20, $0x2;
	[sflag:s17] =	ssyncadd.s32 $0xFFFFF800;
	p0 =	sne.s32 s20, $0xA200  }
0x36: {  	[spmem:s2] =	stream.indirect.scatter.add.f32 [tilespmem:s19], [sflag:$0x1], $0x10, s21, s18, $0xb8;
	[tilespmem:$0x6100] =	vst v63  }
.Ltmp1:
0x37: {  	_ = 	snop;
	(pc) =	sbr.rel @p0 .LBB2_4-.Ltmp1, $4  }
0x38: {  	_ = 	snop  }
0x39: {  	s20 =	sadd.s32 $0x200, s20  }
0x3a: {  	_ =	swait.ge [sflag:s17], $0x800  }
0x3b: {  	[sflag:s17] =	ssyncset.done $0x0  }
0x3c: {  	[sflag:s17] =	ssyncadd.s32 $0xFFFFF800;
	s20 =	sshll.u32 s0, $0x6  }
0x3d: {  	s21 =	sshrl.u32 s4, $0x3;
	[bflag:$0x0] =	sbarrier.arrive $0xFFFF;
	s20 =	sor.u32 $0x1C01, s20  }
0x3e: {  	[hbm:s10], [sflag:s20] =	dma.local [spmem:s21], $0x100  }
0x3f: {  	_ =	swait.ge [sflag:s17], $0x100  }
0x40: {  	[sflag:s17] =	ssyncset.done $0x0  }
0x41: {  	s28 =	sshrl.u32 s5, $0x3;
	[sflag:s17] =	ssyncadd.s32 $0xFFFFFF00  }
0x42: {  	[hbm:s11], [sflag:s20] =	dma.local [spmem:s28], $0x100  }
0x43: {  	_ =	swait.ge [sflag:s17], $0x100  }
0x44: {  	[sflag:s17] =	ssyncset.done $0x0  }
0x45: {  	s29 =	sshrl.u32 s6, $0x3;
	[sflag:s17] =	ssyncadd.s32 $0xFFFFFF00  }
0x46: {  	[hbm:s12], [sflag:s20] =	dma.local [spmem:s29], $0x100  }
0x47: {  	_ =	swait.ge [sflag:s17], $0x100  }
0x48: {  	[sflag:s17] =	ssyncset.done $0x0  }
0x49: {  	s30 =	sshrl.u32 s7, $0x3;
	[sflag:s17] =	ssyncadd.s32 $0xFFFFFF00  }
0x4a: {  	[hbm:s13], [sflag:s20] =	dma.local [spmem:s30], $0x100  }
0x4b: {  	s3 =	sadd.s32 $0x1, s3;
	_ =	swait.ge [sflag:s17], $0x100  }
0x4c: {  	p0 =	sne.s32 s3, s15;
	[sflag:s17] =	ssyncset.done $0x0  }
.Ltmp2:
0x4d: {  	s31 =	sshrl.u32 s8, $0x3;
	[sflag:s17] =	ssyncadd.s32 $0xFFFFFF00;
	(pc) =	sbr.rel @p0 .LBB2_1-.Ltmp2, $4  }
0x4e: {  	[hbm:s14], [sflag:s20] =	dma.local [spmem:s31], $0x100  }
0x4f: {  	_ =	swait.ge [sflag:s17], $0x100  }
0x50: {  	[sflag:s17] =	ssyncset.done $0x0  }
0x51: {  	[sflag:s17] =	ssyncadd.s32 $0xFFFFFF00  }
0x52: {  	_ =	sfence.sel $0x180000  }
0x53: {  	[bflag:$0x0] =	sbarrier.arrive $0xFFFF  }
0x54: {  	p0 =	sne.s32 s0, $0x0;
	_ =	strace $0x90000047  }
0x55: {  	s0 =	sadd.s32 @!p0 $0x100000, s1;
	[bflag:$0x2] =	sbarrier.arrive $0xFFFF  }
0x56: {  	[sflag:s0] =	ssyncadd.tile.s32 @!p0 $0x1;
	_ =	shalt  }
.Lfunc_end2:
_tile_overlayer_lowered:
.L_overlay_start_2:
0x57: {  	(tag) =	ssettag $0x2  }
0x58: {  	s0 =	rddreg [dreg:$0x0];
	s2 =	stileid.u32  }
0x59: {  	s1 =	rddreg [dreg:$0x1];
	p0 =	sne.s32 s2, $0x0  }
0x5a: {  	s3 =	rddreg [dreg:$0x2];
	[bflag:$0x3] =	sbarrier.arrive $0xFFFF;
	s2 =	simm.s32 @!p0 $0x1C01  }
0x5b: {  	[timem:s3], [sflag:s2] =	dma.local @!p0 [hbm:s0], s1  }
0x5c: {  	s0 =	simm.s32 @!p0 $0x1  }
0x5d: {  	_ =	swait.ge @!p0 [sflag:s0], s1  }
0x5e: {  	s1 =	ssub.s32 @!p0 $0x0, s1;
	[sflag:s0] =	ssyncset.done @!p0 $0x0  }
0x5f: {  	[sflag:s0] =	ssyncadd.s32 @!p0 s1  }
0x60: {  	[bflag:$0x3] =	sbarrier.arrive $0xFFFF  }
0x61: {  	_ =	shalt  }

// kernel: kernel.15.cloned.1.call-start
scs
__scs_entry_jumppad:
0x0: {  	(pc) =	sbr.rel $0x88, $3  }
0x1: {  	(tag) =	ssettag $0x0;
	lr =	simm.s32 $0x1  }
0x2: {  	[smem:$0x3F90] =	sst lr;
	_ =	strace $0xD0000000  }
0x3: {  	_ = 	snop  }
0x4: {  	_ = 	snop  }
0x5: {  	_ = 	snop  }
0x6: {  	_ = 	snop  }
0x7: {  	_ = 	snop  }
__scs_overlays_trampoline_lowered:
0x8: {  	[smem:$0x3F9F] =	sst s0  }
0x9: {  	[smem:$0x3FA0] =	sst s1  }
0xa: {  	[smem:$0x3FA1] =	sst s2  }
0xb: {  	[smem:$0x3FA2] =	sst s3  }
0xc: {  	[smem:$0x3FA3] =	sst s4  }
0xd: {  	[smem:$0x3FA4] =	sst s5  }
0xe: {  	[smem:$0x3FA5] =	sst s6  }
0xf: {  	[smem:$0x3FA6] =	sst s7  }
0x10: {  	[smem:$0x3FA7] =	sst s8  }
0x11: {  	[smem:$0x3FA8] =	sst s9;
	s0 =	simm.s32 @!p0 $0x0  }
0x12: {  	s1 =	sld [smem:$0x3F8E];
	s0 =	simm.s32 @p0 $0x1  }
0x13: {  	[smem:$0x3FA9] =	sst s0;
	s0 =	simm.s32 @!p1 $0x0  }
0x14: {  	s2 =	sld [smem:$0x3F8D];
	s0 =	simm.s32 @p1 $0x1  }
0x15: {  	[smem:$0x3FAA] =	sst s0;
	s0 =	simm.s32 @!p2 $0x0  }
0x16: {  	s3 =	sld [smem:$0x3FDB];
	s0 =	simm.s32 @p2 $0x1  }
0x17: {  	s4 =	simm.s32 $0x1BF5;
	[smem:$0x3FAC] =	sst s0  }
0x18: {  	s0 =	sld [smem:$0x3F8F];
	_ =	swait.ge [sflag:s4], $0x0  }
0x19: {  	s7 =	sld [smem:$0x3F90]  }
0x1a: {  	s8 =	sadd.s32 $0xFFFFE003, lr  }
0x1b: {  	s9 =	sadd.s32 $0xFFFFFEF7, lr;
	s5 =	simm.s32 $0xFFFFFFFF;
	p2 =	slt.u32 s8, $0xFFFFF086  }
0x1c: {  	p1 =	slt.u32 s9, $0xF7A;
	s5 =	simm.s32 @!p2 $0x0  }
0x1d: {  	s5 =	simm.s32 @p1 $0x1;
	p0 =	seq.s32 s7, s2  }
0x1e: {  	s7 =	smul.u32 @!p0 $0xF7A, s2;
	p2 =	seq.s32 @!p0 s5, $0x0  }
0x1f: {  	s9 =	smul.u32 $0xF7A, s1;
	s8 =	simm.s32 @!p0 $0x1BF5;
	p2 =	por !p2, p0  }
0x20: {  	[sflag:s8] =	ssyncset.s32 @!p0 $0xFFFFF086;
	s6 =	sadd.s32 @!p0 s3, s7;
	s7 =	simm.s32 @!p0 $0x108  }
0x21: {  	s3 =	sadd.s32 s3, s9;
	s6 =	sadd.s32 @!p0 $0x88, s6;
	s7 =	simm.s32 @p2 $0x1082  }
0x22: {  	[simem:s7], [sflag:s8] =	dma.local @!p0 [hbm:s6], $0xF7A  }
0x23: {  	s9 =	sor.u32 $0xD0000000, s2;
	s6 =	simm.s32 $0x108;
	_ =	swait.ge @!p0 [sflag:s8], $0x0  }
0x24: {  	s3 =	sadd.s32 $0x88, s3;
	s6 =	simm.s32 @!p1 $0x1082;
	[sflag:s4] =	ssyncset.s32 $0xFFFFF086  }
0x25: {  	[simem:s6], [sflag:s4] =	dma.local [hbm:s3], $0xF7A  }
0x26: {  	[smem:$0x3F90] =	sst s1;
	(tag) =	ssettag s2;
	_ =	strace s9  }
0x27: {  	s1 =	sld [smem:$0x3FA0]  }
0x28: {  	s2 =	sld [smem:$0x3FA1]  }
0x29: {  	s4 =	sld [smem:$0x3FA3]  }
0x2a: {  	p0 =	seq.s32 s5, $0x0;
	s5 =	sld [smem:$0x3FA4]  }
0x2b: {  	s6 =	sld [smem:$0x3FA5]  }
0x2c: {  	s7 =	sld [smem:$0x3FA6]  }
0x2d: {  	s3 =	simm.s32 $0x108;
	s8 =	sld [smem:$0x3FA7]  }
0x2e: {  	s3 =	simm.s32 @!p0 $0x1082;
	s9 =	sld [smem:$0x3FA8]  }
0x2f: {  	lr =	sadd.s32 s0, s3;
	s0 =	sld [smem:$0x3F9F]  }
0x30: {  	s3 =	sld [smem:$0x3FA2]  }
0x31: {  	[smem:$0x3FAB] =	sst s10  }
0x32: {  	s10 =	sld [smem:$0x3FA9];
	_ =	sdelay $0x3  }
0x33: {  	p0 =	seq.s32 s10, $0x1;
	s10 =	sld [smem:$0x3FAB];
	_ =	sdelay $0x3  }
0x34: {  	[smem:$0x3FAB] =	sst s10  }
0x35: {  	s10 =	sld [smem:$0x3FAA];
	_ =	sdelay $0x3  }
0x36: {  	p1 =	seq.s32 s10, $0x1;
	s10 =	sld [smem:$0x3FAB];
	_ =	sdelay $0x3  }
0x37: {  	[smem:$0x3FAB] =	sst s10  }
0x38: {  	s10 =	sld [smem:$0x3FAC]  }
0x39: {  	_ = 	snop;
	(pc) =	sbr.ind lr, $3  }
0x3a: {  	_ = 	snop  }
0x3b: {  	_ = 	snop  }
0x3c: {  	p2 =	seq.s32 s10, $0x1;
	s10 =	sld [smem:$0x3FAB]  }
0x3d: {  	_ =	shalt  }
0x3e: {  	_ =	shalt  }
0x3f: {  	_ =	shalt  }
0x40: {  	_ =	shalt  }
0x41: {  	_ =	shalt  }
0x42: {  	_ =	shalt  }
0x43: {  	_ =	shalt  }
0x44: {  	_ =	shalt  }
0x45: {  	_ =	shalt  }
0x46: {  	_ =	shalt  }
0x47: {  	_ =	shalt  }
0x48: {  	_ =	shalt  }
0x49: {  	_ =	shalt  }
0x4a: {  	_ =	shalt  }
0x4b: {  	_ =	shalt  }
0x4c: {  	_ =	shalt  }
0x4d: {  	_ =	shalt  }
0x4e: {  	_ =	shalt  }
0x4f: {  	_ =	shalt  }
0x50: {  	_ =	shalt  }
0x51: {  	_ =	shalt  }
0x52: {  	_ =	shalt  }
0x53: {  	_ =	shalt  }
0x54: {  	_ =	shalt  }
0x55: {  	_ =	shalt  }
0x56: {  	_ =	shalt  }
0x57: {  	_ =	shalt  }
0x58: {  	_ =	shalt  }
0x59: {  	_ =	shalt  }
0x5a: {  	_ =	shalt  }
0x5b: {  	_ =	shalt  }
0x5c: {  	_ =	shalt  }
0x5d: {  	_ =	shalt  }
0x5e: {  	_ =	shalt  }
0x5f: {  	_ =	shalt  }
0x60: {  	_ =	shalt  }
0x61: {  	_ =	shalt  }
0x62: {  	_ =	shalt  }
0x63: {  	_ =	shalt  }
0x64: {  	_ =	shalt  }
0x65: {  	_ =	shalt  }
0x66: {  	_ =	shalt  }
0x67: {  	_ =	shalt  }
0x68: {  	_ =	shalt  }
0x69: {  	_ =	shalt  }
0x6a: {  	_ =	shalt  }
0x6b: {  	_ =	shalt  }
0x6c: {  	_ =	shalt  }
0x6d: {  	_ =	shalt  }
0x6e: {  	_ =	shalt  }
0x6f: {  	_ =	shalt  }
0x70: {  	_ =	shalt  }
0x71: {  	_ =	shalt  }
0x72: {  	_ =	shalt  }
0x73: {  	_ =	shalt  }
0x74: {  	_ =	shalt  }
0x75: {  	_ =	shalt  }
0x76: {  	_ =	shalt  }
0x77: {  	_ =	shalt  }
0x78: {  	_ =	shalt  }
0x79: {  	_ =	shalt  }
0x7a: {  	_ =	shalt  }
0x7b: {  	_ =	shalt  }
0x7c: {  	_ =	shalt  }
0x7d: {  	_ =	shalt  }
0x7e: {  	_ =	shalt  }
0x7f: {  	_ =	shalt  }
0x80: {  	_ =	shalt  }
0x81: {  	_ =	shalt  }
0x82: {  	_ =	shalt  }
0x83: {  	_ =	shalt  }
0x84: {  	_ =	shalt  }
0x85: {  	_ =	shalt  }
0x86: {  	_ =	shalt  }
0x87: {  	_ =	shalt  }
.Lfunc_end0:
.L_simem_size_0:
called_computation.1_lowered:
.L_overlay_start_0:
0x88: {  	s2 =	sld [smem:$0x3FD9]  }
0x89: {  	s3 =	sld [smem:$0x3FFE];
	_ =	sdelay $0x1  }
0x8a: {  	s1 =	srdreg.scid  }
0x8b: {  	s0 =	sand.u32 $0x1, s1  }
0x8c: {  	s16 =	sshll.u32 s0, $0xA;
	s2 =	sadd.s32 s3, s2  }
0x8d: {  	s2 =	sadd.s32 s2, s16  }
0x8e: {  	[smem:$0x3FB7] =	sst s2  }
0x8f: {  	_ = 	snop  }
0x90: {  	(tm) =	ssettm $0x1  }
0x91: {  	s17 =	sld [smem:$0x3FFB];
	_ =	sdelay $0x3  }
0x92: {  	_ =	strace s17  }
0x93: {  	s2 =	sld [smem:$0x3FFC];
	_ =	sdelay $0x3  }
0x94: {  	_ =	strace s2  }
0x95: {  	s2 =	sld [smem:$0x3FFD];
	_ =	sdelay $0x3  }
0x96: {  	_ =	strace s2  }
0x97: {  	_ =	strace $0x8FFFFFFF  }
0x98: {  	s18 =	sld [smem:$0x3FDB];
	_ =	sdelay $0x1  }
0x99: {  	s19 =	simm.s32 $_scs_section_size  }
0x9a: {  	s4 =	simm.s32 $_size__tile_overlayer_lowered;
	s5 =	simm.s32 $_tile_overlayer_lowered  }
0x9b: {  	s22 =	simm.s32 $0x1BFF;
	s21 =	sshll.u32 s5, $0x1;
	s2 =	sadd.s32 s19, s18  }
0x9c: {  	s6 =	simm.s32 $0x0;
	s20 =	sshll.u32 s4, $0x1;
	s4 =	sadd.s32 s21, s2  }
0x9d: {  	[timem:s6], [sflag:s22] =	dma.local [hbm:s4], s20  }
0x9e: {  	_ =	swait.ge [sflag:s22], s20  }
0x9f: {  	s3 =	ssub.s32 $0x0, s20;
	[sflag:s22] =	ssyncset.done $0x0  }
0xa0: {  	[sflag:s22] =	ssyncadd.s32 s3;
	_ =	sdelay $0x1  }
0xa1: {  	s23 =	simm.s32 $0x1B8B  }
0xa2: {  	_ =	swait.ge [sflag:s23], $0x1  }
0xa3: {  	[sflag:s23] =	ssyncset.done $0x0  }
0xa4: {  	s25 =	simm.s32 $0x1B8E;
	s24 =	sld [smem:$0x3FFE];
	[sflag:s23] =	ssyncadd.s32 $0xFFFFFFFF  }
0xa5: {  	s26 =	simm.s32 $execute0_lowered;
	[smem:$0x3FD2] =	sst s25  }
0xa6: {  	s4 =	sshll.u32 s26, $0x1;
	_ =	strace $0x80000049;
	[dreg:$0x1] =	wrdreg $0xFFFFFFFF  }
0xa7: {  	s28 =	simm.s32 $_size_execute0_lowered;
	s2 =	sadd.s32 s2, s4;
	[dreg:$0x0] =	wrdreg $0x0  }
0xa8: {  	s4 =	sshll.u32 s28, $0x1;
	[dreg:$0x2] =	wrdreg s2  }
0xa9: {  	[dreg:$0x3] =	wrdreg s4  }
0xaa: {  	[dreg:$0x4] =	wrdreg $0xC0  }
0xab: {  	_ =	task [dreg:s6], $0x5FFFF  }
0xac: {  	[dreg:$0x1] =	wrdreg $0xFFFFFFFF  }
0xad: {  	[dreg:$0x0] =	wrdreg $0x60  }
0xae: {  	[dreg:$0x2] =	wrdreg s24  }
0xaf: {  	[dreg:$0x3] =	wrdreg $0xE3000  }
0xb0: {  	[dreg:$0x4] =	wrdreg $0x9  }
0xb1: {  	_ =	task.clear_ibuf [dreg:s6], $0x5FFFF;
	_ =	strace $0x90000049  }
0xb2: {  	s29 =	simm.s32 $0x9;
	_ =	strace $0x8000004B  }
0xb3: {  	_ =	swait.ge [sflag:s29], $0x1  }
0xb4: {  	[sflag:s29] =	ssyncadd.s32 $0xFFFFFFFF  }
0xb5: {  	_ =	strace $0x9000004B  }
0xb6: {  	_ =	sfence  }
0xb7: {  	s30 =	sld [smem:$0x0];
	_ =	sdelay $0x2  }
0xb8: {  	s31 =	sshll.u32 s1, $0xD;
	s1 =	sshrl.u32 s1, $0x2  }
0xb9: {  	s3 =	sand.u32 $0x4000, s31;
	s1 =	sadd.s32 s1, s30  }
0xba: {  	s0 =	sor.u32 s3, s0;
	s1 =	sshll.u32 s1, $0x11  }
0xbb: {  	s0 =	sor.u32 s1, s0  }
0xbc: {  	s0 =	sadd.s32 $0x8F2B, s0  }
0xbd: {  	[sflag:s0] =	ssyncadd.remote.s32 $0x1  }
0xbe: {  	_ =	sfence.sel $0xFFFF  }
0xbf: {  	[dreg:$0x0] =	wrdreg $0xFFFFFFFF;
	(pc) =	sbr.abs _section_cstart, $3  }
0xc0: {  	[dreg:$0x1] =	wrdreg $0xFFFFFFFF  }
0xc1: {  	_ =	task.clear_ibuf [dreg:s6], $0x2FFFF;
	_ =	strace $0x9FFFFFFF  }
0xc2: {  	(tm) =	ssettm $0x7FFFFFFF  }
0xc3: {  	_ =	shalt  }
tec
execute0_lowered:
.L_overlay_start_1:
0x0: {  	(tag) =	ssettag $0x1  }
0x1: {  	s4 =	rddreg [dreg:$0x0]  }
0x2: {  	s2 =	rddreg [dreg:$0x1]  }
0x3: {  	s0 =	rddreg [dreg:$0x2];
	s1 =	stileid.u32  }
0x4: {  	s6 =	srdreg.scid;
	s3 =	simm.s32 $0x0;
	s5 =	smul.u32 $0xA40, s1  }
0x5: {  	s16 =	simm.s32 $0x5200;
	s17 =	simm.s32 $0x80;
	s7 =	smul.u32 $0xA20, s1  }
0x6: {  	s18 =	simm.s32 $0xC300;
	s19 =	simm.s32 $0x1;
	s9 =	smul.u32 $0xA000, s1  }
0x7: {  	s6 =	sand.u32 $0x1, s6;
	[smem:$0x7FF] =	sst s3;
	s11 =	smul.u32 $0x28000, s1  }
0x8: {  	s20 =	simm.s32 $0x2;
	s8 =	smul.u32 $0xA0000, s6;
	_ =	strace $0x8000004A  }
0x9: {  	s6 =	ssub.s32 $0x2, s6;
	s10 =	sadd.s32 s5, s4;
	s12 =	sadd.s32 s7, s4  }
0xa: {  	s29 =	sshrl.u32 s11, $0x2;
	s30 =	sshrl.u32 s6, $0x1;
	s26 =	sshrl.u32 s8, $0x3  }
0xb: {  	s28 =	sadd.s32 s9, s8;
	s31 =	sadd.s32 s29, s2;
	s15 =	ssub.s32 s6, s30  }
0xc: {  	s13 =	sadd.s32 s26, s4;
	s5 =	sshrl.u32 s28, $0x3;
	s6 =	sadd.s32 $0x4000, s31  }
0xd: {  	s7 =	sadd.s32 $0x6000, s31;
	s8 =	sadd.s32 $0x8000, s31;
	s14 =	sadd.s32 s5, s4  }
0xe: {  	s4 =	sadd.s32 s9, s2;
	s5 =	sadd.s32 $0x2000, s31;
	s9 =	sadd.s32 $0x22600, s10  }
0xf: {  	s10 =	sadd.s32 $0x18400, s12;
	s11 =	sadd.s32 $0x2CA00, s13;
	s13 =	smax.u32 s15, $0x1  }
0x10: {  	v0 =	vimm.f32 $0.0e+00;
	s15 =	simm.s32 $0x3;
	s12 =	sadd.s32 $0x54A00, s14;
	s14 =	simm.s32 $0xA300  }
.LBB2_1:
0x11: {  	s22 =	simm.s32 $0x100;
	s21 =	simm.s32 $0x0  }
.LBB2_2:
0x12: {  	p0 =	sne.s32 s22, $0x7F00;
	[tilespmem:s21+$0xA330] =	vst v0;
	s23 =	smov.u32 s22;
	s22 =	sadd.s32 $0x100, s22  }
.Ltmp0:
0x13: {  	[tilespmem:s21+$0xA320] =	vst v0;
	(pc) =	sbr.rel @p0 .LBB2_2-.Ltmp0, $3  }
0x14: {  	[tilespmem:s21+$0xA300] =	vst v0  }
0x15: {  	[tilespmem:s21+$0xA310] =	vst v0;
	_ =	sdelay $0x1  }
0x16: {  	s21 =	sshra.s32 s23, $0x2  }
0x17: {  	[tilespmem:s21+$0xA330] =	vst v0  }
0x18: {  	[tilespmem:s21+$0xA320] =	vst v0  }
0x19: {  	[tilespmem:s21+$0xA300] =	vst v0  }
0x1a: {  	[tilespmem:s21+$0xA310] =	vst v0  }
0x1b: {  	[spmem:s4] =	stream.linear.scatter [tilespmem:s14], [sflag:$0x3], $0x2000, $0x38;
	[tilespmem:$0x18300] =	vst v63  }
0x1c: {  	_ =	swait.ge [sflag:s15], $0x2000  }
0x1d: {  	[sflag:s15] =	ssyncset.done $0x0  }
0x1e: {  	[sflag:s15] =	ssyncadd.s32 $0xFFFFE000  }
0x1f: {  	[spmem:s5] =	stream.linear.scatter [tilespmem:s14], [sflag:$0x3], $0x2000, $0x38;
	[tilespmem:$0x18300] =	vst v63  }
0x20: {  	_ =	swait.ge [sflag:s15], $0x2000  }
0x21: {  	[sflag:s15] =	ssyncset.done $0x0  }
0x22: {  	[sflag:s15] =	ssyncadd.s32 $0xFFFFE000  }
0x23: {  	[spmem:s6] =	stream.linear.scatter [tilespmem:s14], [sflag:$0x3], $0x2000, $0x38;
	[tilespmem:$0x18300] =	vst v63  }
0x24: {  	_ =	swait.ge [sflag:s15], $0x2000  }
0x25: {  	[sflag:s15] =	ssyncset.done $0x0  }
0x26: {  	[sflag:s15] =	ssyncadd.s32 $0xFFFFE000  }
0x27: {  	[spmem:s7] =	stream.linear.scatter [tilespmem:s14], [sflag:$0x3], $0x2000, $0x38;
	[tilespmem:$0x18300] =	vst v63  }
0x28: {  	_ =	swait.ge [sflag:s15], $0x2000  }
0x29: {  	[sflag:s15] =	ssyncset.done $0x0  }
0x2a: {  	[sflag:s15] =	ssyncadd.s32 $0xFFFFE000  }
0x2b: {  	[spmem:s8] =	stream.linear.scatter [tilespmem:s14], [sflag:$0x3], $0x2000, $0x38;
	[tilespmem:$0x18300] =	vst v63  }
0x2c: {  	_ =	swait.ge [sflag:s15], $0x2000  }
0x2d: {  	[sflag:s15] =	ssyncset.done $0x0  }
0x2e: {  	[sflag:s15] =	ssyncadd.s32 $0xFFFFE000  }
0x2f: {  	s28 =	simm.s32 $0x0;
	[bflag:$0x0] =	sbarrier.arrive $0xFFFF  }
0x30: {  	[tilespmem:s28], [sflag:$0x3] =	stream.linear.gather [hbm4b:s9+s28], $0x5200, $0x38;
	[tilespmem:$0x18300] =	vst v63  }
0x31: {  	_ =	swait.ge [sflag:s15], $0x5200  }
0x32: {  	[sflag:s15] =	ssyncset.done $0x0  }
0x33: {  	[sflag:s15] =	ssyncadd.s32 $0xFFFFAE00  }
0x34: {  	[tilespmem:s16], [sflag:$0x3] =	stream.linear.gather [hbm4b:s10+s28], $0x5100, $0x38;
	[tilespmem:$0x18300] =	vst v63  }
0x35: {  	_ =	swait.ge [sflag:s15], $0x5100  }
0x36: {  	[sflag:s15] =	ssyncset.done $0x0  }
0x37: {  	[sflag:s15] =	ssyncadd.s32 $0xFFFFAF00  }
0x38: {  	[tilespmem:s14], [sflag:$0x1] =	stream.indirect.gather [hbm4b:s11+s17], $0x40, s28, s17, $0xb8;
	[tilespmem:$0x18300] =	vst v63  }
0x39: {  	_ = 	snop  }
0x3a: {  	[tilespmem:s18], [sflag:$0x2] =	stream.indirect.gather [hbm4b:s11+s17], $0x40, s17, s17, $0xb8;
	[tilespmem:$0x18300] =	vst v63  }
0x3b: {  	_ =	swait.ge [sflag:s19], $0x2000  }
0x3c: {  	[sflag:s19] =	ssyncset.done $0x0  }
0x3d: {  	s29 =	simm.s32 $0x5200;
	[sflag:s19] =	ssyncadd.s32 $0xFFFFE000  }
0x3e: {  	[spmem:s2] =	stream.indirect.scatter.add.f32 [tilespmem:s14], [sflag:$0x3], $0x40, s29, s17, $0xb8;
	[tilespmem:$0x18300] =	vst v63  }
0x3f: {  	_ =	swait.ge [sflag:s15], $0x2000  }
0x40: {  	[sflag:s15] =	ssyncset.done $0x0  }
0x41: {  	s30 =	simm.s32 $0x100;
	[sflag:s15] =	ssyncadd.s32 $0xFFFFE000  }
0x42: {  	[tilespmem:s14], [sflag:$0x1] =	stream.indirect.gather [hbm4b:s11+s17], $0x40, s30, s17, $0xb8;
	[tilespmem:$0x18300] =	vst v63  }
0x43: {  	_ =	swait.ge [sflag:s20], $0x2000  }
0x44: {  	[sflag:s20] =	ssyncset.done $0x0  }
0x45: {  	s31 =	simm.s32 $0x5280;
	[sflag:s20] =	ssyncadd.s32 $0xFFFFE000  }
0x46: {  	[spmem:s2] =	stream.indirect.scatter.add.f32 [tilespmem:s18], [sflag:$0x3], $0x40, s31, s17, $0xb8;
	[tilespmem:$0x18300] =	vst v63  }
0x47: {  	_ =	swait.ge [sflag:s15], $0x2000  }
0x48: {  	[sflag:s15] =	ssyncset.done $0x0  }
0x49: {  	s21 =	simm.s32 $0x400;
	s22 =	simm.s32 $0x180;
	[sflag:s15] =	ssyncadd.s32 $0xFFFFE000  }
.LBB2_4:
0x4a: {  	[tilespmem:s18], [sflag:$0x2] =	stream.indirect.gather [hbm4b:s11+s17], $0x40, s22, s17, $0xb8;
	[tilespmem:$0x18300] =	vst v63  }
0x4b: {  	s22 =	smov.u32 s21  }
0x4c: {  	p0 =	sne.s32 s21, $0x14000;
	s21 =	sadd.s32 $0x400, s21;
	_ =	swait.ge [sflag:s19], $0x2000  }
0x4d: {  	s22 =	sshra.s32 s22, $0x2;
	[sflag:s19] =	ssyncset.done $0x0  }
0x4e: {  	s23 =	sadd.s32 $0x5200, s22;
	[sflag:s19] =	ssyncadd.s32 $0xFFFFE000  }
0x4f: {  	[spmem:s2] =	stream.indirect.scatter.add.f32 [tilespmem:s14], [sflag:$0x3], $0x40, s23, s17, $0xb8;
	[tilespmem:$0x18300] =	vst v63  }
0x50: {  	_ =	swait.ge [sflag:s15], $0x2000  }
0x51: {  	[sflag:s15] =	ssyncset.done $0x0  }
0x52: {  	s23 =	sadd.s32 $0x100, s22;
	[sflag:s15] =	ssyncadd.s32 $0xFFFFE000  }
0x53: {  	[tilespmem:s14], [sflag:$0x1] =	stream.indirect.gather [hbm4b:s11+s17], $0x40, s23, s17, $0xb8;
	[tilespmem:$0x18300] =	vst v63  }
0x54: {  	_ =	swait.ge [sflag:s20], $0x2000  }
0x55: {  	[sflag:s20] =	ssyncset.done $0x0  }
.Ltmp1:
0x56: {  	s23 =	sadd.s32 $0x5280, s22;
	[sflag:s20] =	ssyncadd.s32 $0xFFFFE000;
	(pc) =	sbr.rel @p0 .LBB2_4-.Ltmp1, $4  }
0x57: {  	[spmem:s2] =	stream.indirect.scatter.add.f32 [tilespmem:s18], [sflag:$0x3], $0x40, s23, s17, $0xb8;
	[tilespmem:$0x18300] =	vst v63  }
0x58: {  	_ =	swait.ge [sflag:s15], $0x2000  }
0x59: {  	[sflag:s15] =	ssyncset.done $0x0  }
0x5a: {  	s22 =	sadd.s32 $0x180, s22;
	[sflag:s15] =	ssyncadd.s32 $0xFFFFE000  }
0x5b: {  	[tilespmem:s18], [sflag:$0x2] =	stream.indirect.gather [hbm4b:s11+s17], $0x40, s22, s17, $0xb8;
	[tilespmem:$0x18300] =	vst v63  }
0x5c: {  	_ =	swait.ge [sflag:s19], $0x2000  }
0x5d: {  	[sflag:s19] =	ssyncset.done $0x0  }
0x5e: {  	[sflag:s19] =	ssyncadd.s32 $0xFFFFE000  }
0x5f: {  	_ =	swait.ge [sflag:s20], $0x2000  }
0x60: {  	s21 =	sshll.u32 s1, $0x6;
	s3 =	sadd.s32 $0x1, s3;
	[sflag:s20] =	ssyncset.done $0x0  }
0x61: {  	s31 =	sshrl.u32 s4, $0x3;
	p0 =	sne.s32 s3, s13;
	[sflag:s20] =	ssyncadd.s32 $0xFFFFE000  }
.Ltmp2:
0x62: {  	s21 =	sor.u32 $0x1C03, s21;
	[bflag:$0x0] =	sbarrier.arrive $0xFFFF;
	(pc) =	sbr.rel @p0 .LBB2_1-.Ltmp2, $4  }
0x63: {  	[hbm:s12], [sflag:s21] =	dma.local [spmem:s31], $0x1400  }
0x64: {  	_ =	swait.ge [sflag:s15], $0x1400  }
0x65: {  	[sflag:s15] =	ssyncset.done $0x0  }
0x66: {  	[sflag:s15] =	ssyncadd.s32 $0xFFFFEC00  }
0x67: {  	_ =	sfence.sel $0x180000  }
0x68: {  	[bflag:$0x0] =	sbarrier.arrive $0xFFFF  }
0x69: {  	p0 =	sne.s32 s1, $0x0;
	_ =	strace $0x9000004A  }
0x6a: {  	s0 =	sadd.s32 @!p0 $0x100000, s0;
	[bflag:$0x2] =	sbarrier.arrive $0xFFFF  }
0x6b: {  	[sflag:s0] =	ssyncadd.tile.s32 @!p0 $0x1;
	_ =	shalt  }
.Lfunc_end2:
_tile_overlayer_lowered:
.L_overlay_start_2:
0x6c: {  	(tag) =	ssettag $0x2  }
0x6d: {  	s0 =	rddreg [dreg:$0x0];
	s2 =	stileid.u32  }
0x6e: {  	s1 =	rddreg [dreg:$0x1];
	p0 =	sne.s32 s2, $0x0  }
0x6f: {  	s3 =	rddreg [dreg:$0x2];
	[bflag:$0x3] =	sbarrier.arrive $0xFFFF;
	s2 =	simm.s32 @!p0 $0x1C03  }
0x70: {  	[timem:s3], [sflag:s2] =	dma.local @!p0 [hbm:s0], s1  }
0x71: {  	s0 =	simm.s32 @!p0 $0x3  }
0x72: {  	_ =	swait.ge @!p0 [sflag:s0], s1  }
0x73: {  	s1 =	ssub.s32 @!p0 $0x0, s1;
	[sflag:s0] =	ssyncset.done @!p0 $0x0  }
0x74: {  	[sflag:s0] =	ssyncadd.s32 @!p0 s1  }
0x75: {  	[bflag:$0x3] =	sbarrier.arrive $0xFFFF  }
0x76: {  	_ =	shalt  }

// kernel: kernel.18.cloned.1.call-start
scs
__scs_entry_jumppad:
0x0: {  	(pc) =	sbr.rel $0x88, $3  }
0x1: {  	(tag) =	ssettag $0x0;
	lr =	simm.s32 $0x1  }
0x2: {  	[smem:$0x3F90] =	sst lr;
	_ =	strace $0xD0000000  }
0x3: {  	_ = 	snop  }
0x4: {  	_ = 	snop  }
0x5: {  	_ = 	snop  }
0x6: {  	_ = 	snop  }
0x7: {  	_ = 	snop  }
__scs_overlays_trampoline_lowered:
0x8: {  	[smem:$0x3F9F] =	sst s0  }
0x9: {  	[smem:$0x3FA0] =	sst s1  }
0xa: {  	[smem:$0x3FA1] =	sst s2  }
0xb: {  	[smem:$0x3FA2] =	sst s3  }
0xc: {  	[smem:$0x3FA3] =	sst s4  }
0xd: {  	[smem:$0x3FA4] =	sst s5  }
0xe: {  	[smem:$0x3FA5] =	sst s6  }
0xf: {  	[smem:$0x3FA6] =	sst s7  }
0x10: {  	[smem:$0x3FA7] =	sst s8  }
0x11: {  	[smem:$0x3FA8] =	sst s9;
	s0 =	simm.s32 @!p0 $0x0  }
0x12: {  	s1 =	sld [smem:$0x3F8E];
	s0 =	simm.s32 @p0 $0x1  }
0x13: {  	[smem:$0x3FA9] =	sst s0;
	s0 =	simm.s32 @!p1 $0x0  }
0x14: {  	s2 =	sld [smem:$0x3F8D];
	s0 =	simm.s32 @p1 $0x1  }
0x15: {  	[smem:$0x3FAA] =	sst s0;
	s0 =	simm.s32 @!p2 $0x0  }
0x16: {  	s3 =	sld [smem:$0x3FDB];
	s0 =	simm.s32 @p2 $0x1  }
0x17: {  	s4 =	simm.s32 $0x1BF5;
	[smem:$0x3FAC] =	sst s0  }
0x18: {  	s0 =	sld [smem:$0x3F8F];
	_ =	swait.ge [sflag:s4], $0x0  }
0x19: {  	s7 =	sld [smem:$0x3F90]  }
0x1a: {  	s8 =	sadd.s32 $0xFFFFE003, lr  }
0x1b: {  	s9 =	sadd.s32 $0xFFFFFEF7, lr;
	s5 =	simm.s32 $0xFFFFFFFF;
	p2 =	slt.u32 s8, $0xFFFFF086  }
0x1c: {  	p1 =	slt.u32 s9, $0xF7A;
	s5 =	simm.s32 @!p2 $0x0  }
0x1d: {  	s5 =	simm.s32 @p1 $0x1;
	p0 =	seq.s32 s7, s2  }
0x1e: {  	s7 =	smul.u32 @!p0 $0xF7A, s2;
	p2 =	seq.s32 @!p0 s5, $0x0  }
0x1f: {  	s9 =	smul.u32 $0xF7A, s1;
	s8 =	simm.s32 @!p0 $0x1BF5;
	p2 =	por !p2, p0  }
0x20: {  	[sflag:s8] =	ssyncset.s32 @!p0 $0xFFFFF086;
	s6 =	sadd.s32 @!p0 s3, s7;
	s7 =	simm.s32 @!p0 $0x108  }
0x21: {  	s3 =	sadd.s32 s3, s9;
	s6 =	sadd.s32 @!p0 $0x88, s6;
	s7 =	simm.s32 @p2 $0x1082  }
0x22: {  	[simem:s7], [sflag:s8] =	dma.local @!p0 [hbm:s6], $0xF7A  }
0x23: {  	s9 =	sor.u32 $0xD0000000, s2;
	s6 =	simm.s32 $0x108;
	_ =	swait.ge @!p0 [sflag:s8], $0x0  }
0x24: {  	s3 =	sadd.s32 $0x88, s3;
	s6 =	simm.s32 @!p1 $0x1082;
	[sflag:s4] =	ssyncset.s32 $0xFFFFF086  }
0x25: {  	[simem:s6], [sflag:s4] =	dma.local [hbm:s3], $0xF7A  }
0x26: {  	[smem:$0x3F90] =	sst s1;
	(tag) =	ssettag s2;
	_ =	strace s9  }
0x27: {  	s1 =	sld [smem:$0x3FA0]  }
0x28: {  	s2 =	sld [smem:$0x3FA1]  }
0x29: {  	s4 =	sld [smem:$0x3FA3]  }
0x2a: {  	p0 =	seq.s32 s5, $0x0;
	s5 =	sld [smem:$0x3FA4]  }
0x2b: {  	s6 =	sld [smem:$0x3FA5]  }
0x2c: {  	s7 =	sld [smem:$0x3FA6]  }
0x2d: {  	s3 =	simm.s32 $0x108;
	s8 =	sld [smem:$0x3FA7]  }
0x2e: {  	s3 =	simm.s32 @!p0 $0x1082;
	s9 =	sld [smem:$0x3FA8]  }
0x2f: {  	lr =	sadd.s32 s0, s3;
	s0 =	sld [smem:$0x3F9F]  }
0x30: {  	s3 =	sld [smem:$0x3FA2]  }
0x31: {  	[smem:$0x3FAB] =	sst s10  }
0x32: {  	s10 =	sld [smem:$0x3FA9];
	_ =	sdelay $0x3  }
0x33: {  	p0 =	seq.s32 s10, $0x1;
	s10 =	sld [smem:$0x3FAB];
	_ =	sdelay $0x3  }
0x34: {  	[smem:$0x3FAB] =	sst s10  }
0x35: {  	s10 =	sld [smem:$0x3FAA];
	_ =	sdelay $0x3  }
0x36: {  	p1 =	seq.s32 s10, $0x1;
	s10 =	sld [smem:$0x3FAB];
	_ =	sdelay $0x3  }
0x37: {  	[smem:$0x3FAB] =	sst s10  }
0x38: {  	s10 =	sld [smem:$0x3FAC]  }
0x39: {  	_ = 	snop;
	(pc) =	sbr.ind lr, $3  }
0x3a: {  	_ = 	snop  }
0x3b: {  	_ = 	snop  }
0x3c: {  	p2 =	seq.s32 s10, $0x1;
	s10 =	sld [smem:$0x3FAB]  }
0x3d: {  	_ =	shalt  }
0x3e: {  	_ =	shalt  }
0x3f: {  	_ =	shalt  }
0x40: {  	_ =	shalt  }
0x41: {  	_ =	shalt  }
0x42: {  	_ =	shalt  }
0x43: {  	_ =	shalt  }
0x44: {  	_ =	shalt  }
0x45: {  	_ =	shalt  }
0x46: {  	_ =	shalt  }
0x47: {  	_ =	shalt  }
0x48: {  	_ =	shalt  }
0x49: {  	_ =	shalt  }
0x4a: {  	_ =	shalt  }
0x4b: {  	_ =	shalt  }
0x4c: {  	_ =	shalt  }
0x4d: {  	_ =	shalt  }
0x4e: {  	_ =	shalt  }
0x4f: {  	_ =	shalt  }
0x50: {  	_ =	shalt  }
0x51: {  	_ =	shalt  }
0x52: {  	_ =	shalt  }
0x53: {  	_ =	shalt  }
0x54: {  	_ =	shalt  }
0x55: {  	_ =	shalt  }
0x56: {  	_ =	shalt  }
0x57: {  	_ =	shalt  }
0x58: {  	_ =	shalt  }
0x59: {  	_ =	shalt  }
0x5a: {  	_ =	shalt  }
0x5b: {  	_ =	shalt  }
0x5c: {  	_ =	shalt  }
0x5d: {  	_ =	shalt  }
0x5e: {  	_ =	shalt  }
0x5f: {  	_ =	shalt  }
0x60: {  	_ =	shalt  }
0x61: {  	_ =	shalt  }
0x62: {  	_ =	shalt  }
0x63: {  	_ =	shalt  }
0x64: {  	_ =	shalt  }
0x65: {  	_ =	shalt  }
0x66: {  	_ =	shalt  }
0x67: {  	_ =	shalt  }
0x68: {  	_ =	shalt  }
0x69: {  	_ =	shalt  }
0x6a: {  	_ =	shalt  }
0x6b: {  	_ =	shalt  }
0x6c: {  	_ =	shalt  }
0x6d: {  	_ =	shalt  }
0x6e: {  	_ =	shalt  }
0x6f: {  	_ =	shalt  }
0x70: {  	_ =	shalt  }
0x71: {  	_ =	shalt  }
0x72: {  	_ =	shalt  }
0x73: {  	_ =	shalt  }
0x74: {  	_ =	shalt  }
0x75: {  	_ =	shalt  }
0x76: {  	_ =	shalt  }
0x77: {  	_ =	shalt  }
0x78: {  	_ =	shalt  }
0x79: {  	_ =	shalt  }
0x7a: {  	_ =	shalt  }
0x7b: {  	_ =	shalt  }
0x7c: {  	_ =	shalt  }
0x7d: {  	_ =	shalt  }
0x7e: {  	_ =	shalt  }
0x7f: {  	_ =	shalt  }
0x80: {  	_ =	shalt  }
0x81: {  	_ =	shalt  }
0x82: {  	_ =	shalt  }
0x83: {  	_ =	shalt  }
0x84: {  	_ =	shalt  }
0x85: {  	_ =	shalt  }
0x86: {  	_ =	shalt  }
0x87: {  	_ =	shalt  }
.Lfunc_end0:
.L_simem_size_0:
called_computation.2_lowered:
.L_overlay_start_0:
0x88: {  	s2 =	sld [smem:$0x3FD9]  }
0x89: {  	s3 =	sld [smem:$0x3FFE];
	_ =	sdelay $0x1  }
0x8a: {  	s1 =	srdreg.scid  }
0x8b: {  	s0 =	sand.u32 $0x1, s1  }
0x8c: {  	s16 =	sshll.u32 s0, $0xA;
	s2 =	sadd.s32 s3, s2  }
0x8d: {  	s2 =	sadd.s32 s2, s16  }
0x8e: {  	[smem:$0x3FB7] =	sst s2  }
0x8f: {  	_ = 	snop  }
0x90: {  	(tm) =	ssettm $0x1  }
0x91: {  	s17 =	sld [smem:$0x3FFB];
	_ =	sdelay $0x3  }
0x92: {  	_ =	strace s17  }
0x93: {  	s2 =	sld [smem:$0x3FFC];
	_ =	sdelay $0x3  }
0x94: {  	_ =	strace s2  }
0x95: {  	s2 =	sld [smem:$0x3FFD];
	_ =	sdelay $0x3  }
0x96: {  	_ =	strace s2  }
0x97: {  	_ =	strace $0x8FFFFFFF  }
0x98: {  	s18 =	sld [smem:$0x3FDB];
	_ =	sdelay $0x1  }
0x99: {  	s19 =	simm.s32 $_scs_section_size  }
0x9a: {  	s4 =	simm.s32 $_size__tile_overlayer_lowered;
	s5 =	simm.s32 $_tile_overlayer_lowered  }
0x9b: {  	s22 =	simm.s32 $0x1BFF;
	s21 =	sshll.u32 s5, $0x1;
	s2 =	sadd.s32 s19, s18  }
0x9c: {  	s6 =	simm.s32 $0x0;
	s20 =	sshll.u32 s4, $0x1;
	s4 =	sadd.s32 s21, s2  }
0x9d: {  	[timem:s6], [sflag:s22] =	dma.local [hbm:s4], s20  }
0x9e: {  	_ =	swait.ge [sflag:s22], s20  }
0x9f: {  	s3 =	ssub.s32 $0x0, s20;
	[sflag:s22] =	ssyncset.done $0x0  }
0xa0: {  	[sflag:s22] =	ssyncadd.s32 s3;
	_ =	sdelay $0x1  }
0xa1: {  	s23 =	simm.s32 $0x1B8B  }
0xa2: {  	_ =	swait.ge [sflag:s23], $0x1  }
0xa3: {  	[sflag:s23] =	ssyncset.done $0x0  }
0xa4: {  	s25 =	simm.s32 $0x1B8E;
	s24 =	sld [smem:$0x3FFE];
	[sflag:s23] =	ssyncadd.s32 $0xFFFFFFFF  }
0xa5: {  	s26 =	simm.s32 $execute0_lowered;
	[smem:$0x3FD2] =	sst s25  }
0xa6: {  	s4 =	sshll.u32 s26, $0x1;
	_ =	strace $0x8000004C;
	[dreg:$0x1] =	wrdreg $0xFFFFFFFF  }
0xa7: {  	s28 =	simm.s32 $_size_execute0_lowered;
	s2 =	sadd.s32 s2, s4;
	[dreg:$0x0] =	wrdreg $0x0  }
0xa8: {  	s4 =	sshll.u32 s28, $0x1;
	[dreg:$0x2] =	wrdreg s2  }
0xa9: {  	[dreg:$0x3] =	wrdreg s4  }
0xaa: {  	[dreg:$0x4] =	wrdreg $0xC0  }
0xab: {  	_ =	task [dreg:s6], $0x5FFFF  }
0xac: {  	[dreg:$0x1] =	wrdreg $0xFFFFFFFF  }
0xad: {  	[dreg:$0x0] =	wrdreg $0x60  }
0xae: {  	[dreg:$0x2] =	wrdreg s24  }
0xaf: {  	[dreg:$0x3] =	wrdreg $0xE3000  }
0xb0: {  	[dreg:$0x4] =	wrdreg $0x9  }
0xb1: {  	_ =	task.clear_ibuf [dreg:s6], $0x5FFFF;
	_ =	strace $0x9000004C  }
0xb2: {  	s29 =	simm.s32 $0x9;
	_ =	strace $0x8000004E  }
0xb3: {  	_ =	swait.ge [sflag:s29], $0x1  }
0xb4: {  	[sflag:s29] =	ssyncadd.s32 $0xFFFFFFFF  }
0xb5: {  	_ =	strace $0x9000004E  }
0xb6: {  	_ =	sfence  }
0xb7: {  	s30 =	sld [smem:$0x0];
	_ =	sdelay $0x2  }
0xb8: {  	s31 =	sshll.u32 s1, $0xD;
	s1 =	sshrl.u32 s1, $0x2  }
0xb9: {  	s3 =	sand.u32 $0x4000, s31;
	s1 =	sadd.s32 s1, s30  }
0xba: {  	s0 =	sor.u32 s3, s0;
	s1 =	sshll.u32 s1, $0x11  }
0xbb: {  	s0 =	sor.u32 s1, s0  }
0xbc: {  	s0 =	sadd.s32 $0x8F2B, s0  }
0xbd: {  	[sflag:s0] =	ssyncadd.remote.s32 $0x1  }
0xbe: {  	_ =	sfence.sel $0xFFFF  }
0xbf: {  	[dreg:$0x0] =	wrdreg $0xFFFFFFFF;
	(pc) =	sbr.abs _section_cstart, $3  }
0xc0: {  	[dreg:$0x1] =	wrdreg $0xFFFFFFFF  }
0xc1: {  	_ =	task.clear_ibuf [dreg:s6], $0x2FFFF;
	_ =	strace $0x9FFFFFFF  }
0xc2: {  	(tm) =	ssettm $0x7FFFFFFF  }
0xc3: {  	_ =	shalt  }
tec
execute0_lowered:
.L_overlay_start_1:
0x0: {  	(tag) =	ssettag $0x1  }
0x1: {  	s4 =	rddreg [dreg:$0x0]  }
0x2: {  	s2 =	rddreg [dreg:$0x1]  }
0x3: {  	s0 =	rddreg [dreg:$0x2];
	s1 =	stileid.u32  }
0x4: {  	s6 =	srdreg.scid;
	s3 =	simm.s32 $0x0;
	s5 =	smul.u32 $0xA40, s1  }
0x5: {  	s16 =	simm.s32 $0x5200;
	s17 =	simm.s32 $0x80;
	s7 =	smul.u32 $0xA20, s1  }
0x6: {  	s18 =	simm.s32 $0xC300;
	s19 =	simm.s32 $0x1;
	s9 =	smul.u32 $0xA000, s1  }
0x7: {  	s6 =	sand.u32 $0x1, s6;
	[smem:$0x7FF] =	sst s3;
	s11 =	smul.u32 $0x28000, s1  }
0x8: {  	s20 =	simm.s32 $0x2;
	s8 =	smul.u32 $0xA0000, s6;
	_ =	strace $0x8000004D  }
0x9: {  	s6 =	ssub.s32 $0x2, s6;
	s10 =	sadd.s32 s5, s4;
	s12 =	sadd.s32 s7, s4  }
0xa: {  	s29 =	sshrl.u32 s11, $0x2;
	s30 =	sshrl.u32 s6, $0x1;
	s26 =	sshrl.u32 s8, $0x3  }
0xb: {  	s28 =	sadd.s32 s9, s8;
	s31 =	sadd.s32 s29, s2;
	s15 =	ssub.s32 s6, s30  }
0xc: {  	s13 =	sadd.s32 s26, s4;
	s5 =	sshrl.u32 s28, $0x3;
	s6 =	sadd.s32 $0x4000, s31  }
0xd: {  	s7 =	sadd.s32 $0x6000, s31;
	s8 =	sadd.s32 $0x8000, s31;
	s14 =	sadd.s32 s5, s4  }
0xe: {  	s4 =	sadd.s32 s9, s2;
	s5 =	sadd.s32 $0x2000, s31;
	s9 =	sadd.s32 $0x22600, s10  }
0xf: {  	s10 =	sadd.s32 $0x18400, s12;
	s11 =	sadd.s32 $0x7CA00, s13;
	s13 =	smax.u32 s15, $0x1  }
0x10: {  	v0 =	vimm.f32 $0.0e+00;
	s15 =	simm.s32 $0x3;
	s12 =	sadd.s32 $0x2CA00, s14;
	s14 =	simm.s32 $0xA300  }
.LBB2_1:
0x11: {  	s22 =	simm.s32 $0x100;
	s21 =	simm.s32 $0x0  }
.LBB2_2:
0x12: {  	p0 =	sne.s32 s22, $0x7F00;
	[tilespmem:s21+$0xA330] =	vst v0;
	s23 =	smov.u32 s22;
	s22 =	sadd.s32 $0x100, s22  }
.Ltmp0:
0x13: {  	[tilespmem:s21+$0xA320] =	vst v0;
	(pc) =	sbr.rel @p0 .LBB2_2-.Ltmp0, $3  }
0x14: {  	[tilespmem:s21+$0xA300] =	vst v0  }
0x15: {  	[tilespmem:s21+$0xA310] =	vst v0;
	_ =	sdelay $0x1  }
0x16: {  	s21 =	sshra.s32 s23, $0x2  }
0x17: {  	[tilespmem:s21+$0xA330] =	vst v0  }
0x18: {  	[tilespmem:s21+$0xA320] =	vst v0  }
0x19: {  	[tilespmem:s21+$0xA300] =	vst v0  }
0x1a: {  	[tilespmem:s21+$0xA310] =	vst v0  }
0x1b: {  	[spmem:s4] =	stream.linear.scatter [tilespmem:s14], [sflag:$0x3], $0x2000, $0x38;
	[tilespmem:$0x18300] =	vst v63  }
0x1c: {  	_ =	swait.ge [sflag:s15], $0x2000  }
0x1d: {  	[sflag:s15] =	ssyncset.done $0x0  }
0x1e: {  	[sflag:s15] =	ssyncadd.s32 $0xFFFFE000  }
0x1f: {  	[spmem:s5] =	stream.linear.scatter [tilespmem:s14], [sflag:$0x3], $0x2000, $0x38;
	[tilespmem:$0x18300] =	vst v63  }
0x20: {  	_ =	swait.ge [sflag:s15], $0x2000  }
0x21: {  	[sflag:s15] =	ssyncset.done $0x0  }
0x22: {  	[sflag:s15] =	ssyncadd.s32 $0xFFFFE000  }
0x23: {  	[spmem:s6] =	stream.linear.scatter [tilespmem:s14], [sflag:$0x3], $0x2000, $0x38;
	[tilespmem:$0x18300] =	vst v63  }
0x24: {  	_ =	swait.ge [sflag:s15], $0x2000  }
0x25: {  	[sflag:s15] =	ssyncset.done $0x0  }
0x26: {  	[sflag:s15] =	ssyncadd.s32 $0xFFFFE000  }
0x27: {  	[spmem:s7] =	stream.linear.scatter [tilespmem:s14], [sflag:$0x3], $0x2000, $0x38;
	[tilespmem:$0x18300] =	vst v63  }
0x28: {  	_ =	swait.ge [sflag:s15], $0x2000  }
0x29: {  	[sflag:s15] =	ssyncset.done $0x0  }
0x2a: {  	[sflag:s15] =	ssyncadd.s32 $0xFFFFE000  }
0x2b: {  	[spmem:s8] =	stream.linear.scatter [tilespmem:s14], [sflag:$0x3], $0x2000, $0x38;
	[tilespmem:$0x18300] =	vst v63  }
0x2c: {  	_ =	swait.ge [sflag:s15], $0x2000  }
0x2d: {  	[sflag:s15] =	ssyncset.done $0x0  }
0x2e: {  	[sflag:s15] =	ssyncadd.s32 $0xFFFFE000  }
0x2f: {  	s28 =	simm.s32 $0x0;
	[bflag:$0x0] =	sbarrier.arrive $0xFFFF  }
0x30: {  	[tilespmem:s28], [sflag:$0x3] =	stream.linear.gather [hbm4b:s9+s28], $0x5200, $0x38;
	[tilespmem:$0x18300] =	vst v63  }
0x31: {  	_ =	swait.ge [sflag:s15], $0x5200  }
0x32: {  	[sflag:s15] =	ssyncset.done $0x0  }
0x33: {  	[sflag:s15] =	ssyncadd.s32 $0xFFFFAE00  }
0x34: {  	[tilespmem:s16], [sflag:$0x3] =	stream.linear.gather [hbm4b:s10+s28], $0x5100, $0x38;
	[tilespmem:$0x18300] =	vst v63  }
0x35: {  	_ =	swait.ge [sflag:s15], $0x5100  }
0x36: {  	[sflag:s15] =	ssyncset.done $0x0  }
0x37: {  	[sflag:s15] =	ssyncadd.s32 $0xFFFFAF00  }
0x38: {  	[tilespmem:s14], [sflag:$0x1] =	stream.indirect.gather [hbm4b:s11+s17], $0x40, s28, s17, $0xb8;
	[tilespmem:$0x18300] =	vst v63  }
0x39: {  	_ = 	snop  }
0x3a: {  	[tilespmem:s18], [sflag:$0x2] =	stream.indirect.gather [hbm4b:s11+s17], $0x40, s17, s17, $0xb8;
	[tilespmem:$0x18300] =	vst v63  }
0x3b: {  	_ =	swait.ge [sflag:s19], $0x2000  }
0x3c: {  	[sflag:s19] =	ssyncset.done $0x0  }
0x3d: {  	s29 =	simm.s32 $0x5200;
	[sflag:s19] =	ssyncadd.s32 $0xFFFFE000  }
0x3e: {  	[spmem:s2] =	stream.indirect.scatter.add.f32 [tilespmem:s14], [sflag:$0x3], $0x40, s29, s17, $0xb8;
	[tilespmem:$0x18300] =	vst v63  }
0x3f: {  	_ =	swait.ge [sflag:s15], $0x2000  }
0x40: {  	[sflag:s15] =	ssyncset.done $0x0  }
0x41: {  	s30 =	simm.s32 $0x100;
	[sflag:s15] =	ssyncadd.s32 $0xFFFFE000  }
0x42: {  	[tilespmem:s14], [sflag:$0x1] =	stream.indirect.gather [hbm4b:s11+s17], $0x40, s30, s17, $0xb8;
	[tilespmem:$0x18300] =	vst v63  }
0x43: {  	_ =	swait.ge [sflag:s20], $0x2000  }
0x44: {  	[sflag:s20] =	ssyncset.done $0x0  }
0x45: {  	s31 =	simm.s32 $0x5280;
	[sflag:s20] =	ssyncadd.s32 $0xFFFFE000  }
0x46: {  	[spmem:s2] =	stream.indirect.scatter.add.f32 [tilespmem:s18], [sflag:$0x3], $0x40, s31, s17, $0xb8;
	[tilespmem:$0x18300] =	vst v63  }
0x47: {  	_ =	swait.ge [sflag:s15], $0x2000  }
0x48: {  	[sflag:s15] =	ssyncset.done $0x0  }
0x49: {  	s21 =	simm.s32 $0x400;
	s22 =	simm.s32 $0x180;
	[sflag:s15] =	ssyncadd.s32 $0xFFFFE000  }
.LBB2_4:
0x4a: {  	[tilespmem:s18], [sflag:$0x2] =	stream.indirect.gather [hbm4b:s11+s17], $0x40, s22, s17, $0xb8;
	[tilespmem:$0x18300] =	vst v63  }
0x4b: {  	s22 =	smov.u32 s21  }
0x4c: {  	p0 =	sne.s32 s21, $0x14000;
	s21 =	sadd.s32 $0x400, s21;
	_ =	swait.ge [sflag:s19], $0x2000  }
0x4d: {  	s22 =	sshra.s32 s22, $0x2;
	[sflag:s19] =	ssyncset.done $0x0  }
0x4e: {  	s23 =	sadd.s32 $0x5200, s22;
	[sflag:s19] =	ssyncadd.s32 $0xFFFFE000  }
0x4f: {  	[spmem:s2] =	stream.indirect.scatter.add.f32 [tilespmem:s14], [sflag:$0x3], $0x40, s23, s17, $0xb8;
	[tilespmem:$0x18300] =	vst v63  }
0x50: {  	_ =	swait.ge [sflag:s15], $0x2000  }
0x51: {  	[sflag:s15] =	ssyncset.done $0x0  }
0x52: {  	s23 =	sadd.s32 $0x100, s22;
	[sflag:s15] =	ssyncadd.s32 $0xFFFFE000  }
0x53: {  	[tilespmem:s14], [sflag:$0x1] =	stream.indirect.gather [hbm4b:s11+s17], $0x40, s23, s17, $0xb8;
	[tilespmem:$0x18300] =	vst v63  }
0x54: {  	_ =	swait.ge [sflag:s20], $0x2000  }
0x55: {  	[sflag:s20] =	ssyncset.done $0x0  }
.Ltmp1:
0x56: {  	s23 =	sadd.s32 $0x5280, s22;
	[sflag:s20] =	ssyncadd.s32 $0xFFFFE000;
	(pc) =	sbr.rel @p0 .LBB2_4-.Ltmp1, $4  }
0x57: {  	[spmem:s2] =	stream.indirect.scatter.add.f32 [tilespmem:s18], [sflag:$0x3], $0x40, s23, s17, $0xb8;
	[tilespmem:$0x18300] =	vst v63  }
0x58: {  	_ =	swait.ge [sflag:s15], $0x2000  }
0x59: {  	[sflag:s15] =	ssyncset.done $0x0  }
0x5a: {  	s22 =	sadd.s32 $0x180, s22;
	[sflag:s15] =	ssyncadd.s32 $0xFFFFE000  }
0x5b: {  	[tilespmem:s18], [sflag:$0x2] =	stream.indirect.gather [hbm4b:s11+s17], $0x40, s22, s17, $0xb8;
	[tilespmem:$0x18300] =	vst v63  }
0x5c: {  	_ =	swait.ge [sflag:s19], $0x2000  }
0x5d: {  	[sflag:s19] =	ssyncset.done $0x0  }
0x5e: {  	[sflag:s19] =	ssyncadd.s32 $0xFFFFE000  }
0x5f: {  	_ =	swait.ge [sflag:s20], $0x2000  }
0x60: {  	s21 =	sshll.u32 s1, $0x6;
	s3 =	sadd.s32 $0x1, s3;
	[sflag:s20] =	ssyncset.done $0x0  }
0x61: {  	s31 =	sshrl.u32 s4, $0x3;
	p0 =	sne.s32 s3, s13;
	[sflag:s20] =	ssyncadd.s32 $0xFFFFE000  }
.Ltmp2:
0x62: {  	s21 =	sor.u32 $0x1C03, s21;
	[bflag:$0x0] =	sbarrier.arrive $0xFFFF;
	(pc) =	sbr.rel @p0 .LBB2_1-.Ltmp2, $4  }
0x63: {  	[hbm:s12], [sflag:s21] =	dma.local [spmem:s31], $0x1400  }
0x64: {  	_ =	swait.ge [sflag:s15], $0x1400  }
0x65: {  	[sflag:s15] =	ssyncset.done $0x0  }
0x66: {  	[sflag:s15] =	ssyncadd.s32 $0xFFFFEC00  }
0x67: {  	_ =	sfence.sel $0x180000  }
0x68: {  	[bflag:$0x0] =	sbarrier.arrive $0xFFFF  }
0x69: {  	p0 =	sne.s32 s1, $0x0;
	_ =	strace $0x9000004D  }
0x6a: {  	s0 =	sadd.s32 @!p0 $0x100000, s0;
	[bflag:$0x2] =	sbarrier.arrive $0xFFFF  }
0x6b: {  	[sflag:s0] =	ssyncadd.tile.s32 @!p0 $0x1;
	_ =	shalt  }
.Lfunc_end2:
_tile_overlayer_lowered:
.L_overlay_start_2:
0x6c: {  	(tag) =	ssettag $0x2  }
0x6d: {  	s0 =	rddreg [dreg:$0x0];
	s2 =	stileid.u32  }
0x6e: {  	s1 =	rddreg [dreg:$0x1];
	p0 =	sne.s32 s2, $0x0  }
0x6f: {  	s3 =	rddreg [dreg:$0x2];
	[bflag:$0x3] =	sbarrier.arrive $0xFFFF;
	s2 =	simm.s32 @!p0 $0x1C03  }
0x70: {  	[timem:s3], [sflag:s2] =	dma.local @!p0 [hbm:s0], s1  }
0x71: {  	s0 =	simm.s32 @!p0 $0x3  }
0x72: {  	_ =	swait.ge @!p0 [sflag:s0], s1  }
0x73: {  	s1 =	ssub.s32 @!p0 $0x0, s1;
	[sflag:s0] =	ssyncset.done @!p0 $0x0  }
0x74: {  	[sflag:s0] =	ssyncadd.s32 @!p0 s1  }
0x75: {  	[bflag:$0x3] =	sbarrier.arrive $0xFFFF  }
0x76: {  	_ =	shalt  }

// kernel: kernel.21.cloned.1.call-start
scs
__scs_entry_jumppad:
0x0: {  	(pc) =	sbr.rel $0x88, $3  }
0x1: {  	(tag) =	ssettag $0x0;
	lr =	simm.s32 $0x1  }
0x2: {  	[smem:$0x3F90] =	sst lr;
	_ =	strace $0xD0000000  }
0x3: {  	_ = 	snop  }
0x4: {  	_ = 	snop  }
0x5: {  	_ = 	snop  }
0x6: {  	_ = 	snop  }
0x7: {  	_ = 	snop  }
__scs_overlays_trampoline_lowered:
0x8: {  	[smem:$0x3F9F] =	sst s0  }
0x9: {  	[smem:$0x3FA0] =	sst s1  }
0xa: {  	[smem:$0x3FA1] =	sst s2  }
0xb: {  	[smem:$0x3FA2] =	sst s3  }
0xc: {  	[smem:$0x3FA3] =	sst s4  }
0xd: {  	[smem:$0x3FA4] =	sst s5  }
0xe: {  	[smem:$0x3FA5] =	sst s6  }
0xf: {  	[smem:$0x3FA6] =	sst s7  }
0x10: {  	[smem:$0x3FA7] =	sst s8  }
0x11: {  	[smem:$0x3FA8] =	sst s9;
	s0 =	simm.s32 @!p0 $0x0  }
0x12: {  	s1 =	sld [smem:$0x3F8E];
	s0 =	simm.s32 @p0 $0x1  }
0x13: {  	[smem:$0x3FA9] =	sst s0;
	s0 =	simm.s32 @!p1 $0x0  }
0x14: {  	s2 =	sld [smem:$0x3F8D];
	s0 =	simm.s32 @p1 $0x1  }
0x15: {  	[smem:$0x3FAA] =	sst s0;
	s0 =	simm.s32 @!p2 $0x0  }
0x16: {  	s3 =	sld [smem:$0x3FDB];
	s0 =	simm.s32 @p2 $0x1  }
0x17: {  	s4 =	simm.s32 $0x1BF5;
	[smem:$0x3FAC] =	sst s0  }
0x18: {  	s0 =	sld [smem:$0x3F8F];
	_ =	swait.ge [sflag:s4], $0x0  }
0x19: {  	s7 =	sld [smem:$0x3F90]  }
0x1a: {  	s8 =	sadd.s32 $0xFFFFE003, lr  }
0x1b: {  	s9 =	sadd.s32 $0xFFFFFEF7, lr;
	s5 =	simm.s32 $0xFFFFFFFF;
	p2 =	slt.u32 s8, $0xFFFFF086  }
0x1c: {  	p1 =	slt.u32 s9, $0xF7A;
	s5 =	simm.s32 @!p2 $0x0  }
0x1d: {  	s5 =	simm.s32 @p1 $0x1;
	p0 =	seq.s32 s7, s2  }
0x1e: {  	s7 =	smul.u32 @!p0 $0xF7A, s2;
	p2 =	seq.s32 @!p0 s5, $0x0  }
0x1f: {  	s9 =	smul.u32 $0xF7A, s1;
	s8 =	simm.s32 @!p0 $0x1BF5;
	p2 =	por !p2, p0  }
0x20: {  	[sflag:s8] =	ssyncset.s32 @!p0 $0xFFFFF086;
	s6 =	sadd.s32 @!p0 s3, s7;
	s7 =	simm.s32 @!p0 $0x108  }
0x21: {  	s3 =	sadd.s32 s3, s9;
	s6 =	sadd.s32 @!p0 $0x88, s6;
	s7 =	simm.s32 @p2 $0x1082  }
0x22: {  	[simem:s7], [sflag:s8] =	dma.local @!p0 [hbm:s6], $0xF7A  }
0x23: {  	s9 =	sor.u32 $0xD0000000, s2;
	s6 =	simm.s32 $0x108;
	_ =	swait.ge @!p0 [sflag:s8], $0x0  }
0x24: {  	s3 =	sadd.s32 $0x88, s3;
	s6 =	simm.s32 @!p1 $0x1082;
	[sflag:s4] =	ssyncset.s32 $0xFFFFF086  }
0x25: {  	[simem:s6], [sflag:s4] =	dma.local [hbm:s3], $0xF7A  }
0x26: {  	[smem:$0x3F90] =	sst s1;
	(tag) =	ssettag s2;
	_ =	strace s9  }
0x27: {  	s1 =	sld [smem:$0x3FA0]  }
0x28: {  	s2 =	sld [smem:$0x3FA1]  }
0x29: {  	s4 =	sld [smem:$0x3FA3]  }
0x2a: {  	p0 =	seq.s32 s5, $0x0;
	s5 =	sld [smem:$0x3FA4]  }
0x2b: {  	s6 =	sld [smem:$0x3FA5]  }
0x2c: {  	s7 =	sld [smem:$0x3FA6]  }
0x2d: {  	s3 =	simm.s32 $0x108;
	s8 =	sld [smem:$0x3FA7]  }
0x2e: {  	s3 =	simm.s32 @!p0 $0x1082;
	s9 =	sld [smem:$0x3FA8]  }
0x2f: {  	lr =	sadd.s32 s0, s3;
	s0 =	sld [smem:$0x3F9F]  }
0x30: {  	s3 =	sld [smem:$0x3FA2]  }
0x31: {  	[smem:$0x3FAB] =	sst s10  }
0x32: {  	s10 =	sld [smem:$0x3FA9];
	_ =	sdelay $0x3  }
0x33: {  	p0 =	seq.s32 s10, $0x1;
	s10 =	sld [smem:$0x3FAB];
	_ =	sdelay $0x3  }
0x34: {  	[smem:$0x3FAB] =	sst s10  }
0x35: {  	s10 =	sld [smem:$0x3FAA];
	_ =	sdelay $0x3  }
0x36: {  	p1 =	seq.s32 s10, $0x1;
	s10 =	sld [smem:$0x3FAB];
	_ =	sdelay $0x3  }
0x37: {  	[smem:$0x3FAB] =	sst s10  }
0x38: {  	s10 =	sld [smem:$0x3FAC]  }
0x39: {  	_ = 	snop;
	(pc) =	sbr.ind lr, $3  }
0x3a: {  	_ = 	snop  }
0x3b: {  	_ = 	snop  }
0x3c: {  	p2 =	seq.s32 s10, $0x1;
	s10 =	sld [smem:$0x3FAB]  }
0x3d: {  	_ =	shalt  }
0x3e: {  	_ =	shalt  }
0x3f: {  	_ =	shalt  }
0x40: {  	_ =	shalt  }
0x41: {  	_ =	shalt  }
0x42: {  	_ =	shalt  }
0x43: {  	_ =	shalt  }
0x44: {  	_ =	shalt  }
0x45: {  	_ =	shalt  }
0x46: {  	_ =	shalt  }
0x47: {  	_ =	shalt  }
0x48: {  	_ =	shalt  }
0x49: {  	_ =	shalt  }
0x4a: {  	_ =	shalt  }
0x4b: {  	_ =	shalt  }
0x4c: {  	_ =	shalt  }
0x4d: {  	_ =	shalt  }
0x4e: {  	_ =	shalt  }
0x4f: {  	_ =	shalt  }
0x50: {  	_ =	shalt  }
0x51: {  	_ =	shalt  }
0x52: {  	_ =	shalt  }
0x53: {  	_ =	shalt  }
0x54: {  	_ =	shalt  }
0x55: {  	_ =	shalt  }
0x56: {  	_ =	shalt  }
0x57: {  	_ =	shalt  }
0x58: {  	_ =	shalt  }
0x59: {  	_ =	shalt  }
0x5a: {  	_ =	shalt  }
0x5b: {  	_ =	shalt  }
0x5c: {  	_ =	shalt  }
0x5d: {  	_ =	shalt  }
0x5e: {  	_ =	shalt  }
0x5f: {  	_ =	shalt  }
0x60: {  	_ =	shalt  }
0x61: {  	_ =	shalt  }
0x62: {  	_ =	shalt  }
0x63: {  	_ =	shalt  }
0x64: {  	_ =	shalt  }
0x65: {  	_ =	shalt  }
0x66: {  	_ =	shalt  }
0x67: {  	_ =	shalt  }
0x68: {  	_ =	shalt  }
0x69: {  	_ =	shalt  }
0x6a: {  	_ =	shalt  }
0x6b: {  	_ =	shalt  }
0x6c: {  	_ =	shalt  }
0x6d: {  	_ =	shalt  }
0x6e: {  	_ =	shalt  }
0x6f: {  	_ =	shalt  }
0x70: {  	_ =	shalt  }
0x71: {  	_ =	shalt  }
0x72: {  	_ =	shalt  }
0x73: {  	_ =	shalt  }
0x74: {  	_ =	shalt  }
0x75: {  	_ =	shalt  }
0x76: {  	_ =	shalt  }
0x77: {  	_ =	shalt  }
0x78: {  	_ =	shalt  }
0x79: {  	_ =	shalt  }
0x7a: {  	_ =	shalt  }
0x7b: {  	_ =	shalt  }
0x7c: {  	_ =	shalt  }
0x7d: {  	_ =	shalt  }
0x7e: {  	_ =	shalt  }
0x7f: {  	_ =	shalt  }
0x80: {  	_ =	shalt  }
0x81: {  	_ =	shalt  }
0x82: {  	_ =	shalt  }
0x83: {  	_ =	shalt  }
0x84: {  	_ =	shalt  }
0x85: {  	_ =	shalt  }
0x86: {  	_ =	shalt  }
0x87: {  	_ =	shalt  }
.Lfunc_end0:
.L_simem_size_0:
called_computation.3_lowered:
.L_overlay_start_0:
0x88: {  	s2 =	sld [smem:$0x3FD9]  }
0x89: {  	s3 =	sld [smem:$0x3FFE];
	_ =	sdelay $0x1  }
0x8a: {  	s1 =	srdreg.scid  }
0x8b: {  	s0 =	sand.u32 $0x1, s1  }
0x8c: {  	s16 =	sshll.u32 s0, $0xA;
	s2 =	sadd.s32 s3, s2  }
0x8d: {  	s2 =	sadd.s32 s2, s16  }
0x8e: {  	[smem:$0x3FB7] =	sst s2  }
0x8f: {  	_ = 	snop  }
0x90: {  	(tm) =	ssettm $0x1  }
0x91: {  	s17 =	sld [smem:$0x3FFB];
	_ =	sdelay $0x3  }
0x92: {  	_ =	strace s17  }
0x93: {  	s2 =	sld [smem:$0x3FFC];
	_ =	sdelay $0x3  }
0x94: {  	_ =	strace s2  }
0x95: {  	s2 =	sld [smem:$0x3FFD];
	_ =	sdelay $0x3  }
0x96: {  	_ =	strace s2  }
0x97: {  	_ =	strace $0x8FFFFFFF  }
0x98: {  	s18 =	sld [smem:$0x3FDB];
	_ =	sdelay $0x1  }
0x99: {  	s19 =	simm.s32 $_scs_section_size  }
0x9a: {  	s4 =	simm.s32 $_size__tile_overlayer_lowered;
	s5 =	simm.s32 $_tile_overlayer_lowered  }
0x9b: {  	s22 =	simm.s32 $0x1BFF;
	s21 =	sshll.u32 s5, $0x1;
	s2 =	sadd.s32 s19, s18  }
0x9c: {  	s6 =	simm.s32 $0x0;
	s20 =	sshll.u32 s4, $0x1;
	s4 =	sadd.s32 s21, s2  }
0x9d: {  	[timem:s6], [sflag:s22] =	dma.local [hbm:s4], s20  }
0x9e: {  	_ =	swait.ge [sflag:s22], s20  }
0x9f: {  	s3 =	ssub.s32 $0x0, s20;
	[sflag:s22] =	ssyncset.done $0x0  }
0xa0: {  	[sflag:s22] =	ssyncadd.s32 s3;
	_ =	sdelay $0x1  }
0xa1: {  	s23 =	simm.s32 $0x1B8B  }
0xa2: {  	_ =	swait.ge [sflag:s23], $0x1  }
0xa3: {  	[sflag:s23] =	ssyncset.done $0x0  }
0xa4: {  	s25 =	simm.s32 $0x1B8E;
	s24 =	sld [smem:$0x3FFE];
	[sflag:s23] =	ssyncadd.s32 $0xFFFFFFFF  }
0xa5: {  	s26 =	simm.s32 $execute0_lowered;
	[smem:$0x3FD2] =	sst s25  }
0xa6: {  	s4 =	sshll.u32 s26, $0x1;
	_ =	strace $0x8000004F;
	[dreg:$0x1] =	wrdreg $0xFFFFFFFF  }
0xa7: {  	s28 =	simm.s32 $_size_execute0_lowered;
	s2 =	sadd.s32 s2, s4;
	[dreg:$0x0] =	wrdreg $0x0  }
0xa8: {  	s4 =	sshll.u32 s28, $0x1;
	[dreg:$0x2] =	wrdreg s2  }
0xa9: {  	[dreg:$0x3] =	wrdreg s4  }
0xaa: {  	[dreg:$0x4] =	wrdreg $0xC0  }
0xab: {  	_ =	task [dreg:s6], $0x5FFFF  }
0xac: {  	[dreg:$0x1] =	wrdreg $0xFFFFFFFF  }
0xad: {  	[dreg:$0x0] =	wrdreg $0x60  }
0xae: {  	[dreg:$0x2] =	wrdreg s24  }
0xaf: {  	[dreg:$0x3] =	wrdreg $0xE3000  }
0xb0: {  	[dreg:$0x4] =	wrdreg $0x9  }
0xb1: {  	_ =	task.clear_ibuf [dreg:s6], $0x5FFFF;
	_ =	strace $0x9000004F  }
0xb2: {  	s29 =	simm.s32 $0x9;
	_ =	strace $0x80000051  }
0xb3: {  	_ =	swait.ge [sflag:s29], $0x1  }
0xb4: {  	[sflag:s29] =	ssyncadd.s32 $0xFFFFFFFF  }
0xb5: {  	_ =	strace $0x90000051  }
0xb6: {  	_ =	sfence  }
0xb7: {  	s30 =	sld [smem:$0x0];
	_ =	sdelay $0x2  }
0xb8: {  	s31 =	sshll.u32 s1, $0xD;
	s1 =	sshrl.u32 s1, $0x2  }
0xb9: {  	s3 =	sand.u32 $0x4000, s31;
	s1 =	sadd.s32 s1, s30  }
0xba: {  	s0 =	sor.u32 s3, s0;
	s1 =	sshll.u32 s1, $0x11  }
0xbb: {  	s0 =	sor.u32 s1, s0  }
0xbc: {  	s0 =	sadd.s32 $0x8F2B, s0  }
0xbd: {  	[sflag:s0] =	ssyncadd.remote.s32 $0x1  }
0xbe: {  	_ =	sfence.sel $0xFFFF  }
0xbf: {  	[dreg:$0x0] =	wrdreg $0xFFFFFFFF;
	(pc) =	sbr.abs _section_cstart, $3  }
0xc0: {  	[dreg:$0x1] =	wrdreg $0xFFFFFFFF  }
0xc1: {  	_ =	task.clear_ibuf [dreg:s6], $0x2FFFF;
	_ =	strace $0x9FFFFFFF  }
0xc2: {  	(tm) =	ssettm $0x7FFFFFFF  }
0xc3: {  	_ =	shalt  }
tec
execute0_lowered:
.L_overlay_start_1:
0x0: {  	(tag) =	ssettag $0x1  }
0x1: {  	s4 =	rddreg [dreg:$0x0]  }
0x2: {  	s2 =	rddreg [dreg:$0x1]  }
0x3: {  	s0 =	rddreg [dreg:$0x2];
	s1 =	stileid.u32  }
0x4: {  	s6 =	srdreg.scid;
	s3 =	simm.s32 $0x0;
	s5 =	smul.u32 $0xA40, s1  }
0x5: {  	s16 =	simm.s32 $0x5200;
	s17 =	simm.s32 $0x80;
	s7 =	smul.u32 $0xA20, s1  }
0x6: {  	s18 =	simm.s32 $0xC300;
	s19 =	simm.s32 $0x1;
	s9 =	smul.u32 $0xA000, s1  }
0x7: {  	s6 =	sand.u32 $0x1, s6;
	[smem:$0x7FF] =	sst s3;
	s11 =	smul.u32 $0x28000, s1  }
0x8: {  	s20 =	simm.s32 $0x2;
	s8 =	smul.u32 $0xA0000, s6;
	_ =	strace $0x80000050  }
0x9: {  	s6 =	ssub.s32 $0x2, s6;
	s10 =	sadd.s32 s5, s4;
	s12 =	sadd.s32 s7, s4  }
0xa: {  	s29 =	sshrl.u32 s11, $0x2;
	s30 =	sshrl.u32 s6, $0x1;
	s26 =	sshrl.u32 s8, $0x3  }
0xb: {  	s28 =	sadd.s32 s9, s8;
	s31 =	sadd.s32 s29, s2;
	s15 =	ssub.s32 s6, s30  }
0xc: {  	s13 =	sadd.s32 s26, s4;
	s5 =	sshrl.u32 s28, $0x3;
	s6 =	sadd.s32 $0x4000, s31  }
0xd: {  	s7 =	sadd.s32 $0x6000, s31;
	s8 =	sadd.s32 $0x8000, s31;
	s14 =	sadd.s32 s5, s4  }
0xe: {  	s4 =	sadd.s32 s9, s2;
	s5 =	sadd.s32 $0x2000, s31;
	s9 =	sadd.s32 $0x22600, s10  }
0xf: {  	s10 =	sadd.s32 $0x18400, s12;
	s11 =	sadd.s32 $0x2CA00, s13;
	s13 =	smax.u32 s15, $0x1  }
0x10: {  	v0 =	vimm.f32 $0.0e+00;
	s15 =	simm.s32 $0x3;
	s12 =	sadd.s32 $0x54A00, s14;
	s14 =	simm.s32 $0xA300  }
.LBB2_1:
0x11: {  	s22 =	simm.s32 $0x100;
	s21 =	simm.s32 $0x0  }
.LBB2_2:
0x12: {  	p0 =	sne.s32 s22, $0x7F00;
	[tilespmem:s21+$0xA330] =	vst v0;
	s23 =	smov.u32 s22;
	s22 =	sadd.s32 $0x100, s22  }
.Ltmp0:
0x13: {  	[tilespmem:s21+$0xA320] =	vst v0;
	(pc) =	sbr.rel @p0 .LBB2_2-.Ltmp0, $3  }
0x14: {  	[tilespmem:s21+$0xA300] =	vst v0  }
0x15: {  	[tilespmem:s21+$0xA310] =	vst v0;
	_ =	sdelay $0x1  }
0x16: {  	s21 =	sshra.s32 s23, $0x2  }
0x17: {  	[tilespmem:s21+$0xA330] =	vst v0  }
0x18: {  	[tilespmem:s21+$0xA320] =	vst v0  }
0x19: {  	[tilespmem:s21+$0xA300] =	vst v0  }
0x1a: {  	[tilespmem:s21+$0xA310] =	vst v0  }
0x1b: {  	[spmem:s4] =	stream.linear.scatter [tilespmem:s14], [sflag:$0x3], $0x2000, $0x38;
	[tilespmem:$0x18300] =	vst v63  }
0x1c: {  	_ =	swait.ge [sflag:s15], $0x2000  }
0x1d: {  	[sflag:s15] =	ssyncset.done $0x0  }
0x1e: {  	[sflag:s15] =	ssyncadd.s32 $0xFFFFE000  }
0x1f: {  	[spmem:s5] =	stream.linear.scatter [tilespmem:s14], [sflag:$0x3], $0x2000, $0x38;
	[tilespmem:$0x18300] =	vst v63  }
0x20: {  	_ =	swait.ge [sflag:s15], $0x2000  }
0x21: {  	[sflag:s15] =	ssyncset.done $0x0  }
0x22: {  	[sflag:s15] =	ssyncadd.s32 $0xFFFFE000  }
0x23: {  	[spmem:s6] =	stream.linear.scatter [tilespmem:s14], [sflag:$0x3], $0x2000, $0x38;
	[tilespmem:$0x18300] =	vst v63  }
0x24: {  	_ =	swait.ge [sflag:s15], $0x2000  }
0x25: {  	[sflag:s15] =	ssyncset.done $0x0  }
0x26: {  	[sflag:s15] =	ssyncadd.s32 $0xFFFFE000  }
0x27: {  	[spmem:s7] =	stream.linear.scatter [tilespmem:s14], [sflag:$0x3], $0x2000, $0x38;
	[tilespmem:$0x18300] =	vst v63  }
0x28: {  	_ =	swait.ge [sflag:s15], $0x2000  }
0x29: {  	[sflag:s15] =	ssyncset.done $0x0  }
0x2a: {  	[sflag:s15] =	ssyncadd.s32 $0xFFFFE000  }
0x2b: {  	[spmem:s8] =	stream.linear.scatter [tilespmem:s14], [sflag:$0x3], $0x2000, $0x38;
	[tilespmem:$0x18300] =	vst v63  }
0x2c: {  	_ =	swait.ge [sflag:s15], $0x2000  }
0x2d: {  	[sflag:s15] =	ssyncset.done $0x0  }
0x2e: {  	[sflag:s15] =	ssyncadd.s32 $0xFFFFE000  }
0x2f: {  	s28 =	simm.s32 $0x0;
	[bflag:$0x0] =	sbarrier.arrive $0xFFFF  }
0x30: {  	[tilespmem:s28], [sflag:$0x3] =	stream.linear.gather [hbm4b:s9+s28], $0x5200, $0x38;
	[tilespmem:$0x18300] =	vst v63  }
0x31: {  	_ =	swait.ge [sflag:s15], $0x5200  }
0x32: {  	[sflag:s15] =	ssyncset.done $0x0  }
0x33: {  	[sflag:s15] =	ssyncadd.s32 $0xFFFFAE00  }
0x34: {  	[tilespmem:s16], [sflag:$0x3] =	stream.linear.gather [hbm4b:s10+s28], $0x5100, $0x38;
	[tilespmem:$0x18300] =	vst v63  }
0x35: {  	_ =	swait.ge [sflag:s15], $0x5100  }
0x36: {  	[sflag:s15] =	ssyncset.done $0x0  }
0x37: {  	[sflag:s15] =	ssyncadd.s32 $0xFFFFAF00  }
0x38: {  	[tilespmem:s14], [sflag:$0x1] =	stream.indirect.gather [hbm4b:s11+s17], $0x40, s28, s17, $0xb8;
	[tilespmem:$0x18300] =	vst v63  }
0x39: {  	_ = 	snop  }
0x3a: {  	[tilespmem:s18], [sflag:$0x2] =	stream.indirect.gather [hbm4b:s11+s17], $0x40, s17, s17, $0xb8;
	[tilespmem:$0x18300] =	vst v63  }
0x3b: {  	_ =	swait.ge [sflag:s19], $0x2000  }
0x3c: {  	[sflag:s19] =	ssyncset.done $0x0  }
0x3d: {  	s29 =	simm.s32 $0x5200;
	[sflag:s19] =	ssyncadd.s32 $0xFFFFE000  }
0x3e: {  	[spmem:s2] =	stream.indirect.scatter.add.f32 [tilespmem:s14], [sflag:$0x3], $0x40, s29, s17, $0xb8;
	[tilespmem:$0x18300] =	vst v63  }
0x3f: {  	_ =	swait.ge [sflag:s15], $0x2000  }
0x40: {  	[sflag:s15] =	ssyncset.done $0x0  }
0x41: {  	s30 =	simm.s32 $0x100;
	[sflag:s15] =	ssyncadd.s32 $0xFFFFE000  }
0x42: {  	[tilespmem:s14], [sflag:$0x1] =	stream.indirect.gather [hbm4b:s11+s17], $0x40, s30, s17, $0xb8;
	[tilespmem:$0x18300] =	vst v63  }
0x43: {  	_ =	swait.ge [sflag:s20], $0x2000  }
0x44: {  	[sflag:s20] =	ssyncset.done $0x0  }
0x45: {  	s31 =	simm.s32 $0x5280;
	[sflag:s20] =	ssyncadd.s32 $0xFFFFE000  }
0x46: {  	[spmem:s2] =	stream.indirect.scatter.add.f32 [tilespmem:s18], [sflag:$0x3], $0x40, s31, s17, $0xb8;
	[tilespmem:$0x18300] =	vst v63  }
0x47: {  	_ =	swait.ge [sflag:s15], $0x2000  }
0x48: {  	[sflag:s15] =	ssyncset.done $0x0  }
0x49: {  	s21 =	simm.s32 $0x400;
	s22 =	simm.s32 $0x180;
	[sflag:s15] =	ssyncadd.s32 $0xFFFFE000  }
.LBB2_4:
0x4a: {  	[tilespmem:s18], [sflag:$0x2] =	stream.indirect.gather [hbm4b:s11+s17], $0x40, s22, s17, $0xb8;
	[tilespmem:$0x18300] =	vst v63  }
0x4b: {  	s22 =	smov.u32 s21  }
0x4c: {  	p0 =	sne.s32 s21, $0x14000;
	s21 =	sadd.s32 $0x400, s21;
	_ =	swait.ge [sflag:s19], $0x2000  }
0x4d: {  	s22 =	sshra.s32 s22, $0x2;
	[sflag:s19] =	ssyncset.done $0x0  }
0x4e: {  	s23 =	sadd.s32 $0x5200, s22;
	[sflag:s19] =	ssyncadd.s32 $0xFFFFE000  }
0x4f: {  	[spmem:s2] =	stream.indirect.scatter.add.f32 [tilespmem:s14], [sflag:$0x3], $0x40, s23, s17, $0xb8;
	[tilespmem:$0x18300] =	vst v63  }
0x50: {  	_ =	swait.ge [sflag:s15], $0x2000  }
0x51: {  	[sflag:s15] =	ssyncset.done $0x0  }
0x52: {  	s23 =	sadd.s32 $0x100, s22;
	[sflag:s15] =	ssyncadd.s32 $0xFFFFE000  }
0x53: {  	[tilespmem:s14], [sflag:$0x1] =	stream.indirect.gather [hbm4b:s11+s17], $0x40, s23, s17, $0xb8;
	[tilespmem:$0x18300] =	vst v63  }
0x54: {  	_ =	swait.ge [sflag:s20], $0x2000  }
0x55: {  	[sflag:s20] =	ssyncset.done $0x0  }
.Ltmp1:
0x56: {  	s23 =	sadd.s32 $0x5280, s22;
	[sflag:s20] =	ssyncadd.s32 $0xFFFFE000;
	(pc) =	sbr.rel @p0 .LBB2_4-.Ltmp1, $4  }
0x57: {  	[spmem:s2] =	stream.indirect.scatter.add.f32 [tilespmem:s18], [sflag:$0x3], $0x40, s23, s17, $0xb8;
	[tilespmem:$0x18300] =	vst v63  }
0x58: {  	_ =	swait.ge [sflag:s15], $0x2000  }
0x59: {  	[sflag:s15] =	ssyncset.done $0x0  }
0x5a: {  	s22 =	sadd.s32 $0x180, s22;
	[sflag:s15] =	ssyncadd.s32 $0xFFFFE000  }
0x5b: {  	[tilespmem:s18], [sflag:$0x2] =	stream.indirect.gather [hbm4b:s11+s17], $0x40, s22, s17, $0xb8;
	[tilespmem:$0x18300] =	vst v63  }
0x5c: {  	_ =	swait.ge [sflag:s19], $0x2000  }
0x5d: {  	[sflag:s19] =	ssyncset.done $0x0  }
0x5e: {  	[sflag:s19] =	ssyncadd.s32 $0xFFFFE000  }
0x5f: {  	_ =	swait.ge [sflag:s20], $0x2000  }
0x60: {  	s21 =	sshll.u32 s1, $0x6;
	s3 =	sadd.s32 $0x1, s3;
	[sflag:s20] =	ssyncset.done $0x0  }
0x61: {  	s31 =	sshrl.u32 s4, $0x3;
	p0 =	sne.s32 s3, s13;
	[sflag:s20] =	ssyncadd.s32 $0xFFFFE000  }
.Ltmp2:
0x62: {  	s21 =	sor.u32 $0x1C03, s21;
	[bflag:$0x0] =	sbarrier.arrive $0xFFFF;
	(pc) =	sbr.rel @p0 .LBB2_1-.Ltmp2, $4  }
0x63: {  	[hbm:s12], [sflag:s21] =	dma.local [spmem:s31], $0x1400  }
0x64: {  	_ =	swait.ge [sflag:s15], $0x1400  }
0x65: {  	[sflag:s15] =	ssyncset.done $0x0  }
0x66: {  	[sflag:s15] =	ssyncadd.s32 $0xFFFFEC00  }
0x67: {  	_ =	sfence.sel $0x180000  }
0x68: {  	[bflag:$0x0] =	sbarrier.arrive $0xFFFF  }
0x69: {  	p0 =	sne.s32 s1, $0x0;
	_ =	strace $0x90000050  }
0x6a: {  	s0 =	sadd.s32 @!p0 $0x100000, s0;
	[bflag:$0x2] =	sbarrier.arrive $0xFFFF  }
0x6b: {  	[sflag:s0] =	ssyncadd.tile.s32 @!p0 $0x1;
	_ =	shalt  }
.Lfunc_end2:
_tile_overlayer_lowered:
.L_overlay_start_2:
0x6c: {  	(tag) =	ssettag $0x2  }
0x6d: {  	s0 =	rddreg [dreg:$0x0];
	s2 =	stileid.u32  }
0x6e: {  	s1 =	rddreg [dreg:$0x1];
	p0 =	sne.s32 s2, $0x0  }
0x6f: {  	s3 =	rddreg [dreg:$0x2];
	[bflag:$0x3] =	sbarrier.arrive $0xFFFF;
	s2 =	simm.s32 @!p0 $0x1C03  }
0x70: {  	[timem:s3], [sflag:s2] =	dma.local @!p0 [hbm:s0], s1  }
0x71: {  	s0 =	simm.s32 @!p0 $0x3  }
0x72: {  	_ =	swait.ge @!p0 [sflag:s0], s1  }
0x73: {  	s1 =	ssub.s32 @!p0 $0x0, s1;
	[sflag:s0] =	ssyncset.done @!p0 $0x0  }
0x74: {  	[sflag:s0] =	ssyncadd.s32 @!p0 s1  }
0x75: {  	[bflag:$0x3] =	sbarrier.arrive $0xFFFF  }
0x76: {  	_ =	shalt  }

// kernel: kernel.24.cloned.1.call-start
scs
__scs_entry_jumppad:
0x0: {  	(pc) =	sbr.rel $0x88, $3  }
0x1: {  	(tag) =	ssettag $0x0;
	lr =	simm.s32 $0x1  }
0x2: {  	[smem:$0x3F90] =	sst lr;
	_ =	strace $0xD0000000  }
0x3: {  	_ = 	snop  }
0x4: {  	_ = 	snop  }
0x5: {  	_ = 	snop  }
0x6: {  	_ = 	snop  }
0x7: {  	_ = 	snop  }
__scs_overlays_trampoline_lowered:
0x8: {  	[smem:$0x3F9F] =	sst s0  }
0x9: {  	[smem:$0x3FA0] =	sst s1  }
0xa: {  	[smem:$0x3FA1] =	sst s2  }
0xb: {  	[smem:$0x3FA2] =	sst s3  }
0xc: {  	[smem:$0x3FA3] =	sst s4  }
0xd: {  	[smem:$0x3FA4] =	sst s5  }
0xe: {  	[smem:$0x3FA5] =	sst s6  }
0xf: {  	[smem:$0x3FA6] =	sst s7  }
0x10: {  	[smem:$0x3FA7] =	sst s8  }
0x11: {  	[smem:$0x3FA8] =	sst s9;
	s0 =	simm.s32 @!p0 $0x0  }
0x12: {  	s1 =	sld [smem:$0x3F8E];
	s0 =	simm.s32 @p0 $0x1  }
0x13: {  	[smem:$0x3FA9] =	sst s0;
	s0 =	simm.s32 @!p1 $0x0  }
0x14: {  	s2 =	sld [smem:$0x3F8D];
	s0 =	simm.s32 @p1 $0x1  }
0x15: {  	[smem:$0x3FAA] =	sst s0;
	s0 =	simm.s32 @!p2 $0x0  }
0x16: {  	s3 =	sld [smem:$0x3FDB];
	s0 =	simm.s32 @p2 $0x1  }
0x17: {  	s4 =	simm.s32 $0x1BF5;
	[smem:$0x3FAC] =	sst s0  }
0x18: {  	s0 =	sld [smem:$0x3F8F];
	_ =	swait.ge [sflag:s4], $0x0  }
0x19: {  	s7 =	sld [smem:$0x3F90]  }
0x1a: {  	s8 =	sadd.s32 $0xFFFFE003, lr  }
0x1b: {  	s9 =	sadd.s32 $0xFFFFFEF7, lr;
	s5 =	simm.s32 $0xFFFFFFFF;
	p2 =	slt.u32 s8, $0xFFFFF086  }
0x1c: {  	p1 =	slt.u32 s9, $0xF7A;
	s5 =	simm.s32 @!p2 $0x0  }
0x1d: {  	s5 =	simm.s32 @p1 $0x1;
	p0 =	seq.s32 s7, s2  }
0x1e: {  	s7 =	smul.u32 @!p0 $0xF7A, s2;
	p2 =	seq.s32 @!p0 s5, $0x0  }
0x1f: {  	s9 =	smul.u32 $0xF7A, s1;
	s8 =	simm.s32 @!p0 $0x1BF5;
	p2 =	por !p2, p0  }
0x20: {  	[sflag:s8] =	ssyncset.s32 @!p0 $0xFFFFF086;
	s6 =	sadd.s32 @!p0 s3, s7;
	s7 =	simm.s32 @!p0 $0x108  }
0x21: {  	s3 =	sadd.s32 s3, s9;
	s6 =	sadd.s32 @!p0 $0x88, s6;
	s7 =	simm.s32 @p2 $0x1082  }
0x22: {  	[simem:s7], [sflag:s8] =	dma.local @!p0 [hbm:s6], $0xF7A  }
0x23: {  	s9 =	sor.u32 $0xD0000000, s2;
	s6 =	simm.s32 $0x108;
	_ =	swait.ge @!p0 [sflag:s8], $0x0  }
0x24: {  	s3 =	sadd.s32 $0x88, s3;
	s6 =	simm.s32 @!p1 $0x1082;
	[sflag:s4] =	ssyncset.s32 $0xFFFFF086  }
0x25: {  	[simem:s6], [sflag:s4] =	dma.local [hbm:s3], $0xF7A  }
0x26: {  	[smem:$0x3F90] =	sst s1;
	(tag) =	ssettag s2;
	_ =	strace s9  }
0x27: {  	s1 =	sld [smem:$0x3FA0]  }
0x28: {  	s2 =	sld [smem:$0x3FA1]  }
0x29: {  	s4 =	sld [smem:$0x3FA3]  }
0x2a: {  	p0 =	seq.s32 s5, $0x0;
	s5 =	sld [smem:$0x3FA4]  }
0x2b: {  	s6 =	sld [smem:$0x3FA5]  }
0x2c: {  	s7 =	sld [smem:$0x3FA6]  }
0x2d: {  	s3 =	simm.s32 $0x108;
	s8 =	sld [smem:$0x3FA7]  }
0x2e: {  	s3 =	simm.s32 @!p0 $0x1082;
	s9 =	sld [smem:$0x3FA8]  }
0x2f: {  	lr =	sadd.s32 s0, s3;
	s0 =	sld [smem:$0x3F9F]  }
0x30: {  	s3 =	sld [smem:$0x3FA2]  }
0x31: {  	[smem:$0x3FAB] =	sst s10  }
0x32: {  	s10 =	sld [smem:$0x3FA9];
	_ =	sdelay $0x3  }
0x33: {  	p0 =	seq.s32 s10, $0x1;
	s10 =	sld [smem:$0x3FAB];
	_ =	sdelay $0x3  }
0x34: {  	[smem:$0x3FAB] =	sst s10  }
0x35: {  	s10 =	sld [smem:$0x3FAA];
	_ =	sdelay $0x3  }
0x36: {  	p1 =	seq.s32 s10, $0x1;
	s10 =	sld [smem:$0x3FAB];
	_ =	sdelay $0x3  }
0x37: {  	[smem:$0x3FAB] =	sst s10  }
0x38: {  	s10 =	sld [smem:$0x3FAC]  }
0x39: {  	_ = 	snop;
	(pc) =	sbr.ind lr, $3  }
0x3a: {  	_ = 	snop  }
0x3b: {  	_ = 	snop  }
0x3c: {  	p2 =	seq.s32 s10, $0x1;
	s10 =	sld [smem:$0x3FAB]  }
0x3d: {  	_ =	shalt  }
0x3e: {  	_ =	shalt  }
0x3f: {  	_ =	shalt  }
0x40: {  	_ =	shalt  }
0x41: {  	_ =	shalt  }
0x42: {  	_ =	shalt  }
0x43: {  	_ =	shalt  }
0x44: {  	_ =	shalt  }
0x45: {  	_ =	shalt  }
0x46: {  	_ =	shalt  }
0x47: {  	_ =	shalt  }
0x48: {  	_ =	shalt  }
0x49: {  	_ =	shalt  }
0x4a: {  	_ =	shalt  }
0x4b: {  	_ =	shalt  }
0x4c: {  	_ =	shalt  }
0x4d: {  	_ =	shalt  }
0x4e: {  	_ =	shalt  }
0x4f: {  	_ =	shalt  }
0x50: {  	_ =	shalt  }
0x51: {  	_ =	shalt  }
0x52: {  	_ =	shalt  }
0x53: {  	_ =	shalt  }
0x54: {  	_ =	shalt  }
0x55: {  	_ =	shalt  }
0x56: {  	_ =	shalt  }
0x57: {  	_ =	shalt  }
0x58: {  	_ =	shalt  }
0x59: {  	_ =	shalt  }
0x5a: {  	_ =	shalt  }
0x5b: {  	_ =	shalt  }
0x5c: {  	_ =	shalt  }
0x5d: {  	_ =	shalt  }
0x5e: {  	_ =	shalt  }
0x5f: {  	_ =	shalt  }
0x60: {  	_ =	shalt  }
0x61: {  	_ =	shalt  }
0x62: {  	_ =	shalt  }
0x63: {  	_ =	shalt  }
0x64: {  	_ =	shalt  }
0x65: {  	_ =	shalt  }
0x66: {  	_ =	shalt  }
0x67: {  	_ =	shalt  }
0x68: {  	_ =	shalt  }
0x69: {  	_ =	shalt  }
0x6a: {  	_ =	shalt  }
0x6b: {  	_ =	shalt  }
0x6c: {  	_ =	shalt  }
0x6d: {  	_ =	shalt  }
0x6e: {  	_ =	shalt  }
0x6f: {  	_ =	shalt  }
0x70: {  	_ =	shalt  }
0x71: {  	_ =	shalt  }
0x72: {  	_ =	shalt  }
0x73: {  	_ =	shalt  }
0x74: {  	_ =	shalt  }
0x75: {  	_ =	shalt  }
0x76: {  	_ =	shalt  }
0x77: {  	_ =	shalt  }
0x78: {  	_ =	shalt  }
0x79: {  	_ =	shalt  }
0x7a: {  	_ =	shalt  }
0x7b: {  	_ =	shalt  }
0x7c: {  	_ =	shalt  }
0x7d: {  	_ =	shalt  }
0x7e: {  	_ =	shalt  }
0x7f: {  	_ =	shalt  }
0x80: {  	_ =	shalt  }
0x81: {  	_ =	shalt  }
0x82: {  	_ =	shalt  }
0x83: {  	_ =	shalt  }
0x84: {  	_ =	shalt  }
0x85: {  	_ =	shalt  }
0x86: {  	_ =	shalt  }
0x87: {  	_ =	shalt  }
.Lfunc_end0:
.L_simem_size_0:
called_computation.4_lowered:
.L_overlay_start_0:
0x88: {  	s2 =	sld [smem:$0x3FD9]  }
0x89: {  	s3 =	sld [smem:$0x3FFE];
	_ =	sdelay $0x1  }
0x8a: {  	s1 =	srdreg.scid  }
0x8b: {  	s0 =	sand.u32 $0x1, s1  }
0x8c: {  	s16 =	sshll.u32 s0, $0xA;
	s2 =	sadd.s32 s3, s2  }
0x8d: {  	s2 =	sadd.s32 s2, s16  }
0x8e: {  	[smem:$0x3FB7] =	sst s2  }
0x8f: {  	_ = 	snop  }
0x90: {  	(tm) =	ssettm $0x1  }
0x91: {  	s17 =	sld [smem:$0x3FFB];
	_ =	sdelay $0x3  }
0x92: {  	_ =	strace s17  }
0x93: {  	s2 =	sld [smem:$0x3FFC];
	_ =	sdelay $0x3  }
0x94: {  	_ =	strace s2  }
0x95: {  	s2 =	sld [smem:$0x3FFD];
	_ =	sdelay $0x3  }
0x96: {  	_ =	strace s2  }
0x97: {  	_ =	strace $0x8FFFFFFF  }
0x98: {  	s18 =	sld [smem:$0x3FDB];
	_ =	sdelay $0x1  }
0x99: {  	s19 =	simm.s32 $_scs_section_size  }
0x9a: {  	s4 =	simm.s32 $_size__tile_overlayer_lowered;
	s5 =	simm.s32 $_tile_overlayer_lowered  }
0x9b: {  	s22 =	simm.s32 $0x1BFF;
	s21 =	sshll.u32 s5, $0x1;
	s2 =	sadd.s32 s19, s18  }
0x9c: {  	s6 =	simm.s32 $0x0;
	s20 =	sshll.u32 s4, $0x1;
	s4 =	sadd.s32 s21, s2  }
0x9d: {  	[timem:s6], [sflag:s22] =	dma.local [hbm:s4], s20  }
0x9e: {  	_ =	swait.ge [sflag:s22], s20  }
0x9f: {  	s3 =	ssub.s32 $0x0, s20;
	[sflag:s22] =	ssyncset.done $0x0  }
0xa0: {  	[sflag:s22] =	ssyncadd.s32 s3;
	_ =	sdelay $0x1  }
0xa1: {  	s23 =	simm.s32 $0x1B8B  }
0xa2: {  	_ =	swait.ge [sflag:s23], $0x1  }
0xa3: {  	[sflag:s23] =	ssyncset.done $0x0  }
0xa4: {  	s25 =	simm.s32 $0x1B8E;
	s24 =	sld [smem:$0x3FFE];
	[sflag:s23] =	ssyncadd.s32 $0xFFFFFFFF  }
0xa5: {  	s26 =	simm.s32 $execute0_lowered;
	[smem:$0x3FD2] =	sst s25  }
0xa6: {  	s4 =	sshll.u32 s26, $0x1;
	_ =	strace $0x80000052;
	[dreg:$0x1] =	wrdreg $0xFFFFFFFF  }
0xa7: {  	s28 =	simm.s32 $_size_execute0_lowered;
	s2 =	sadd.s32 s2, s4;
	[dreg:$0x0] =	wrdreg $0x0  }
0xa8: {  	s4 =	sshll.u32 s28, $0x1;
	[dreg:$0x2] =	wrdreg s2  }
0xa9: {  	[dreg:$0x3] =	wrdreg s4  }
0xaa: {  	[dreg:$0x4] =	wrdreg $0xC0  }
0xab: {  	_ =	task [dreg:s6], $0x5FFFF  }
0xac: {  	[dreg:$0x1] =	wrdreg $0xFFFFFFFF  }
0xad: {  	[dreg:$0x0] =	wrdreg $0x60  }
0xae: {  	[dreg:$0x2] =	wrdreg s24  }
0xaf: {  	[dreg:$0x3] =	wrdreg $0xA5400  }
0xb0: {  	[dreg:$0x4] =	wrdreg $0x9  }
0xb1: {  	_ =	task.clear_ibuf [dreg:s6], $0x5FFFF;
	_ =	strace $0x90000052  }
0xb2: {  	s29 =	simm.s32 $0x9;
	_ =	strace $0x80000054  }
0xb3: {  	_ =	swait.ge [sflag:s29], $0x1  }
0xb4: {  	[sflag:s29] =	ssyncadd.s32 $0xFFFFFFFF  }
0xb5: {  	_ =	strace $0x90000054  }
0xb6: {  	_ =	sfence  }
0xb7: {  	s30 =	sld [smem:$0x0];
	_ =	sdelay $0x2  }
0xb8: {  	s31 =	sshll.u32 s1, $0xD;
	s1 =	sshrl.u32 s1, $0x2  }
0xb9: {  	s3 =	sand.u32 $0x4000, s31;
	s1 =	sadd.s32 s1, s30  }
0xba: {  	s0 =	sor.u32 s3, s0;
	s1 =	sshll.u32 s1, $0x11  }
0xbb: {  	s0 =	sor.u32 s1, s0  }
0xbc: {  	s0 =	sadd.s32 $0x8F2B, s0  }
0xbd: {  	[sflag:s0] =	ssyncadd.remote.s32 $0x1  }
0xbe: {  	_ =	sfence.sel $0xFFFF  }
0xbf: {  	[dreg:$0x0] =	wrdreg $0xFFFFFFFF;
	(pc) =	sbr.abs _section_cstart, $3  }
0xc0: {  	[dreg:$0x1] =	wrdreg $0xFFFFFFFF  }
0xc1: {  	_ =	task.clear_ibuf [dreg:s6], $0x2FFFF;
	_ =	strace $0x9FFFFFFF  }
0xc2: {  	(tm) =	ssettm $0x7FFFFFFF  }
0xc3: {  	_ =	shalt  }
tec
execute0_lowered:
.L_overlay_start_1:
0x0: {  	(tag) =	ssettag $0x1  }
0x1: {  	s16 =	rddreg [dreg:$0x0]  }
0x2: {  	s1 =	rddreg [dreg:$0x1];
	s2 =	simm.s32 $0x0  }
0x3: {  	v0 =	vimm.f32 $0.0e+00;
	[smem:$0x7FF] =	sst s2  }
0x4: {  	s0 =	rddreg [dreg:$0x2];
	_ =	strace $0x80000053;
	[tilespmem:$0xA160] =	vst v0  }
0x5: {  	[tilespmem:$0xA170] =	vst v0  }
0x6: {  	[tilespmem:$0xA180] =	vst v0  }
0x7: {  	[tilespmem:$0xA190] =	vst v0  }
0x8: {  	[tilespmem:$0xA1A0] =	vst v0  }
0x9: {  	[tilespmem:$0xA1B0] =	vst v0  }
0xa: {  	[tilespmem:$0xA1C0] =	vst v0  }
0xb: {  	[tilespmem:$0xA1D0] =	vst v0  }
0xc: {  	[tilespmem:$0xA1E0] =	vst v0  }
0xd: {  	[tilespmem:$0xA1F0] =	vst v0  }
0xe: {  	[tilespmem:$0xA200] =	vst v0  }
0xf: {  	[tilespmem:$0xA140] =	vst v0  }
0x10: {  	[tilespmem:$0xA530] =	vst v0  }
0x11: {  	[tilespmem:$0xA520] =	vst v0  }
0x12: {  	[tilespmem:$0xA510] =	vst v0  }
0x13: {  	[tilespmem:$0xA500] =	vst v0  }
0x14: {  	[tilespmem:$0xA4F0] =	vst v0  }
0x15: {  	[tilespmem:$0xA4E0] =	vst v0  }
0x16: {  	[tilespmem:$0xA4D0] =	vst v0  }
0x17: {  	[tilespmem:$0xA4C0] =	vst v0  }
0x18: {  	[tilespmem:$0xA4B0] =	vst v0  }
0x19: {  	[tilespmem:$0xA4A0] =	vst v0  }
0x1a: {  	[tilespmem:$0xA490] =	vst v0  }
0x1b: {  	[tilespmem:$0xA480] =	vst v0  }
0x1c: {  	[tilespmem:$0xA470] =	vst v0  }
0x1d: {  	[tilespmem:$0xA460] =	vst v0  }
0x1e: {  	[tilespmem:$0xA450] =	vst v0  }
0x1f: {  	[tilespmem:$0xA440] =	vst v0  }
0x20: {  	[tilespmem:$0xA420] =	vst v0  }
0x21: {  	[tilespmem:$0xA430] =	vst v0  }
0x22: {  	[tilespmem:$0xA410] =	vst v0  }
0x23: {  	[tilespmem:$0xA400] =	vst v0  }
0x24: {  	[tilespmem:$0xA3F0] =	vst v0  }
0x25: {  	[tilespmem:$0xA3E0] =	vst v0  }
0x26: {  	[tilespmem:$0xA3D0] =	vst v0  }
0x27: {  	[tilespmem:$0xA3C0] =	vst v0  }
0x28: {  	[tilespmem:$0xA3B0] =	vst v0  }
0x29: {  	[tilespmem:$0xA3A0] =	vst v0  }
0x2a: {  	[tilespmem:$0xA390] =	vst v0  }
0x2b: {  	[tilespmem:$0xA380] =	vst v0  }
0x2c: {  	[tilespmem:$0xA370] =	vst v0  }
0x2d: {  	[tilespmem:$0xA360] =	vst v0  }
0x2e: {  	[tilespmem:$0xA350] =	vst v0  }
0x2f: {  	[tilespmem:$0xA340] =	vst v0  }
0x30: {  	[tilespmem:$0xA330] =	vst v0  }
0x31: {  	[tilespmem:$0xA320] =	vst v0  }
0x32: {  	[tilespmem:$0xA310] =	vst v0  }
0x33: {  	[tilespmem:$0xA300] =	vst v0  }
0x34: {  	[tilespmem:$0xA2F0] =	vst v0  }
0x35: {  	[tilespmem:$0xA2E0] =	vst v0  }
0x36: {  	[tilespmem:$0xA2D0] =	vst v0  }
0x37: {  	[tilespmem:$0xA2C0] =	vst v0  }
0x38: {  	[tilespmem:$0xA2B0] =	vst v0  }
0x39: {  	[tilespmem:$0xA2A0] =	vst v0  }
0x3a: {  	[tilespmem:$0xA290] =	vst v0  }
0x3b: {  	[tilespmem:$0xA280] =	vst v0  }
0x3c: {  	[tilespmem:$0xA270] =	vst v0  }
0x3d: {  	[tilespmem:$0xA260] =	vst v0  }
0x3e: {  	[tilespmem:$0xA250] =	vst v0  }
0x3f: {  	[tilespmem:$0xA240] =	vst v0  }
0x40: {  	s3 =	srdreg.scid;
	[tilespmem:$0xA230] =	vst v0  }
0x41: {  	s19 =	stileid.u32;
	s17 =	sand.u32 $0x1, s3;
	[tilespmem:$0xA220] =	vst v0  }
0x42: {  	s4 =	simm.s32 $0xA140;
	s30 =	sshll.u32 s19, $0xA;
	s3 =	sshll.u32 s17, $0x4;
	[tilespmem:$0xA210] =	vst v0  }
0x43: {  	s5 =	simm.s32 $0x2;
	[tilespmem:$0xA150] =	vst v0;
	s6 =	sor.u32 s19, s3;
	s3 =	sadd.s32 s30, s1  }
0x44: {  	[spmem:s3] =	stream.linear.scatter [tilespmem:s4], [sflag:$0x2], $0x400, $0x38;
	[tilespmem:$0xA940] =	vst v63  }
0x45: {  	s7 =	smul.u32 $0x28, s6;
	_ =	swait.ge [sflag:s5], $0x400  }
0x46: {  	[sflag:s5] =	ssyncset.done $0x0  }
0x47: {  	s7 =	sadd.s32 s7, s16;
	[sflag:s5] =	ssyncadd.s32 $0xFFFFFC00  }
0x48: {  	s8 =	smul.u32 $0x1400, s6;
	s6 =	sadd.s32 $0x4000, s7;
	[bflag:$0x0] =	sbarrier.arrive $0xFFFF  }
0x49: {  	[tilespmem:s2], [sflag:$0x2] =	stream.linear.gather [hbm4b:s6+s2], $0x140, $0x38;
	[tilespmem:$0xA940] =	vst v63  }
0x4a: {  	_ =	swait.ge [sflag:s5], $0x140  }
0x4b: {  	s9 =	simm.s32 $0x1;
	s31 =	sadd.s32 s8, s16;
	[sflag:s5] =	ssyncset.done $0x0  }
0x4c: {  	s8 =	simm.s32 $0x140;
	s7 =	sadd.s32 $0x4600, s31;
	[sflag:s5] =	ssyncadd.s32 $0xFFFFFEC0  }
0x4d: {  	[tilespmem:s8], [sflag:$0x1] =	stream.linear.gather [hbm4b:s7+s2], $0xA000, $0x38;
	[tilespmem:$0xA940] =	vst v63  }
0x4e: {  	_ =	swait.ge [sflag:s9], $0xA000  }
0x4f: {  	[sflag:s9] =	ssyncset.done $0x0  }
0x50: {  	s10 =	simm.s32 $0x40;
	[sflag:s9] =	ssyncadd.s32 $0xFFFF6000  }
0x51: {  	[spmem:s1] =	stream.indirect.scatter.add.f32 [tilespmem:s8], [sflag:$0x2], $0x80, s2, s10, $0xb8;
	[tilespmem:$0xA940] =	vst v63  }
0x52: {  	_ =	swait.ge [sflag:s5], $0x2000  }
0x53: {  	[sflag:s5] =	ssyncset.done $0x0  }
0x54: {  	s11 =	simm.s32 $0x2140;
	[sflag:s5] =	ssyncadd.s32 $0xFFFFE000  }
0x55: {  	[spmem:s1] =	stream.indirect.scatter.add.f32 [tilespmem:s11], [sflag:$0x2], $0x80, s10, s10, $0xb8;
	[tilespmem:$0xA940] =	vst v63  }
0x56: {  	_ =	swait.ge [sflag:s5], $0x2000  }
0x57: {  	[sflag:s5] =	ssyncset.done $0x0  }
0x58: {  	s12 =	simm.s32 $0x80;
	s13 =	simm.s32 $0x4140;
	[sflag:s5] =	ssyncadd.s32 $0xFFFFE000  }
0x59: {  	[spmem:s1] =	stream.indirect.scatter.add.f32 [tilespmem:s13], [sflag:$0x2], $0x80, s12, s10, $0xb8;
	[tilespmem:$0xA940] =	vst v63  }
0x5a: {  	_ =	swait.ge [sflag:s5], $0x2000  }
0x5b: {  	s14 =	simm.s32 $0xC0;
	s15 =	simm.s32 $0x6140;
	[sflag:s5] =	ssyncset.done $0x0  }
0x5c: {  	s18 =	sshll.u32 s17, $0xB;
	s20 =	ssub.s32 $0x2, s17;
	[sflag:s5] =	ssyncadd.s32 $0xFFFFE000  }
0x5d: {  	[spmem:s1] =	stream.indirect.scatter.add.f32 [tilespmem:s15], [sflag:$0x2], $0x80, s14, s10, $0xb8;
	[tilespmem:$0xA940] =	vst v63  }
0x5e: {  	s17 =	simm.s32 $0x8140;
	s21 =	sshrl.u32 s20, $0x1;
	_ =	swait.ge [sflag:s5], $0x2000  }
0x5f: {  	s18 =	sadd.s32 s18, s16;
	s20 =	ssub.s32 s20, s21;
	[sflag:s5] =	ssyncset.done $0x0  }
0x60: {  	s20 =	smax.u32 s20, $0x1;
	s16 =	simm.s32 $0x100;
	[sflag:s5] =	ssyncadd.s32 $0xFFFFE000  }
0x61: {  	[spmem:s1] =	stream.indirect.scatter.add.f32 [tilespmem:s17], [sflag:$0x2], $0x80, s16, s10, $0xb8;
	[tilespmem:$0xA940] =	vst v63  }
0x62: {  	p0 =	sne.s32 s19, $0x0;
	s21 =	sadd.s32 $0xFFFFFFFF, s20;
	_ =	swait.ge [sflag:s5], $0x2000  }
0x63: {  	s22 =	simm.s32 @!p0 $0x1C02;
	p1 =	sne.s32 s21, $0x0;
	[sflag:s5] =	ssyncset.done $0x0  }
.Ltmp0:
0x64: {  	s19 =	sshrl.u32 @!p0 s1, $0x3;
	[sflag:s5] =	ssyncadd.s32 $0xFFFFE000;
	(pc) =	sbr.rel @!p1 .LBB2_2-.Ltmp0, $4  }
0x65: {  	s18 =	sadd.s32 $0x2C600, s18;
	s20 =	simm.s32 @!p0 $0x2;
	[bflag:$0x0] =	sbarrier.arrive $0xFFFF  }
0x66: {  	[hbm:s18], [sflag:s22] =	dma.local @!p0 [spmem:s19], $0x800  }
0x67: {  	_ =	swait.ge @!p0 [sflag:s20], $0x800  }
0x68: {  	[sflag:s20] =	ssyncset.done @!p0 $0x0  }
.LBB2_1:
0x69: {  	s21 =	sadd.s32 $0xFFFFFFFF, s21;
	[sflag:s20] =	ssyncadd.s32 @!p0 $0xFFFFF800  }
0x6a: {  	[tilespmem:$0xA160] =	vst v0;
	p1 =	sne.s32 s21, $0x0  }
0x6b: {  	[tilespmem:$0xA170] =	vst v0  }
0x6c: {  	[tilespmem:$0xA180] =	vst v0  }
0x6d: {  	[tilespmem:$0xA190] =	vst v0  }
0x6e: {  	[tilespmem:$0xA1A0] =	vst v0  }
0x6f: {  	[tilespmem:$0xA1B0] =	vst v0  }
0x70: {  	[tilespmem:$0xA1C0] =	vst v0  }
0x71: {  	[tilespmem:$0xA1D0] =	vst v0  }
0x72: {  	[tilespmem:$0xA1E0] =	vst v0  }
0x73: {  	[tilespmem:$0xA1F0] =	vst v0  }
0x74: {  	[tilespmem:$0xA200] =	vst v0  }
0x75: {  	[tilespmem:$0xA140] =	vst v0  }
0x76: {  	[tilespmem:$0xA530] =	vst v0  }
0x77: {  	[tilespmem:$0xA520] =	vst v0  }
0x78: {  	[tilespmem:$0xA510] =	vst v0  }
0x79: {  	[tilespmem:$0xA500] =	vst v0  }
0x7a: {  	[tilespmem:$0xA4F0] =	vst v0  }
0x7b: {  	[tilespmem:$0xA4E0] =	vst v0  }
0x7c: {  	[tilespmem:$0xA4D0] =	vst v0  }
0x7d: {  	[tilespmem:$0xA4C0] =	vst v0  }
0x7e: {  	[tilespmem:$0xA4B0] =	vst v0  }
0x7f: {  	[tilespmem:$0xA4A0] =	vst v0  }
0x80: {  	[tilespmem:$0xA490] =	vst v0  }
0x81: {  	[tilespmem:$0xA480] =	vst v0  }
0x82: {  	[tilespmem:$0xA470] =	vst v0  }
0x83: {  	[tilespmem:$0xA460] =	vst v0  }
0x84: {  	[tilespmem:$0xA450] =	vst v0  }
0x85: {  	[tilespmem:$0xA440] =	vst v0  }
0x86: {  	[tilespmem:$0xA420] =	vst v0  }
0x87: {  	[tilespmem:$0xA430] =	vst v0  }
0x88: {  	[tilespmem:$0xA410] =	vst v0  }
0x89: {  	[tilespmem:$0xA400] =	vst v0  }
0x8a: {  	[tilespmem:$0xA3F0] =	vst v0  }
0x8b: {  	[tilespmem:$0xA3E0] =	vst v0  }
0x8c: {  	[tilespmem:$0xA3D0] =	vst v0  }
0x8d: {  	[tilespmem:$0xA3C0] =	vst v0  }
0x8e: {  	[tilespmem:$0xA3B0] =	vst v0  }
0x8f: {  	[tilespmem:$0xA3A0] =	vst v0  }
0x90: {  	[tilespmem:$0xA390] =	vst v0  }
0x91: {  	[tilespmem:$0xA380] =	vst v0  }
0x92: {  	[tilespmem:$0xA370] =	vst v0  }
0x93: {  	[tilespmem:$0xA360] =	vst v0  }
0x94: {  	[tilespmem:$0xA350] =	vst v0  }
0x95: {  	[tilespmem:$0xA340] =	vst v0  }
0x96: {  	[tilespmem:$0xA330] =	vst v0  }
0x97: {  	[tilespmem:$0xA320] =	vst v0  }
0x98: {  	[tilespmem:$0xA310] =	vst v0  }
0x99: {  	[tilespmem:$0xA300] =	vst v0  }
0x9a: {  	[tilespmem:$0xA2F0] =	vst v0  }
0x9b: {  	[tilespmem:$0xA2E0] =	vst v0  }
0x9c: {  	[tilespmem:$0xA2D0] =	vst v0  }
0x9d: {  	[tilespmem:$0xA2C0] =	vst v0  }
0x9e: {  	[tilespmem:$0xA2B0] =	vst v0  }
0x9f: {  	[tilespmem:$0xA2A0] =	vst v0  }
0xa0: {  	[tilespmem:$0xA290] =	vst v0  }
0xa1: {  	[tilespmem:$0xA280] =	vst v0  }
0xa2: {  	[tilespmem:$0xA270] =	vst v0  }
0xa3: {  	[tilespmem:$0xA260] =	vst v0  }
0xa4: {  	[tilespmem:$0xA250] =	vst v0  }
0xa5: {  	[tilespmem:$0xA240] =	vst v0  }
0xa6: {  	[tilespmem:$0xA230] =	vst v0  }
0xa7: {  	[tilespmem:$0xA220] =	vst v0  }
0xa8: {  	[tilespmem:$0xA210] =	vst v0  }
0xa9: {  	[tilespmem:$0xA150] =	vst v0  }
0xaa: {  	[spmem:s3] =	stream.linear.scatter [tilespmem:s4], [sflag:$0x2], $0x400, $0x38;
	[tilespmem:$0xA940] =	vst v63  }
0xab: {  	_ =	swait.ge [sflag:s5], $0x400  }
0xac: {  	[sflag:s5] =	ssyncset.done $0x0  }
0xad: {  	[sflag:s5] =	ssyncadd.s32 $0xFFFFFC00  }
0xae: {  	[bflag:$0x0] =	sbarrier.arrive $0xFFFF  }
0xaf: {  	[tilespmem:s2], [sflag:$0x2] =	stream.linear.gather [hbm4b:s6+s2], $0x140, $0x38;
	[tilespmem:$0xA940] =	vst v63  }
0xb0: {  	_ =	swait.ge [sflag:s5], $0x140  }
0xb1: {  	[sflag:s5] =	ssyncset.done $0x0  }
0xb2: {  	[sflag:s5] =	ssyncadd.s32 $0xFFFFFEC0  }
0xb3: {  	[tilespmem:s8], [sflag:$0x1] =	stream.linear.gather [hbm4b:s7+s2], $0xA000, $0x38;
	[tilespmem:$0xA940] =	vst v63  }
0xb4: {  	_ =	swait.ge [sflag:s9], $0xA000  }
0xb5: {  	[sflag:s9] =	ssyncset.done $0x0  }
0xb6: {  	[sflag:s9] =	ssyncadd.s32 $0xFFFF6000  }
0xb7: {  	[spmem:s1] =	stream.indirect.scatter.add.f32 [tilespmem:s8], [sflag:$0x2], $0x80, s2, s10, $0xb8;
	[tilespmem:$0xA940] =	vst v63  }
0xb8: {  	_ =	swait.ge [sflag:s5], $0x2000  }
0xb9: {  	[sflag:s5] =	ssyncset.done $0x0  }
0xba: {  	[sflag:s5] =	ssyncadd.s32 $0xFFFFE000  }
0xbb: {  	[spmem:s1] =	stream.indirect.scatter.add.f32 [tilespmem:s11], [sflag:$0x2], $0x80, s10, s10, $0xb8;
	[tilespmem:$0xA940] =	vst v63  }
0xbc: {  	_ =	swait.ge [sflag:s5], $0x2000  }
0xbd: {  	[sflag:s5] =	ssyncset.done $0x0  }
0xbe: {  	[sflag:s5] =	ssyncadd.s32 $0xFFFFE000  }
0xbf: {  	[spmem:s1] =	stream.indirect.scatter.add.f32 [tilespmem:s13], [sflag:$0x2], $0x80, s12, s10, $0xb8;
	[tilespmem:$0xA940] =	vst v63  }
0xc0: {  	_ =	swait.ge [sflag:s5], $0x2000  }
0xc1: {  	[sflag:s5] =	ssyncset.done $0x0  }
0xc2: {  	[sflag:s5] =	ssyncadd.s32 $0xFFFFE000  }
0xc3: {  	[spmem:s1] =	stream.indirect.scatter.add.f32 [tilespmem:s15], [sflag:$0x2], $0x80, s14, s10, $0xb8;
	[tilespmem:$0xA940] =	vst v63  }
0xc4: {  	_ =	swait.ge [sflag:s5], $0x2000  }
0xc5: {  	[sflag:s5] =	ssyncset.done $0x0  }
0xc6: {  	[sflag:s5] =	ssyncadd.s32 $0xFFFFE000  }
0xc7: {  	[spmem:s1] =	stream.indirect.scatter.add.f32 [tilespmem:s17], [sflag:$0x2], $0x80, s16, s10, $0xb8;
	[tilespmem:$0xA940] =	vst v63  }
0xc8: {  	_ =	swait.ge [sflag:s5], $0x2000  }
0xc9: {  	[sflag:s5] =	ssyncset.done $0x0  }
.Ltmp1:
0xca: {  	[sflag:s5] =	ssyncadd.s32 $0xFFFFE000;
	(pc) =	sbr.rel @p1 .LBB2_1-.Ltmp1, $4  }
0xcb: {  	[bflag:$0x0] =	sbarrier.arrive $0xFFFF  }
0xcc: {  	[hbm:s18], [sflag:s22] =	dma.local @!p0 [spmem:s19], $0x800  }
0xcd: {  	_ =	swait.ge @!p0 [sflag:s20], $0x800  }
0xce: {  	[sflag:s20] =	ssyncset.done @!p0 $0x0  }
.LBB2_2:
0xcf: {  	[sflag:s20] =	ssyncadd.s32 @!p0 $0xFFFFF800  }
0xd0: {  	_ =	sfence.sel $0x180000  }
0xd1: {  	[bflag:$0x0] =	sbarrier.arrive $0xFFFF  }
0xd2: {  	_ =	strace $0x90000053  }
0xd3: {  	s0 =	sadd.s32 @!p0 $0x100000, s0;
	[bflag:$0x2] =	sbarrier.arrive $0xFFFF  }
0xd4: {  	[sflag:s0] =	ssyncadd.tile.s32 @!p0 $0x1;
	_ =	shalt  }
.Lfunc_end2:
_tile_overlayer_lowered:
.L_overlay_start_2:
0xd5: {  	(tag) =	ssettag $0x2  }
0xd6: {  	s0 =	rddreg [dreg:$0x0];
	s2 =	stileid.u32  }
0xd7: {  	s1 =	rddreg [dreg:$0x1];
	p0 =	sne.s32 s2, $0x0  }
0xd8: {  	s3 =	rddreg [dreg:$0x2];
	[bflag:$0x3] =	sbarrier.arrive $0xFFFF;
	s2 =	simm.s32 @!p0 $0x1C02  }
0xd9: {  	[timem:s3], [sflag:s2] =	dma.local @!p0 [hbm:s0], s1  }
0xda: {  	s0 =	simm.s32 @!p0 $0x2  }
0xdb: {  	_ =	swait.ge @!p0 [sflag:s0], s1  }
0xdc: {  	s1 =	ssub.s32 @!p0 $0x0, s1;
	[sflag:s0] =	ssyncset.done @!p0 $0x0  }
0xdd: {  	[sflag:s0] =	ssyncadd.s32 @!p0 s1  }
0xde: {  	[bflag:$0x3] =	sbarrier.arrive $0xFFFF  }
0xdf: {  	_ =	shalt  }

</sc_bundles>
